<compile_context>
chip_gen: v7x
topology: tpu7x:2x2x1
jax: 0.10.2.dev20260603
libtpu: 0.0.44.dev20260713+nightly
codegen_flags: <defaults>
</compile_context>

<pallas_src>
import jax
import jax.numpy as jnp
from jax import lax
from jax.experimental import pallas as pl
from jax.experimental.pallas import tpu as pltpu
from jax.experimental.pallas import tpu_sc as plsc

N = 50000
E = 800000
D_IN = 1433
H = 16
C = 7
K = 4

NC = 2
NS = 16
NW = NC * NS
B = 256
EP = 802816
EW = EP // NW
NWIN = EW // B
CHUNK = 128
NCHUNK = B // CHUNK
CH = 1568
NP = NW * CH
ZB = 392
U = 8



def _coeff_body(p_ref, o_ref):
    u = p_ref[...]
    blk2 = u.shape[0]
    outs = []
    for e in range(2):
        b00 = (1.0 - u[:, 2 * e])[:, None]
        b01 = u[:, 2 * e][:, None]
        b10 = (1.0 - u[:, 2 * e + 1])[:, None]
        b11 = u[:, 2 * e + 1][:, None]
        outs += [jnp.broadcast_to(b00 * b10, (blk2, H)),
                 jnp.broadcast_to(b00 * b11, (blk2, H)),
                 jnp.broadcast_to(b01 * b10, (blk2, H)),
                 jnp.broadcast_to(b01 * b11, (blk2, H))]
    o_ref[...] = jnp.concatenate(outs, axis=1)


def _coeff(pseudo_p):
    blk2 = 4096
    grid = (EP // 2) // blk2
    return pl.pallas_call(
        _coeff_body,
        grid=(grid,),
        in_specs=[pl.BlockSpec((blk2, 4), lambda i: (i, 0))],
        out_specs=pl.BlockSpec((blk2, 2 * K * H), lambda i: (i, 0)),
        out_shape=jax.ShapeDtypeStruct((EP // 2, 2 * K * H), jnp.float32),
    )(pseudo_p)


def _mm_body(x_ref, w_ref, o_ref):
    o_ref[...] = jnp.dot(x_ref[...], w_ref[...],
                         preferred_element_type=jnp.float32)


def _matmul1(x, w1f):
    bm = 1000
    grid = N // bm
    return pl.pallas_call(
        _mm_body,
        grid=(grid,),
        in_specs=[pl.BlockSpec((bm, D_IN), lambda i: (i, 0)),
                  pl.BlockSpec((D_IN, K * H), lambda i: (0, 0))],
        out_specs=pl.BlockSpec((bm, K * H), lambda i: (i, 0)),
        out_shape=jax.ShapeDtypeStruct((N, K * H), jnp.float32),
    )(x, w1f)


def _mid_body(a_ref, d_ref, w_ref, o_ref):
    a = a_ref[0] + a_ref[1]
    deg = jnp.maximum(d_ref[0] + d_ref[1], 1.0)
    h = a / deg
    h = jnp.where(h > 0, h, jnp.exp(h) - 1.0)
    o_ref[...] = jnp.dot(h, w_ref[...], preferred_element_type=jnp.float32)


def _mid(acc, deg3, w2f):
    bm = 3136
    grid = NP // bm
    return pl.pallas_call(
        _mid_body,
        grid=(grid,),
        in_specs=[pl.BlockSpec((NC, bm, H), lambda i: (0, i, 0)),
                  pl.BlockSpec((NC, bm, 1), lambda i: (0, i, 0)),
                  pl.BlockSpec((H, K * H), lambda i: (0, 0))],
        out_specs=pl.BlockSpec((bm, K * H), lambda i: (i, 0)),
        out_shape=jax.ShapeDtypeStruct((NP, K * H), jnp.float32),
    )(acc, deg3, w2f)


def _final_body(a_ref, d_ref, o_ref):
    a = a_ref[0] + a_ref[1]
    deg = jnp.maximum(d_ref[0] + d_ref[1], 1.0)
    z = a[:, :C] / deg
    m = jnp.max(z, axis=1, keepdims=True)
    z = z - m
    o_ref[...] = z - jnp.log(jnp.sum(jnp.exp(z), axis=1, keepdims=True))


def _final(acc, deg3):
    bm = 2000
    grid = N // bm
    return pl.pallas_call(
        _final_body,
        grid=(grid,),
        in_specs=[pl.BlockSpec((NC, bm, H), lambda i: (0, i, 0)),
                  pl.BlockSpec((NC, bm, 1), lambda i: (0, i, 0))],
        out_specs=pl.BlockSpec((bm, C), lambda i: (i, 0)),
        out_shape=jax.ShapeDtypeStruct((N, C), jnp.float32),
    )(acc, deg3)



def _sc_edge_pass(xw, src2d, dst2d, coeff, with_deg):
    mesh = plsc.VectorSubcoreMesh(
        core_axis_name="c", subcore_axis_name="s", num_cores=NC,
        num_subcores=NS)

    out_type = [jax.ShapeDtypeStruct((NC, NP, H), jnp.float32)]
    scratch = [
        pltpu.VMEM_SHARED((NP, H), jnp.float32),
        pltpu.VMEM((NCHUNK, CHUNK), jnp.int32),
        pltpu.VMEM((NCHUNK, CHUNK), jnp.int32),
        pltpu.VMEM((B // 2, 2 * K * H), jnp.float32),
        pltpu.VMEM((B, K * H), jnp.float32),
        pltpu.VMEM((B, H), jnp.float32),
        pltpu.VMEM((ZB, H), jnp.float32),
        pltpu.SemaphoreType.DMA,
    ]
    if with_deg:
        out_type.append(jax.ShapeDtypeStruct((NC * NP,), jnp.float32))
        scratch += [
            pltpu.VMEM_SHARED((NP,), jnp.float32),
            pltpu.VMEM((CHUNK,), jnp.float32),
            pltpu.VMEM((ZB,), jnp.float32),
        ]

    def body(xw_h, src_h, dst_h, co_h, acc_h, *rest):
        if with_deg:
            (deg_h, acc_sh, src_v, dst_v, co_v, rows_v, msg_v, z_v, sem,
             deg_sh, ones_v, dz_v) = rest
        else:
            (acc_sh, src_v, dst_v, co_v, rows_v, msg_v, z_v, sem) = rest
            deg_h = deg_sh = ones_v = dz_v = None

        cid = lax.axis_index("c")
        sid = lax.axis_index("s")
        wid = sid * NC + cid

        zeros16 = jnp.zeros((16,), jnp.float32)
        ones16 = jnp.ones((16,), jnp.float32)

        def zrow(i, c):
            z_v[i] = zeros16
            return c
        lax.fori_loop(0, ZB, zrow, 0)

        if with_deg:
            def dzrow(i, c):
                off = jnp.minimum(i * 16, ZB - 16)
                dz_v[pl.ds(off, 16)] = zeros16
                return c
            lax.fori_loop(0, ZB // 16 + 1, dzrow, 0)

            def onerow(i, c):
                ones_v[pl.ds(i * 16, 16)] = ones16
                return c
            lax.fori_loop(0, CHUNK // 16, onerow, 0)

        for part in range(2 * CH // ZB):
            off = sid * 2 * CH + part * ZB
            pltpu.sync_copy(z_v, acc_sh.at[pl.ds(off, ZB)])
            if with_deg:
                pltpu.sync_copy(dz_v, deg_sh.at[pl.ds(off, ZB)])
        plsc.subcore_barrier()

        def window(w, carry):
            ebase = wid * EW + w * B
            rbase = pl.multiple_of(ebase // CHUNK, NCHUNK)
            pltpu.sync_copy(src_h.at[pl.ds(rbase, NCHUNK)], src_v)
            pltpu.sync_copy(dst_h.at[pl.ds(rbase, NCHUNK)], dst_v)
            pltpu.sync_copy(
                co_h.at[pl.ds(pl.multiple_of(ebase // 2, B // 2), B // 2)],
                co_v)

            descs = []
            for j in range(NCHUNK):
                descs.append(pltpu.async_copy(
                    xw_h.at[src_v.at[j]],
                    rows_v.at[pl.ds(j * CHUNK, CHUNK)], sem))
            for d in descs:
                d.wait()

            def mixb(i, c):
                i0 = i * (U // 2)
                for u in range(U // 2):
                    ii = i0 + u
                    for p in range(2):
                        b = 2 * ii + p
                        cb = p * K * H
                        p0 = (rows_v[b, pl.ds(0, H)]
                              * co_v[ii, pl.ds(cb, H)])
                        p1 = (rows_v[b, pl.ds(H, H)]
                              * co_v[ii, pl.ds(cb + H, H)])
                        p2 = (rows_v[b, pl.ds(2 * H, H)]
                              * co_v[ii, pl.ds(cb + 2 * H, H)])
                        p3 = (rows_v[b, pl.ds(3 * H, H)]
                              * co_v[ii, pl.ds(cb + 3 * H, H)])
                        msg_v[b] = (p0 + p1) + (p2 + p3)
                return c
            lax.fori_loop(0, B // U, mixb, 0)

            for j in range(NCHUNK):
                pltpu.sync_copy(msg_v.at[pl.ds(j * CHUNK, CHUNK)],
                                acc_sh.at[dst_v.at[j]], add=True)
                if with_deg:
                    pltpu.sync_copy(ones_v, deg_sh.at[dst_v.at[j]], add=True)
            return carry

        lax.fori_loop(0, NWIN, window, 0)
        plsc.subcore_barrier()

        for half in range(2):
            off = (sid * 2 + half) * CH
            pltpu.sync_copy(acc_sh.at[pl.ds(off, CH)],
                            acc_h.at[cid, pl.ds(off, CH)])
            if with_deg:
                doff = pl.multiple_of(cid * NP + off, 8)
                pltpu.sync_copy(deg_sh.at[pl.ds(off, CH)],
                                deg_h.at[pl.ds(doff, CH)])

    fn = pl.kernel(body, out_type=tuple(out_type), mesh=mesh,
                   scratch_types=tuple(scratch),
                   compiler_params=pltpu.CompilerParams(
                       use_tc_tiling_on_sc=False))
    return fn(xw, src2d, dst2d, coeff)



def kernel(x, edge_index, pseudo, W1, W2):
    src = edge_index[0]
    dst = edge_index[1]

    pad = EP - E
    pad_dst = N + (jnp.arange(pad, dtype=jnp.int32) % (NP - N))
    src_p = jnp.concatenate([src, jnp.zeros((pad,), jnp.int32)])
    dst_p = jnp.concatenate([dst, pad_dst])
    pseudo_p = jnp.concatenate([pseudo, jnp.zeros((pad, 2), jnp.float32)])

    src2d = src_p.reshape(EP // CHUNK, CHUNK)
    dst2d = dst_p.reshape(EP // CHUNK, CHUNK)

    coeff = _coeff(pseudo_p.reshape(EP // 2, 4))

    w1f = W1.transpose(1, 0, 2).reshape(D_IN, K * H)
    xw1 = _matmul1(x, w1f)

    acc1, deg = _sc_edge_pass(xw1, src2d, dst2d, coeff, with_deg=True)
    deg3 = deg.reshape(NC, NP, 1)

    w2p = jnp.pad(W2, ((0, 0), (0, 0), (0, H - C)))
    w2f = w2p.transpose(1, 0, 2).reshape(H, K * H)
    hw2 = _mid(acc1, deg3, w2f)

    acc2 = _sc_edge_pass(hw2, src2d, dst2d, coeff, with_deg=False)
    if isinstance(acc2, (tuple, list)):
        acc2 = acc2[0]

    return _final(acc2, deg3)

# --- scband reference (transcript-rebuilt; emitter-appended) ---
"""Pipeline reference for scband-net-9749575762300 (READ-ONLY COPY).

The authoritative reference and input builder live on the scoring server;
editing this copy changes nothing except your own understanding.
"""

import jax, jax.numpy as jnp
import numpy as np

N = 50000
E = 800000
D_IN = 1433
H = 16
C = 7
K = 4  # kernel_size [2,2], dim=2 -> 4 kernel weight matrices


def setup_inputs(seed: int = 0) -> dict:
    key = jax.random.key(seed)
    k1, k2, k3, k4, k5 = jax.random.split(key, 5)
    x = jax.random.normal(k1, (N, D_IN), dtype=jnp.float32)
    edge_index = jax.random.randint(k2, (2, E), 0, N, dtype=jnp.int32)
    pseudo = jax.random.uniform(k3, (E, 2), dtype=jnp.float32)  # pseudo-coordinates in [0,1]
    W1 = jax.random.normal(k4, (K, D_IN, H), dtype=jnp.float32) * (1.0 / np.sqrt(D_IN))
    W2 = jax.random.normal(k5, (K, H, C), dtype=jnp.float32) * (1.0 / np.sqrt(H))
    return {"x": x, "edge_index": edge_index, "pseudo": pseudo, "W1": W1, "W2": W2}


def spline_basis(pseudo):
    # degree-1 open B-splines, kernel_size=[2,2]: per-dim bases (1-u, u), tensor product -> 4 coeffs per edge
    u = pseudo
    b0 = 1.0 - u
    b1 = u
    coeff = jnp.stack([
        b0[:, 0] * b0[:, 1],
        b0[:, 0] * b1[:, 1],
        b1[:, 0] * b0[:, 1],
        b1[:, 0] * b1[:, 1],
    ], axis=1)  # [E, 4]
    return coeff


def spline_conv(x, edge_index, coeff, W):
    # x: [N, F_in], W: [K, F_in, F_out], coeff: [E, K]
    src = edge_index[0]
    dst = edge_index[1]
    n = x.shape[0]
    xw = jnp.einsum('nf,kfo->nko', x, W)            # [N, K, F_out]
    msg = (xw[src] * coeff[:, :, None]).sum(axis=1)  # gather + spline-weighted mix -> [E, F_out]
    agg = jax.ops.segment_sum(msg, dst, num_segments=n)  # scatter-add over dst nodes
    deg = jax.ops.segment_sum(jnp.ones((edge_index.shape[1],), jnp.float32), dst, num_segments=n)
    return agg / jnp.clip(deg, 1.0)[:, None]


def reference(x, edge_index, pseudo, W1, W2):
    coeff = spline_basis(pseudo)
    h = jax.nn.elu(spline_conv(x, edge_index, coeff, W1))
    # F.dropout with training=False is identity (module run in eval mode)
    out = spline_conv(h, edge_index, coeff, W2)
    return jax.nn.log_softmax(out, axis=-1)

if __name__ == "__main__":
    import jax
    _d = setup_inputs()
    print(jax.jit(kernel)(*tuple(_d.values())))

</pallas_src>

<mosaic_0001>
#map = affine_map<(d0, d1) -> (0, 0)>
#map1 = affine_map<(d0, d1) -> (0, 0, 0)>
module attributes {stable_mosaic.version = 14 : i64} {
  func.func @body(%arg0: i32, %arg1: i32, %arg2: memref<50176x64xf32, #tpu.memory_space<hbm>>, %arg3: memref<6272x128xi32, #tpu.memory_space<hbm>>, %arg4: memref<6272x128xi32, #tpu.memory_space<hbm>>, %arg5: memref<401408x128xf32, #tpu.memory_space<hbm>>, %arg6: memref<2x50176x16xf32, #tpu.memory_space<hbm>>, %arg7: memref<50176x16xf32, #tpu.memory_space<vmem_shared>>, %arg8: memref<2x128xi32, #tpu.memory_space<vmem>>, %arg9: memref<2x128xi32, #tpu.memory_space<vmem>>, %arg10: memref<128x128xf32, #tpu.memory_space<vmem>>, %arg11: memref<256x64xf32, #tpu.memory_space<vmem>>, %arg12: memref<256x16xf32, #tpu.memory_space<vmem>>, %arg13: memref<392x16xf32, #tpu.memory_space<vmem>>, %arg14: memref<!tpu.dma_semaphore, #tpu.memory_space<semaphore_mem>>) attributes {dimension_semantics = [#tpu.dimension_semantics<core_parallel>, #tpu.dimension_semantics<subcore_parallel>], iteration_bounds = array<i64: 2, 16>, scalar_prefetch = 0 : i64, scratch_operands = 8 : i64, tpu.core_type = #tpu.core_type<sc_vector_subcore>, window_params = [{transform_indices = #map}, {transform_indices = #map}, {transform_indices = #map}, {transform_indices = #map}, {transform_indices = #map1}]} {
    %mul3A = arith.constant 2 : i32
    %mul3A_0 = arith.muli %arg1, %mul3A : i32
    %add3A = arith.addi %mul3A_0, %arg0 : i32
    %broadcast_in_dim3A = arith.constant 0.000000e+00 : f32
    %broadcast_in_dim3A_1 = vector.broadcast %broadcast_in_dim3A : f32 to vector<16xf32>
    %broadcast_in_dim3A_2 = arith.constant 1.000000e+00 : f32
    %broadcast_in_dim3A_3 = vector.broadcast %broadcast_in_dim3A_2 : f32 to vector<16xf32>
    %scan3A = arith.constant 0 : i32
    %scan3A_4 = arith.constant 0 : i32
    %scan3A_5 = arith.constant 392 : i32
    %scan3A_6 = arith.addi %scan3A_4, %scan3A_5 : i32
    %scan3A_7 = arith.constant 1 : i32
    scf.for %scan3A_76 = %scan3A_4 to %scan3A_6 step %scan3A_7  : i32 {
      %swap3A = arith.index_cast %scan3A_76 : i32 to index
      %swap3A_77 = arith.constant 0 : index
      %swap3A_78 = tpu.vector_load %arg13[%swap3A, %swap3A_77] {strides = array<i32>} : memref<392x16xf32, #tpu.memory_space<vmem>>, vector<1x16xf32>,
      %swap3A_79 = vector.shape_cast %swap3A_78 : vector<1x16xf32> to vector<16xf32>
      %swap3A_80 = vector.shape_cast %broadcast_in_dim3A_1 : vector<16xf32> to vector<1x16xf32>
      tpu.vector_store %arg13[%swap3A, %swap3A_77], %swap3A_80 {strides = array<i32>} : memref<392x16xf32, #tpu.memory_space<vmem>>, vector<1x16xf32>,
    }
    %scan3A_8 = arith.constant 392 : i32
    %mul3A_9 = arith.constant 2 : i32
    %mul3A_10 = arith.muli %arg1, %mul3A_9 : i32
    %mul3A_11 = arith.constant 1568 : i32
    %mul3A_12 = arith.muli %mul3A_10, %mul3A_11 : i32
    %add3A_13 = arith.constant 0 : i32
    %add3A_14 = arith.addi %mul3A_12, %add3A_13 : i32
    "tpu.region"() ({
      %run_scoped3A = tpu.sem_alloc : memref<!tpu.dma_semaphore, #tpu.memory_space<semaphore_mem>>
      %dma_start3A = arith.constant 0 : i32
      %dma_start3A_76 = tpu.memref_slice %arg7[%add3A_14, %dma_start3A] : memref<50176x16xf32, #tpu.memory_space<vmem_shared>> -> memref<392x16xf32, #tpu.memory_space<vmem_shared>>
      %dma_start3A_77 = arith.constant 0 : i32
      %dma_start3A_78 = tpu.memref_slice %arg7[%add3A_14, %dma_start3A_77] : memref<50176x16xf32, #tpu.memory_space<vmem_shared>> -> memref<392x16xf32, #tpu.memory_space<vmem_shared>>
      tpu.enqueue_dma source(%arg13 : memref<392x16xf32, #tpu.memory_space<vmem>>) target(%dma_start3A_78 : memref<392x16xf32, #tpu.memory_space<vmem_shared>>) target_semaphore(%run_scoped3A : memref<!tpu.dma_semaphore, #tpu.memory_space<semaphore_mem>>)
      %dma_wait3A = arith.constant 0 : i32
      %dma_wait3A_79 = tpu.memref_slice %arg7[%add3A_14, %dma_wait3A] : memref<50176x16xf32, #tpu.memory_space<vmem_shared>> -> memref<392x16xf32, #tpu.memory_space<vmem_shared>>
      %dma_wait3A_80 = arith.constant 0 : i32
      %dma_wait3A_81 = tpu.memref_slice %arg7[%add3A_14, %dma_wait3A_80] : memref<50176x16xf32, #tpu.memory_space<vmem_shared>> -> memref<392x16xf32, #tpu.memory_space<vmem_shared>>
      tpu.wait_dma2 semaphore(%run_scoped3A : memref<!tpu.dma_semaphore, #tpu.memory_space<semaphore_mem>>) src(%arg13 : memref<392x16xf32, #tpu.memory_space<vmem>>) dst(%dma_wait3A_81 : memref<392x16xf32, #tpu.memory_space<vmem_shared>>)
      tpu.yield
    }) : () -> ()
    %mul3A_15 = arith.constant 2 : i32
    %mul3A_16 = arith.muli %arg1, %mul3A_15 : i32
    %mul3A_17 = arith.constant 1568 : i32
    %mul3A_18 = arith.muli %mul3A_16, %mul3A_17 : i32
    %add3A_19 = arith.constant 392 : i32
    %add3A_20 = arith.addi %mul3A_18, %add3A_19 : i32
    "tpu.region"() ({
      %run_scoped3A = tpu.sem_alloc : memref<!tpu.dma_semaphore, #tpu.memory_space<semaphore_mem>>
      %dma_start3A = arith.constant 0 : i32
      %dma_start3A_76 = tpu.memref_slice %arg7[%add3A_20, %dma_start3A] : memref<50176x16xf32, #tpu.memory_space<vmem_shared>> -> memref<392x16xf32, #tpu.memory_space<vmem_shared>>
      %dma_start3A_77 = arith.constant 0 : i32
      %dma_start3A_78 = tpu.memref_slice %arg7[%add3A_20, %dma_start3A_77] : memref<50176x16xf32, #tpu.memory_space<vmem_shared>> -> memref<392x16xf32, #tpu.memory_space<vmem_shared>>
      tpu.enqueue_dma source(%arg13 : memref<392x16xf32, #tpu.memory_space<vmem>>) target(%dma_start3A_78 : memref<392x16xf32, #tpu.memory_space<vmem_shared>>) target_semaphore(%run_scoped3A : memref<!tpu.dma_semaphore, #tpu.memory_space<semaphore_mem>>)
      %dma_wait3A = arith.constant 0 : i32
      %dma_wait3A_79 = tpu.memref_slice %arg7[%add3A_20, %dma_wait3A] : memref<50176x16xf32, #tpu.memory_space<vmem_shared>> -> memref<392x16xf32, #tpu.memory_space<vmem_shared>>
      %dma_wait3A_80 = arith.constant 0 : i32
      %dma_wait3A_81 = tpu.memref_slice %arg7[%add3A_20, %dma_wait3A_80] : memref<50176x16xf32, #tpu.memory_space<vmem_shared>> -> memref<392x16xf32, #tpu.memory_space<vmem_shared>>
      tpu.wait_dma2 semaphore(%run_scoped3A : memref<!tpu.dma_semaphore, #tpu.memory_space<semaphore_mem>>) src(%arg13 : memref<392x16xf32, #tpu.memory_space<vmem>>) dst(%dma_wait3A_81 : memref<392x16xf32, #tpu.memory_space<vmem_shared>>)
      tpu.yield
    }) : () -> ()
    %mul3A_21 = arith.constant 2 : i32
    %mul3A_22 = arith.muli %arg1, %mul3A_21 : i32
    %mul3A_23 = arith.constant 1568 : i32
    %mul3A_24 = arith.muli %mul3A_22, %mul3A_23 : i32
    %add3A_25 = arith.constant 784 : i32
    %add3A_26 = arith.addi %mul3A_24, %add3A_25 : i32
    "tpu.region"() ({
      %run_scoped3A = tpu.sem_alloc : memref<!tpu.dma_semaphore, #tpu.memory_space<semaphore_mem>>
      %dma_start3A = arith.constant 0 : i32
      %dma_start3A_76 = tpu.memref_slice %arg7[%add3A_26, %dma_start3A] : memref<50176x16xf32, #tpu.memory_space<vmem_shared>> -> memref<392x16xf32, #tpu.memory_space<vmem_shared>>
      %dma_start3A_77 = arith.constant 0 : i32
      %dma_start3A_78 = tpu.memref_slice %arg7[%add3A_26, %dma_start3A_77] : memref<50176x16xf32, #tpu.memory_space<vmem_shared>> -> memref<392x16xf32, #tpu.memory_space<vmem_shared>>
      tpu.enqueue_dma source(%arg13 : memref<392x16xf32, #tpu.memory_space<vmem>>) target(%dma_start3A_78 : memref<392x16xf32, #tpu.memory_space<vmem_shared>>) target_semaphore(%run_scoped3A : memref<!tpu.dma_semaphore, #tpu.memory_space<semaphore_mem>>)
      %dma_wait3A = arith.constant 0 : i32
      %dma_wait3A_79 = tpu.memref_slice %arg7[%add3A_26, %dma_wait3A] : memref<50176x16xf32, #tpu.memory_space<vmem_shared>> -> memref<392x16xf32, #tpu.memory_space<vmem_shared>>
      %dma_wait3A_80 = arith.constant 0 : i32
      %dma_wait3A_81 = tpu.memref_slice %arg7[%add3A_26, %dma_wait3A_80] : memref<50176x16xf32, #tpu.memory_space<vmem_shared>> -> memref<392x16xf32, #tpu.memory_space<vmem_shared>>
      tpu.wait_dma2 semaphore(%run_scoped3A : memref<!tpu.dma_semaphore, #tpu.memory_space<semaphore_mem>>) src(%arg13 : memref<392x16xf32, #tpu.memory_space<vmem>>) dst(%dma_wait3A_81 : memref<392x16xf32, #tpu.memory_space<vmem_shared>>)
      tpu.yield
    }) : () -> ()
    %mul3A_27 = arith.constant 2 : i32
    %mul3A_28 = arith.muli %arg1, %mul3A_27 : i32
    %mul3A_29 = arith.constant 1568 : i32
    %mul3A_30 = arith.muli %mul3A_28, %mul3A_29 : i32
    %add3A_31 = arith.constant 1176 : i32
    %add3A_32 = arith.addi %mul3A_30, %add3A_31 : i32
    "tpu.region"() ({
      %run_scoped3A = tpu.sem_alloc : memref<!tpu.dma_semaphore, #tpu.memory_space<semaphore_mem>>
      %dma_start3A = arith.constant 0 : i32
      %dma_start3A_76 = tpu.memref_slice %arg7[%add3A_32, %dma_start3A] : memref<50176x16xf32, #tpu.memory_space<vmem_shared>> -> memref<392x16xf32, #tpu.memory_space<vmem_shared>>
      %dma_start3A_77 = arith.constant 0 : i32
      %dma_start3A_78 = tpu.memref_slice %arg7[%add3A_32, %dma_start3A_77] : memref<50176x16xf32, #tpu.memory_space<vmem_shared>> -> memref<392x16xf32, #tpu.memory_space<vmem_shared>>
      tpu.enqueue_dma source(%arg13 : memref<392x16xf32, #tpu.memory_space<vmem>>) target(%dma_start3A_78 : memref<392x16xf32, #tpu.memory_space<vmem_shared>>) target_semaphore(%run_scoped3A : memref<!tpu.dma_semaphore, #tpu.memory_space<semaphore_mem>>)
      %dma_wait3A = arith.constant 0 : i32
      %dma_wait3A_79 = tpu.memref_slice %arg7[%add3A_32, %dma_wait3A] : memref<50176x16xf32, #tpu.memory_space<vmem_shared>> -> memref<392x16xf32, #tpu.memory_space<vmem_shared>>
      %dma_wait3A_80 = arith.constant 0 : i32
      %dma_wait3A_81 = tpu.memref_slice %arg7[%add3A_32, %dma_wait3A_80] : memref<50176x16xf32, #tpu.memory_space<vmem_shared>> -> memref<392x16xf32, #tpu.memory_space<vmem_shared>>
      tpu.wait_dma2 semaphore(%run_scoped3A : memref<!tpu.dma_semaphore, #tpu.memory_space<semaphore_mem>>) src(%arg13 : memref<392x16xf32, #tpu.memory_space<vmem>>) dst(%dma_wait3A_81 : memref<392x16xf32, #tpu.memory_space<vmem_shared>>)
      tpu.yield
    }) : () -> ()
    %mul3A_33 = arith.constant 2 : i32
    %mul3A_34 = arith.muli %arg1, %mul3A_33 : i32
    %mul3A_35 = arith.constant 1568 : i32
    %mul3A_36 = arith.muli %mul3A_34, %mul3A_35 : i32
    %add3A_37 = arith.constant 1568 : i32
    %add3A_38 = arith.addi %mul3A_36, %add3A_37 : i32
    "tpu.region"() ({
      %run_scoped3A = tpu.sem_alloc : memref<!tpu.dma_semaphore, #tpu.memory_space<semaphore_mem>>
      %dma_start3A = arith.constant 0 : i32
      %dma_start3A_76 = tpu.memref_slice %arg7[%add3A_38, %dma_start3A] : memref<50176x16xf32, #tpu.memory_space<vmem_shared>> -> memref<392x16xf32, #tpu.memory_space<vmem_shared>>
      %dma_start3A_77 = arith.constant 0 : i32
      %dma_start3A_78 = tpu.memref_slice %arg7[%add3A_38, %dma_start3A_77] : memref<50176x16xf32, #tpu.memory_space<vmem_shared>> -> memref<392x16xf32, #tpu.memory_space<vmem_shared>>
      tpu.enqueue_dma source(%arg13 : memref<392x16xf32, #tpu.memory_space<vmem>>) target(%dma_start3A_78 : memref<392x16xf32, #tpu.memory_space<vmem_shared>>) target_semaphore(%run_scoped3A : memref<!tpu.dma_semaphore, #tpu.memory_space<semaphore_mem>>)
      %dma_wait3A = arith.constant 0 : i32
      %dma_wait3A_79 = tpu.memref_slice %arg7[%add3A_38, %dma_wait3A] : memref<50176x16xf32, #tpu.memory_space<vmem_shared>> -> memref<392x16xf32, #tpu.memory_space<vmem_shared>>
      %dma_wait3A_80 = arith.constant 0 : i32
      %dma_wait3A_81 = tpu.memref_slice %arg7[%add3A_38, %dma_wait3A_80] : memref<50176x16xf32, #tpu.memory_space<vmem_shared>> -> memref<392x16xf32, #tpu.memory_space<vmem_shared>>
      tpu.wait_dma2 semaphore(%run_scoped3A : memref<!tpu.dma_semaphore, #tpu.memory_space<semaphore_mem>>) src(%arg13 : memref<392x16xf32, #tpu.memory_space<vmem>>) dst(%dma_wait3A_81 : memref<392x16xf32, #tpu.memory_space<vmem_shared>>)
      tpu.yield
    }) : () -> ()
    %mul3A_39 = arith.constant 2 : i32
    %mul3A_40 = arith.muli %arg1, %mul3A_39 : i32
    %mul3A_41 = arith.constant 1568 : i32
    %mul3A_42 = arith.muli %mul3A_40, %mul3A_41 : i32
    %add3A_43 = arith.constant 1960 : i32
    %add3A_44 = arith.addi %mul3A_42, %add3A_43 : i32
    "tpu.region"() ({
      %run_scoped3A = tpu.sem_alloc : memref<!tpu.dma_semaphore, #tpu.memory_space<semaphore_mem>>
      %dma_start3A = arith.constant 0 : i32
      %dma_start3A_76 = tpu.memref_slice %arg7[%add3A_44, %dma_start3A] : memref<50176x16xf32, #tpu.memory_space<vmem_shared>> -> memref<392x16xf32, #tpu.memory_space<vmem_shared>>
      %dma_start3A_77 = arith.constant 0 : i32
      %dma_start3A_78 = tpu.memref_slice %arg7[%add3A_44, %dma_start3A_77] : memref<50176x16xf32, #tpu.memory_space<vmem_shared>> -> memref<392x16xf32, #tpu.memory_space<vmem_shared>>
      tpu.enqueue_dma source(%arg13 : memref<392x16xf32, #tpu.memory_space<vmem>>) target(%dma_start3A_78 : memref<392x16xf32, #tpu.memory_space<vmem_shared>>) target_semaphore(%run_scoped3A : memref<!tpu.dma_semaphore, #tpu.memory_space<semaphore_mem>>)
      %dma_wait3A = arith.constant 0 : i32
      %dma_wait3A_79 = tpu.memref_slice %arg7[%add3A_44, %dma_wait3A] : memref<50176x16xf32, #tpu.memory_space<vmem_shared>> -> memref<392x16xf32, #tpu.memory_space<vmem_shared>>
      %dma_wait3A_80 = arith.constant 0 : i32
      %dma_wait3A_81 = tpu.memref_slice %arg7[%add3A_44, %dma_wait3A_80] : memref<50176x16xf32, #tpu.memory_space<vmem_shared>> -> memref<392x16xf32, #tpu.memory_space<vmem_shared>>
      tpu.wait_dma2 semaphore(%run_scoped3A : memref<!tpu.dma_semaphore, #tpu.memory_space<semaphore_mem>>) src(%arg13 : memref<392x16xf32, #tpu.memory_space<vmem>>) dst(%dma_wait3A_81 : memref<392x16xf32, #tpu.memory_space<vmem_shared>>)
      tpu.yield
    }) : () -> ()
    %mul3A_45 = arith.constant 2 : i32
    %mul3A_46 = arith.muli %arg1, %mul3A_45 : i32
    %mul3A_47 = arith.constant 1568 : i32
    %mul3A_48 = arith.muli %mul3A_46, %mul3A_47 : i32
    %add3A_49 = arith.constant 2352 : i32
    %add3A_50 = arith.addi %mul3A_48, %add3A_49 : i32
    "tpu.region"() ({
      %run_scoped3A = tpu.sem_alloc : memref<!tpu.dma_semaphore, #tpu.memory_space<semaphore_mem>>
      %dma_start3A = arith.constant 0 : i32
      %dma_start3A_76 = tpu.memref_slice %arg7[%add3A_50, %dma_start3A] : memref<50176x16xf32, #tpu.memory_space<vmem_shared>> -> memref<392x16xf32, #tpu.memory_space<vmem_shared>>
      %dma_start3A_77 = arith.constant 0 : i32
      %dma_start3A_78 = tpu.memref_slice %arg7[%add3A_50, %dma_start3A_77] : memref<50176x16xf32, #tpu.memory_space<vmem_shared>> -> memref<392x16xf32, #tpu.memory_space<vmem_shared>>
      tpu.enqueue_dma source(%arg13 : memref<392x16xf32, #tpu.memory_space<vmem>>) target(%dma_start3A_78 : memref<392x16xf32, #tpu.memory_space<vmem_shared>>) target_semaphore(%run_scoped3A : memref<!tpu.dma_semaphore, #tpu.memory_space<semaphore_mem>>)
      %dma_wait3A = arith.constant 0 : i32
      %dma_wait3A_79 = tpu.memref_slice %arg7[%add3A_50, %dma_wait3A] : memref<50176x16xf32, #tpu.memory_space<vmem_shared>> -> memref<392x16xf32, #tpu.memory_space<vmem_shared>>
      %dma_wait3A_80 = arith.constant 0 : i32
      %dma_wait3A_81 = tpu.memref_slice %arg7[%add3A_50, %dma_wait3A_80] : memref<50176x16xf32, #tpu.memory_space<vmem_shared>> -> memref<392x16xf32, #tpu.memory_space<vmem_shared>>
      tpu.wait_dma2 semaphore(%run_scoped3A : memref<!tpu.dma_semaphore, #tpu.memory_space<semaphore_mem>>) src(%arg13 : memref<392x16xf32, #tpu.memory_space<vmem>>) dst(%dma_wait3A_81 : memref<392x16xf32, #tpu.memory_space<vmem_shared>>)
      tpu.yield
    }) : () -> ()
    %mul3A_51 = arith.constant 2 : i32
    %mul3A_52 = arith.muli %arg1, %mul3A_51 : i32
    %mul3A_53 = arith.constant 1568 : i32
    %mul3A_54 = arith.muli %mul3A_52, %mul3A_53 : i32
    %add3A_55 = arith.constant 2744 : i32
    %add3A_56 = arith.addi %mul3A_54, %add3A_55 : i32
    "tpu.region"() ({
      %run_scoped3A = tpu.sem_alloc : memref<!tpu.dma_semaphore, #tpu.memory_space<semaphore_mem>>
      %dma_start3A = arith.constant 0 : i32
      %dma_start3A_76 = tpu.memref_slice %arg7[%add3A_56, %dma_start3A] : memref<50176x16xf32, #tpu.memory_space<vmem_shared>> -> memref<392x16xf32, #tpu.memory_space<vmem_shared>>
      %dma_start3A_77 = arith.constant 0 : i32
      %dma_start3A_78 = tpu.memref_slice %arg7[%add3A_56, %dma_start3A_77] : memref<50176x16xf32, #tpu.memory_space<vmem_shared>> -> memref<392x16xf32, #tpu.memory_space<vmem_shared>>
      tpu.enqueue_dma source(%arg13 : memref<392x16xf32, #tpu.memory_space<vmem>>) target(%dma_start3A_78 : memref<392x16xf32, #tpu.memory_space<vmem_shared>>) target_semaphore(%run_scoped3A : memref<!tpu.dma_semaphore, #tpu.memory_space<semaphore_mem>>)
      %dma_wait3A = arith.constant 0 : i32
      %dma_wait3A_79 = tpu.memref_slice %arg7[%add3A_56, %dma_wait3A] : memref<50176x16xf32, #tpu.memory_space<vmem_shared>> -> memref<392x16xf32, #tpu.memory_space<vmem_shared>>
      %dma_wait3A_80 = arith.constant 0 : i32
      %dma_wait3A_81 = tpu.memref_slice %arg7[%add3A_56, %dma_wait3A_80] : memref<50176x16xf32, #tpu.memory_space<vmem_shared>> -> memref<392x16xf32, #tpu.memory_space<vmem_shared>>
      tpu.wait_dma2 semaphore(%run_scoped3A : memref<!tpu.dma_semaphore, #tpu.memory_space<semaphore_mem>>) src(%arg13 : memref<392x16xf32, #tpu.memory_space<vmem>>) dst(%dma_wait3A_81 : memref<392x16xf32, #tpu.memory_space<vmem_shared>>)
      tpu.yield
    }) : () -> ()
    %barrier3A = arith.constant 0 : index
    tpu.barrier barrier_id(%barrier3A)
    %scan3A_57 = arith.constant 0 : i32
    %scan3A_58 = arith.constant 0 : i32
    %scan3A_59 = arith.constant 98 : i32
    %scan3A_60 = arith.addi %scan3A_58, %scan3A_59 : i32
    %scan3A_61 = arith.constant 1 : i32
    scf.for %scan3A_76 = %scan3A_58 to %scan3A_60 step %scan3A_61  : i32 {
      %mul3A_77 = arith.constant 25088 : i32
      %mul3A_78 = arith.muli %add3A, %mul3A_77 : i32
      %mul3A_79 = arith.constant 256 : i32
      %mul3A_80 = arith.muli %scan3A_76, %mul3A_79 : i32
      %add3A_81 = arith.addi %mul3A_78, %mul3A_80 : i32
      %jit3A = arith.constant 128 : i32
      %div3A = arith.divsi %add3A_81, %jit3A : i32
      %sign3A = arith.constant 0 : i32
      %sign3A_82 = arith.cmpi sgt, %add3A_81, %sign3A : i32
      %sign3A_83 = arith.extui %sign3A_82 : i1 to i32
      %sign3A_84 = arith.constant 0 : i32
      %sign3A_85 = arith.cmpi slt, %add3A_81, %sign3A_84 : i32
      %sign3A_86 = arith.extui %sign3A_85 : i1 to i32
      %sign3A_87 = arith.subi %sign3A_83, %sign3A_86 : i32
      %sign3A_88 = arith.constant 0 : i32
      %sign3A_89 = arith.cmpi sgt, %jit3A, %sign3A_88 : i32
      %sign3A_90 = arith.extui %sign3A_89 : i1 to i32
      %sign3A_91 = arith.constant 0 : i32
      %sign3A_92 = arith.cmpi slt, %jit3A, %sign3A_91 : i32
      %sign3A_93 = arith.extui %sign3A_92 : i1 to i32
      %sign3A_94 = arith.subi %sign3A_90, %sign3A_93 : i32
      %ne3A = arith.cmpi ne, %sign3A_87, %sign3A_94 : i32
      %rem3A = arith.remsi %add3A_81, %jit3A : i32
      %ne3A_95 = arith.constant 0 : i32
      %ne3A_96 = arith.cmpi ne, %rem3A, %ne3A_95 : i32
      %and3A = arith.andi %ne3A, %ne3A_96 : i1
      %sub3A = arith.constant 1 : i32
      %sub3A_97 = arith.subi %div3A, %sub3A : i32
      %select_n3A = arith.select %and3A, %sub3A_97, %div3A : i32
      %multiple_of3A = tpu.assume_multiple %select_n3A, 2 : i32
      "tpu.region"() ({
        %run_scoped3A_168 = tpu.sem_alloc : memref<!tpu.dma_semaphore, #tpu.memory_space<semaphore_mem>>
        %dma_start3A_169 = arith.constant 0 : i32
        %dma_start3A_170 = tpu.memref_slice %arg3[%multiple_of3A, %dma_start3A_169] : memref<6272x128xi32, #tpu.memory_space<hbm>> -> memref<2x128xi32, #tpu.memory_space<hbm>>
        %dma_start3A_171 = arith.constant 0 : i32
        %dma_start3A_172 = tpu.memref_slice %arg3[%multiple_of3A, %dma_start3A_171] : memref<6272x128xi32, #tpu.memory_space<hbm>> -> memref<2x128xi32, #tpu.memory_space<hbm>>
        tpu.enqueue_dma source(%dma_start3A_172 : memref<2x128xi32, #tpu.memory_space<hbm>>) target(%arg8 : memref<2x128xi32, #tpu.memory_space<vmem>>) target_semaphore(%run_scoped3A_168 : memref<!tpu.dma_semaphore, #tpu.memory_space<semaphore_mem>>)
        %dma_wait3A_173 = arith.constant 0 : i32
        %dma_wait3A_174 = tpu.memref_slice %arg3[%multiple_of3A, %dma_wait3A_173] : memref<6272x128xi32, #tpu.memory_space<hbm>> -> memref<2x128xi32, #tpu.memory_space<hbm>>
        %dma_wait3A_175 = arith.constant 0 : i32
        %dma_wait3A_176 = tpu.memref_slice %arg3[%multiple_of3A, %dma_wait3A_175] : memref<6272x128xi32, #tpu.memory_space<hbm>> -> memref<2x128xi32, #tpu.memory_space<hbm>>
        tpu.wait_dma2 semaphore(%run_scoped3A_168 : memref<!tpu.dma_semaphore, #tpu.memory_space<semaphore_mem>>) src(%dma_wait3A_176 : memref<2x128xi32, #tpu.memory_space<hbm>>) dst(%arg8 : memref<2x128xi32, #tpu.memory_space<vmem>>)
        tpu.yield
      }) : () -> ()
      "tpu.region"() ({
        %run_scoped3A_168 = tpu.sem_alloc : memref<!tpu.dma_semaphore, #tpu.memory_space<semaphore_mem>>
        %dma_start3A_169 = arith.constant 0 : i32
        %dma_start3A_170 = tpu.memref_slice %arg4[%multiple_of3A, %dma_start3A_169] : memref<6272x128xi32, #tpu.memory_space<hbm>> -> memref<2x128xi32, #tpu.memory_space<hbm>>
        %dma_start3A_171 = arith.constant 0 : i32
        %dma_start3A_172 = tpu.memref_slice %arg4[%multiple_of3A, %dma_start3A_171] : memref<6272x128xi32, #tpu.memory_space<hbm>> -> memref<2x128xi32, #tpu.memory_space<hbm>>
        tpu.enqueue_dma source(%dma_start3A_172 : memref<2x128xi32, #tpu.memory_space<hbm>>) target(%arg9 : memref<2x128xi32, #tpu.memory_space<vmem>>) target_semaphore(%run_scoped3A_168 : memref<!tpu.dma_semaphore, #tpu.memory_space<semaphore_mem>>)
        %dma_wait3A_173 = arith.constant 0 : i32
        %dma_wait3A_174 = tpu.memref_slice %arg4[%multiple_of3A, %dma_wait3A_173] : memref<6272x128xi32, #tpu.memory_space<hbm>> -> memref<2x128xi32, #tpu.memory_space<hbm>>
        %dma_wait3A_175 = arith.constant 0 : i32
        %dma_wait3A_176 = tpu.memref_slice %arg4[%multiple_of3A, %dma_wait3A_175] : memref<6272x128xi32, #tpu.memory_space<hbm>> -> memref<2x128xi32, #tpu.memory_space<hbm>>
        tpu.wait_dma2 semaphore(%run_scoped3A_168 : memref<!tpu.dma_semaphore, #tpu.memory_space<semaphore_mem>>) src(%dma_wait3A_176 : memref<2x128xi32, #tpu.memory_space<hbm>>) dst(%arg9 : memref<2x128xi32, #tpu.memory_space<vmem>>)
        tpu.yield
      }) : () -> ()
      %jit3A_98 = arith.constant 2 : i32
      %div3A_99 = arith.divsi %add3A_81, %jit3A_98 : i32
      %sign3A_100 = arith.constant 0 : i32
      %sign3A_101 = arith.cmpi sgt, %add3A_81, %sign3A_100 : i32
      %sign3A_102 = arith.extui %sign3A_101 : i1 to i32
      %sign3A_103 = arith.constant 0 : i32
      %sign3A_104 = arith.cmpi slt, %add3A_81, %sign3A_103 : i32
      %sign3A_105 = arith.extui %sign3A_104 : i1 to i32
      %sign3A_106 = arith.subi %sign3A_102, %sign3A_105 : i32
      %sign3A_107 = arith.constant 0 : i32
      %sign3A_108 = arith.cmpi sgt, %jit3A_98, %sign3A_107 : i32
      %sign3A_109 = arith.extui %sign3A_108 : i1 to i32
      %sign3A_110 = arith.constant 0 : i32
      %sign3A_111 = arith.cmpi slt, %jit3A_98, %sign3A_110 : i32
      %sign3A_112 = arith.extui %sign3A_111 : i1 to i32
      %sign3A_113 = arith.subi %sign3A_109, %sign3A_112 : i32
      %ne3A_114 = arith.cmpi ne, %sign3A_106, %sign3A_113 : i32
      %rem3A_115 = arith.remsi %add3A_81, %jit3A_98 : i32
      %ne3A_116 = arith.constant 0 : i32
      %ne3A_117 = arith.cmpi ne, %rem3A_115, %ne3A_116 : i32
      %and3A_118 = arith.andi %ne3A_114, %ne3A_117 : i1
      %sub3A_119 = arith.constant 1 : i32
      %sub3A_120 = arith.subi %div3A_99, %sub3A_119 : i32
      %select_n3A_121 = arith.select %and3A_118, %sub3A_120, %div3A_99 : i32
      %multiple_of3A_122 = tpu.assume_multiple %select_n3A_121, 128 : i32
      "tpu.region"() ({
        %run_scoped3A_168 = tpu.sem_alloc : memref<!tpu.dma_semaphore, #tpu.memory_space<semaphore_mem>>
        %dma_start3A_169 = arith.constant 0 : i32
        %dma_start3A_170 = tpu.memref_slice %arg5[%multiple_of3A_122, %dma_start3A_169] : memref<401408x128xf32, #tpu.memory_space<hbm>> -> memref<128x128xf32, #tpu.memory_space<hbm>>
        %dma_start3A_171 = arith.constant 0 : i32
        %dma_start3A_172 = tpu.memref_slice %arg5[%multiple_of3A_122, %dma_start3A_171] : memref<401408x128xf32, #tpu.memory_space<hbm>> -> memref<128x128xf32, #tpu.memory_space<hbm>>
        tpu.enqueue_dma source(%dma_start3A_172 : memref<128x128xf32, #tpu.memory_space<hbm>>) target(%arg10 : memref<128x128xf32, #tpu.memory_space<vmem>>) target_semaphore(%run_scoped3A_168 : memref<!tpu.dma_semaphore, #tpu.memory_space<semaphore_mem>>)
        %dma_wait3A_173 = arith.constant 0 : i32
        %dma_wait3A_174 = tpu.memref_slice %arg5[%multiple_of3A_122, %dma_wait3A_173] : memref<401408x128xf32, #tpu.memory_space<hbm>> -> memref<128x128xf32, #tpu.memory_space<hbm>>
        %dma_wait3A_175 = arith.constant 0 : i32
        %dma_wait3A_176 = tpu.memref_slice %arg5[%multiple_of3A_122, %dma_wait3A_175] : memref<401408x128xf32, #tpu.memory_space<hbm>> -> memref<128x128xf32, #tpu.memory_space<hbm>>
        tpu.wait_dma2 semaphore(%run_scoped3A_168 : memref<!tpu.dma_semaphore, #tpu.memory_space<semaphore_mem>>) src(%dma_wait3A_176 : memref<128x128xf32, #tpu.memory_space<hbm>>) dst(%arg10 : memref<128x128xf32, #tpu.memory_space<vmem>>)
        tpu.yield
      }) : () -> ()
      %dma_start3A = arith.constant 0 : i32
      %dma_start3A_123 = arith.constant 0 : i32
      %dma_start3A_124 = arith.constant 0 : i32
      %dma_start3A_125 = tpu.memref_slice %arg11[%dma_start3A_123, %dma_start3A_124] : memref<256x64xf32, #tpu.memory_space<vmem>> -> memref<128x64xf32, #tpu.memory_space<vmem>>
      %dma_start3A_126 = arith.constant 0 : i32
      %dma_start3A_127 = tpu.memref_slice %arg8[%dma_start3A, %dma_start3A_126] : memref<2x128xi32, #tpu.memory_space<vmem>> -> memref<1x128xi32, #tpu.memory_space<vmem>>
      %dma_start3A_128 = tpu.memref_squeeze %dma_start3A_127 : memref<1x128xi32, #tpu.memory_space<vmem>> -> memref<128xi32, #tpu.memory_space<vmem>>
      %dma_start3A_129 = arith.constant 0 : i32
      %dma_start3A_130 = arith.constant 0 : i32
      %dma_start3A_131 = tpu.memref_slice %arg2[%dma_start3A_129, %dma_start3A_130] : memref<50176x64xf32, #tpu.memory_space<hbm>> -> memref<50176x64xf32, #tpu.memory_space<hbm>>
      tpu.enqueue_indirect_dma source(%dma_start3A_131 : memref<50176x64xf32, #tpu.memory_space<hbm>>) target(%dma_start3A_125 : memref<128x64xf32, #tpu.memory_space<vmem>>) offsets(%dma_start3A_128 : memref<128xi32, #tpu.memory_space<vmem>>) semaphore(%arg14 : memref<!tpu.dma_semaphore, #tpu.memory_space<semaphore_mem>>)
      %dma_start3A_132 = arith.constant 1 : i32
      %dma_start3A_133 = arith.constant 128 : i32
      %dma_start3A_134 = arith.constant 0 : i32
      %dma_start3A_135 = tpu.memref_slice %arg11[%dma_start3A_133, %dma_start3A_134] : memref<256x64xf32, #tpu.memory_space<vmem>> -> memref<128x64xf32, #tpu.memory_space<vmem>>
      %dma_start3A_136 = arith.constant 0 : i32
      %dma_start3A_137 = tpu.memref_slice %arg8[%dma_start3A_132, %dma_start3A_136] : memref<2x128xi32, #tpu.memory_space<vmem>> -> memref<1x128xi32, #tpu.memory_space<vmem>>
      %dma_start3A_138 = tpu.memref_squeeze %dma_start3A_137 : memref<1x128xi32, #tpu.memory_space<vmem>> -> memref<128xi32, #tpu.memory_space<vmem>>
      %dma_start3A_139 = arith.constant 0 : i32
      %dma_start3A_140 = arith.constant 0 : i32
      %dma_start3A_141 = tpu.memref_slice %arg2[%dma_start3A_139, %dma_start3A_140] : memref<50176x64xf32, #tpu.memory_space<hbm>> -> memref<50176x64xf32, #tpu.memory_space<hbm>>
      tpu.enqueue_indirect_dma source(%dma_start3A_141 : memref<50176x64xf32, #tpu.memory_space<hbm>>) target(%dma_start3A_135 : memref<128x64xf32, #tpu.memory_space<vmem>>) offsets(%dma_start3A_138 : memref<128xi32, #tpu.memory_space<vmem>>) semaphore(%arg14 : memref<!tpu.dma_semaphore, #tpu.memory_space<semaphore_mem>>)
      %dma_wait3A = arith.constant 0 : i32
      %dma_wait3A_142 = arith.constant 0 : i32
      %dma_wait3A_143 = arith.constant 0 : i32
      %dma_wait3A_144 = tpu.memref_slice %arg11[%dma_wait3A_142, %dma_wait3A_143] : memref<256x64xf32, #tpu.memory_space<vmem>> -> memref<128x64xf32, #tpu.memory_space<vmem>>
      %dma_wait3A_145 = arith.constant 0 : i32
      %dma_wait3A_146 = tpu.memref_slice %arg8[%dma_wait3A, %dma_wait3A_145] : memref<2x128xi32, #tpu.memory_space<vmem>> -> memref<1x128xi32, #tpu.memory_space<vmem>>
      %dma_wait3A_147 = tpu.memref_squeeze %dma_wait3A_146 : memref<1x128xi32, #tpu.memory_space<vmem>> -> memref<128xi32, #tpu.memory_space<vmem>>
      %dma_wait3A_148 = arith.constant 0 : i32
      %dma_wait3A_149 = arith.constant 0 : i32
      %dma_wait3A_150 = tpu.memref_slice %arg2[%dma_wait3A_148, %dma_wait3A_149] : memref<50176x64xf32, #tpu.memory_space<hbm>> -> memref<50176x64xf32, #tpu.memory_space<hbm>>
      tpu.wait_indirect_dma semaphore(%arg14 : memref<!tpu.dma_semaphore, #tpu.memory_space<semaphore_mem>>) src(%dma_wait3A_150 : memref<50176x64xf32, #tpu.memory_space<hbm>>) dst(%dma_wait3A_144 : memref<128x64xf32, #tpu.memory_space<vmem>>)
      %dma_wait3A_151 = arith.constant 1 : i32
      %dma_wait3A_152 = arith.constant 128 : i32
      %dma_wait3A_153 = arith.constant 0 : i32
      %dma_wait3A_154 = tpu.memref_slice %arg11[%dma_wait3A_152, %dma_wait3A_153] : memref<256x64xf32, #tpu.memory_space<vmem>> -> memref<128x64xf32, #tpu.memory_space<vmem>>
      %dma_wait3A_155 = arith.constant 0 : i32
      %dma_wait3A_156 = tpu.memref_slice %arg8[%dma_wait3A_151, %dma_wait3A_155] : memref<2x128xi32, #tpu.memory_space<vmem>> -> memref<1x128xi32, #tpu.memory_space<vmem>>
      %dma_wait3A_157 = tpu.memref_squeeze %dma_wait3A_156 : memref<1x128xi32, #tpu.memory_space<vmem>> -> memref<128xi32, #tpu.memory_space<vmem>>
      %dma_wait3A_158 = arith.constant 0 : i32
      %dma_wait3A_159 = arith.constant 0 : i32
      %dma_wait3A_160 = tpu.memref_slice %arg2[%dma_wait3A_158, %dma_wait3A_159] : memref<50176x64xf32, #tpu.memory_space<hbm>> -> memref<50176x64xf32, #tpu.memory_space<hbm>>
      tpu.wait_indirect_dma semaphore(%arg14 : memref<!tpu.dma_semaphore, #tpu.memory_space<semaphore_mem>>) src(%dma_wait3A_160 : memref<50176x64xf32, #tpu.memory_space<hbm>>) dst(%dma_wait3A_154 : memref<128x64xf32, #tpu.memory_space<vmem>>)
      %scan3A_161 = arith.constant 0 : i32
      %scan3A_162 = arith.constant 0 : i32
      %scan3A_163 = arith.constant 32 : i32
      %scan3A_164 = arith.addi %scan3A_162, %scan3A_163 : i32
      %scan3A_165 = arith.constant 1 : i32
      scf.for %scan3A_168 = %scan3A_162 to %scan3A_164 step %scan3A_165  : i32 {
        %mul3A_169 = arith.constant 4 : i32
        %mul3A_170 = arith.muli %scan3A_168, %mul3A_169 : i32
        %add3A_171 = arith.constant 0 : i32
        %add3A_172 = arith.addi %mul3A_170, %add3A_171 : i32
        %mul3A_173 = arith.constant 2 : i32
        %mul3A_174 = arith.muli %mul3A_173, %add3A_172 : i32
        %add3A_175 = arith.constant 0 : i32
        %add3A_176 = arith.addi %mul3A_174, %add3A_175 : i32
        %get3A = arith.index_cast %add3A_176 : i32 to index
        %get3A_177 = arith.constant 0 : index
        %get3A_178 = tpu.vector_load %arg11[%get3A, %get3A_177] {strides = array<i32>} : memref<256x64xf32, #tpu.memory_space<vmem>>, vector<1x16xf32>,
        %get3A_179 = vector.shape_cast %get3A_178 : vector<1x16xf32> to vector<16xf32>
        %get3A_180 = arith.index_cast %add3A_172 : i32 to index
        %get3A_181 = arith.constant 0 : index
        %get3A_182 = tpu.vector_load %arg10[%get3A_180, %get3A_181] {strides = array<i32>} : memref<128x128xf32, #tpu.memory_space<vmem>>, vector<1x16xf32>,
        %get3A_183 = vector.shape_cast %get3A_182 : vector<1x16xf32> to vector<16xf32>
        %mul3A_184 = arith.mulf %get3A_179, %get3A_183 : vector<16xf32>
        %get3A_185 = arith.index_cast %add3A_176 : i32 to index
        %get3A_186 = arith.constant 16 : index
        %get3A_187 = tpu.vector_load %arg11[%get3A_185, %get3A_186] {strides = array<i32>} : memref<256x64xf32, #tpu.memory_space<vmem>>, vector<1x16xf32>,
        %get3A_188 = vector.shape_cast %get3A_187 : vector<1x16xf32> to vector<16xf32>
        %get3A_189 = arith.index_cast %add3A_172 : i32 to index
        %get3A_190 = arith.constant 16 : index
        %get3A_191 = tpu.vector_load %arg10[%get3A_189, %get3A_190] {strides = array<i32>} : memref<128x128xf32, #tpu.memory_space<vmem>>, vector<1x16xf32>,
        %get3A_192 = vector.shape_cast %get3A_191 : vector<1x16xf32> to vector<16xf32>
        %mul3A_193 = arith.mulf %get3A_188, %get3A_192 : vector<16xf32>
        %get3A_194 = arith.index_cast %add3A_176 : i32 to index
        %get3A_195 = arith.constant 32 : index
        %get3A_196 = tpu.vector_load %arg11[%get3A_194, %get3A_195] {strides = array<i32>} : memref<256x64xf32, #tpu.memory_space<vmem>>, vector<1x16xf32>,
        %get3A_197 = vector.shape_cast %get3A_196 : vector<1x16xf32> to vector<16xf32>
        %get3A_198 = arith.index_cast %add3A_172 : i32 to index
        %get3A_199 = arith.constant 32 : index
        %get3A_200 = tpu.vector_load %arg10[%get3A_198, %get3A_199] {strides = array<i32>} : memref<128x128xf32, #tpu.memory_space<vmem>>, vector<1x16xf32>,
        %get3A_201 = vector.shape_cast %get3A_200 : vector<1x16xf32> to vector<16xf32>
        %mul3A_202 = arith.mulf %get3A_197, %get3A_201 : vector<16xf32>
        %get3A_203 = arith.index_cast %add3A_176 : i32 to index
        %get3A_204 = arith.constant 48 : index
        %get3A_205 = tpu.vector_load %arg11[%get3A_203, %get3A_204] {strides = array<i32>} : memref<256x64xf32, #tpu.memory_space<vmem>>, vector<1x16xf32>,
        %get3A_206 = vector.shape_cast %get3A_205 : vector<1x16xf32> to vector<16xf32>
        %get3A_207 = arith.index_cast %add3A_172 : i32 to index
        %get3A_208 = arith.constant 48 : index
        %get3A_209 = tpu.vector_load %arg10[%get3A_207, %get3A_208] {strides = array<i32>} : memref<128x128xf32, #tpu.memory_space<vmem>>, vector<1x16xf32>,
        %get3A_210 = vector.shape_cast %get3A_209 : vector<1x16xf32> to vector<16xf32>
        %mul3A_211 = arith.mulf %get3A_206, %get3A_210 : vector<16xf32>
        %add3A_212 = arith.addf %mul3A_184, %mul3A_193 : vector<16xf32>
        %add3A_213 = arith.addf %mul3A_202, %mul3A_211 : vector<16xf32>
        %add3A_214 = arith.addf %add3A_212, %add3A_213 : vector<16xf32>
        %swap3A = arith.index_cast %add3A_176 : i32 to index
        %swap3A_215 = arith.constant 0 : index
        %swap3A_216 = tpu.vector_load %arg12[%swap3A, %swap3A_215] {strides = array<i32>} : memref<256x16xf32, #tpu.memory_space<vmem>>, vector<1x16xf32>,
        %swap3A_217 = vector.shape_cast %swap3A_216 : vector<1x16xf32> to vector<16xf32>
        %swap3A_218 = vector.shape_cast %add3A_214 : vector<16xf32> to vector<1x16xf32>
        tpu.vector_store %arg12[%swap3A, %swap3A_215], %swap3A_218 {strides = array<i32>} : memref<256x16xf32, #tpu.memory_space<vmem>>, vector<1x16xf32>,
        %mul3A_219 = arith.constant 2 : i32
        %mul3A_220 = arith.muli %mul3A_219, %add3A_172 : i32
        %add3A_221 = arith.constant 1 : i32
        %add3A_222 = arith.addi %mul3A_220, %add3A_221 : i32
        %get3A_223 = arith.index_cast %add3A_222 : i32 to index
        %get3A_224 = arith.constant 0 : index
        %get3A_225 = tpu.vector_load %arg11[%get3A_223, %get3A_224] {strides = array<i32>} : memref<256x64xf32, #tpu.memory_space<vmem>>, vector<1x16xf32>,
        %get3A_226 = vector.shape_cast %get3A_225 : vector<1x16xf32> to vector<16xf32>
        %get3A_227 = arith.index_cast %add3A_172 : i32 to index
        %get3A_228 = arith.constant 64 : index
        %get3A_229 = tpu.vector_load %arg10[%get3A_227, %get3A_228] {strides = array<i32>} : memref<128x128xf32, #tpu.memory_space<vmem>>, vector<1x16xf32>,
        %get3A_230 = vector.shape_cast %get3A_229 : vector<1x16xf32> to vector<16xf32>
        %mul3A_231 = arith.mulf %get3A_226, %get3A_230 : vector<16xf32>
        %get3A_232 = arith.index_cast %add3A_222 : i32 to index
        %get3A_233 = arith.constant 16 : index
        %get3A_234 = tpu.vector_load %arg11[%get3A_232, %get3A_233] {strides = array<i32>} : memref<256x64xf32, #tpu.memory_space<vmem>>, vector<1x16xf32>,
        %get3A_235 = vector.shape_cast %get3A_234 : vector<1x16xf32> to vector<16xf32>
        %get3A_236 = arith.index_cast %add3A_172 : i32 to index
        %get3A_237 = arith.constant 80 : index
        %get3A_238 = tpu.vector_load %arg10[%get3A_236, %get3A_237] {strides = array<i32>} : memref<128x128xf32, #tpu.memory_space<vmem>>, vector<1x16xf32>,
        %get3A_239 = vector.shape_cast %get3A_238 : vector<1x16xf32> to vector<16xf32>
        %mul3A_240 = arith.mulf %get3A_235, %get3A_239 : vector<16xf32>
        %get3A_241 = arith.index_cast %add3A_222 : i32 to index
        %get3A_242 = arith.constant 32 : index
        %get3A_243 = tpu.vector_load %arg11[%get3A_241, %get3A_242] {strides = array<i32>} : memref<256x64xf32, #tpu.memory_space<vmem>>, vector<1x16xf32>,
        %get3A_244 = vector.shape_cast %get3A_243 : vector<1x16xf32> to vector<16xf32>
        %get3A_245 = arith.index_cast %add3A_172 : i32 to index
        %get3A_246 = arith.constant 96 : index
        %get3A_247 = tpu.vector_load %arg10[%get3A_245, %get3A_246] {strides = array<i32>} : memref<128x128xf32, #tpu.memory_space<vmem>>, vector<1x16xf32>,
        %get3A_248 = vector.shape_cast %get3A_247 : vector<1x16xf32> to vector<16xf32>
        %mul3A_249 = arith.mulf %get3A_244, %get3A_248 : vector<16xf32>
        %get3A_250 = arith.index_cast %add3A_222 : i32 to index
        %get3A_251 = arith.constant 48 : index
        %get3A_252 = tpu.vector_load %arg11[%get3A_250, %get3A_251] {strides = array<i32>} : memref<256x64xf32, #tpu.memory_space<vmem>>, vector<1x16xf32>,
        %get3A_253 = vector.shape_cast %get3A_252 : vector<1x16xf32> to vector<16xf32>
        %get3A_254 = arith.index_cast %add3A_172 : i32 to index
        %get3A_255 = arith.constant 112 : index
        %get3A_256 = tpu.vector_load %arg10[%get3A_254, %get3A_255] {strides = array<i32>} : memref<128x128xf32, #tpu.memory_space<vmem>>, vector<1x16xf32>,
        %get3A_257 = vector.shape_cast %get3A_256 : vector<1x16xf32> to vector<16xf32>
        %mul3A_258 = arith.mulf %get3A_253, %get3A_257 : vector<16xf32>
        %add3A_259 = arith.addf %mul3A_231, %mul3A_240 : vector<16xf32>
        %add3A_260 = arith.addf %mul3A_249, %mul3A_258 : vector<16xf32>
        %add3A_261 = arith.addf %add3A_259, %add3A_260 : vector<16xf32>
        %swap3A_262 = arith.index_cast %add3A_222 : i32 to index
        %swap3A_263 = arith.constant 0 : index
        %swap3A_264 = tpu.vector_load %arg12[%swap3A_262, %swap3A_263] {strides = array<i32>} : memref<256x16xf32, #tpu.memory_space<vmem>>, vector<1x16xf32>,
        %swap3A_265 = vector.shape_cast %swap3A_264 : vector<1x16xf32> to vector<16xf32>
        %swap3A_266 = vector.shape_cast %add3A_261 : vector<16xf32> to vector<1x16xf32>
        tpu.vector_store %arg12[%swap3A_262, %swap3A_263], %swap3A_266 {strides = array<i32>} : memref<256x16xf32, #tpu.memory_space<vmem>>, vector<1x16xf32>,
        %add3A_267 = arith.constant 1 : i32
        %add3A_268 = arith.addi %mul3A_170, %add3A_267 : i32
        %mul3A_269 = arith.constant 2 : i32
        %mul3A_270 = arith.muli %mul3A_269, %add3A_268 : i32
        %add3A_271 = arith.constant 0 : i32
        %add3A_272 = arith.addi %mul3A_270, %add3A_271 : i32
        %get3A_273 = arith.index_cast %add3A_272 : i32 to index
        %get3A_274 = arith.constant 0 : index
        %get3A_275 = tpu.vector_load %arg11[%get3A_273, %get3A_274] {strides = array<i32>} : memref<256x64xf32, #tpu.memory_space<vmem>>, vector<1x16xf32>,
        %get3A_276 = vector.shape_cast %get3A_275 : vector<1x16xf32> to vector<16xf32>
        %get3A_277 = arith.index_cast %add3A_268 : i32 to index
        %get3A_278 = arith.constant 0 : index
        %get3A_279 = tpu.vector_load %arg10[%get3A_277, %get3A_278] {strides = array<i32>} : memref<128x128xf32, #tpu.memory_space<vmem>>, vector<1x16xf32>,
        %get3A_280 = vector.shape_cast %get3A_279 : vector<1x16xf32> to vector<16xf32>
        %mul3A_281 = arith.mulf %get3A_276, %get3A_280 : vector<16xf32>
        %get3A_282 = arith.index_cast %add3A_272 : i32 to index
        %get3A_283 = arith.constant 16 : index
        %get3A_284 = tpu.vector_load %arg11[%get3A_282, %get3A_283] {strides = array<i32>} : memref<256x64xf32, #tpu.memory_space<vmem>>, vector<1x16xf32>,
        %get3A_285 = vector.shape_cast %get3A_284 : vector<1x16xf32> to vector<16xf32>
        %get3A_286 = arith.index_cast %add3A_268 : i32 to index
        %get3A_287 = arith.constant 16 : index
        %get3A_288 = tpu.vector_load %arg10[%get3A_286, %get3A_287] {strides = array<i32>} : memref<128x128xf32, #tpu.memory_space<vmem>>, vector<1x16xf32>,
        %get3A_289 = vector.shape_cast %get3A_288 : vector<1x16xf32> to vector<16xf32>
        %mul3A_290 = arith.mulf %get3A_285, %get3A_289 : vector<16xf32>
        %get3A_291 = arith.index_cast %add3A_272 : i32 to index
        %get3A_292 = arith.constant 32 : index
        %get3A_293 = tpu.vector_load %arg11[%get3A_291, %get3A_292] {strides = array<i32>} : memref<256x64xf32, #tpu.memory_space<vmem>>, vector<1x16xf32>,
        %get3A_294 = vector.shape_cast %get3A_293 : vector<1x16xf32> to vector<16xf32>
        %get3A_295 = arith.index_cast %add3A_268 : i32 to index
        %get3A_296 = arith.constant 32 : index
        %get3A_297 = tpu.vector_load %arg10[%get3A_295, %get3A_296] {strides = array<i32>} : memref<128x128xf32, #tpu.memory_space<vmem>>, vector<1x16xf32>,
        %get3A_298 = vector.shape_cast %get3A_297 : vector<1x16xf32> to vector<16xf32>
        %mul3A_299 = arith.mulf %get3A_294, %get3A_298 : vector<16xf32>
        %get3A_300 = arith.index_cast %add3A_272 : i32 to index
        %get3A_301 = arith.constant 48 : index
        %get3A_302 = tpu.vector_load %arg11[%get3A_300, %get3A_301] {strides = array<i32>} : memref<256x64xf32, #tpu.memory_space<vmem>>, vector<1x16xf32>,
        %get3A_303 = vector.shape_cast %get3A_302 : vector<1x16xf32> to vector<16xf32>
        %get3A_304 = arith.index_cast %add3A_268 : i32 to index
        %get3A_305 = arith.constant 48 : index
        %get3A_306 = tpu.vector_load %arg10[%get3A_304, %get3A_305] {strides = array<i32>} : memref<128x128xf32, #tpu.memory_space<vmem>>, vector<1x16xf32>,
        %get3A_307 = vector.shape_cast %get3A_306 : vector<1x16xf32> to vector<16xf32>
        %mul3A_308 = arith.mulf %get3A_303, %get3A_307 : vector<16xf32>
        %add3A_309 = arith.addf %mul3A_281, %mul3A_290 : vector<16xf32>
        %add3A_310 = arith.addf %mul3A_299, %mul3A_308 : vector<16xf32>
        %add3A_311 = arith.addf %add3A_309, %add3A_310 : vector<16xf32>
        %swap3A_312 = arith.index_cast %add3A_272 : i32 to index
        %swap3A_313 = arith.constant 0 : index
        %swap3A_314 = tpu.vector_load %arg12[%swap3A_312, %swap3A_313] {strides = array<i32>} : memref<256x16xf32, #tpu.memory_space<vmem>>, vector<1x16xf32>,
        %swap3A_315 = vector.shape_cast %swap3A_314 : vector<1x16xf32> to vector<16xf32>
        %swap3A_316 = vector.shape_cast %add3A_311 : vector<16xf32> to vector<1x16xf32>
        tpu.vector_store %arg12[%swap3A_312, %swap3A_313], %swap3A_316 {strides = array<i32>} : memref<256x16xf32, #tpu.memory_space<vmem>>, vector<1x16xf32>,
        %mul3A_317 = arith.constant 2 : i32
        %mul3A_318 = arith.muli %mul3A_317, %add3A_268 : i32
        %add3A_319 = arith.constant 1 : i32
        %add3A_320 = arith.addi %mul3A_318, %add3A_319 : i32
        %get3A_321 = arith.index_cast %add3A_320 : i32 to index
        %get3A_322 = arith.constant 0 : index
        %get3A_323 = tpu.vector_load %arg11[%get3A_321, %get3A_322] {strides = array<i32>} : memref<256x64xf32, #tpu.memory_space<vmem>>, vector<1x16xf32>,
        %get3A_324 = vector.shape_cast %get3A_323 : vector<1x16xf32> to vector<16xf32>
        %get3A_325 = arith.index_cast %add3A_268 : i32 to index
        %get3A_326 = arith.constant 64 : index
        %get3A_327 = tpu.vector_load %arg10[%get3A_325, %get3A_326] {strides = array<i32>} : memref<128x128xf32, #tpu.memory_space<vmem>>, vector<1x16xf32>,
        %get3A_328 = vector.shape_cast %get3A_327 : vector<1x16xf32> to vector<16xf32>
        %mul3A_329 = arith.mulf %get3A_324, %get3A_328 : vector<16xf32>
        %get3A_330 = arith.index_cast %add3A_320 : i32 to index
        %get3A_331 = arith.constant 16 : index
        %get3A_332 = tpu.vector_load %arg11[%get3A_330, %get3A_331] {strides = array<i32>} : memref<256x64xf32, #tpu.memory_space<vmem>>, vector<1x16xf32>,
        %get3A_333 = vector.shape_cast %get3A_332 : vector<1x16xf32> to vector<16xf32>
        %get3A_334 = arith.index_cast %add3A_268 : i32 to index
        %get3A_335 = arith.constant 80 : index
        %get3A_336 = tpu.vector_load %arg10[%get3A_334, %get3A_335] {strides = array<i32>} : memref<128x128xf32, #tpu.memory_space<vmem>>, vector<1x16xf32>,
        %get3A_337 = vector.shape_cast %get3A_336 : vector<1x16xf32> to vector<16xf32>
        %mul3A_338 = arith.mulf %get3A_333, %get3A_337 : vector<16xf32>
        %get3A_339 = arith.index_cast %add3A_320 : i32 to index
        %get3A_340 = arith.constant 32 : index
        %get3A_341 = tpu.vector_load %arg11[%get3A_339, %get3A_340] {strides = array<i32>} : memref<256x64xf32, #tpu.memory_space<vmem>>, vector<1x16xf32>,
        %get3A_342 = vector.shape_cast %get3A_341 : vector<1x16xf32> to vector<16xf32>
        %get3A_343 = arith.index_cast %add3A_268 : i32 to index
        %get3A_344 = arith.constant 96 : index
        %get3A_345 = tpu.vector_load %arg10[%get3A_343, %get3A_344] {strides = array<i32>} : memref<128x128xf32, #tpu.memory_space<vmem>>, vector<1x16xf32>,
        %get3A_346 = vector.shape_cast %get3A_345 : vector<1x16xf32> to vector<16xf32>
        %mul3A_347 = arith.mulf %get3A_342, %get3A_346 : vector<16xf32>
        %get3A_348 = arith.index_cast %add3A_320 : i32 to index
        %get3A_349 = arith.constant 48 : index
        %get3A_350 = tpu.vector_load %arg11[%get3A_348, %get3A_349] {strides = array<i32>} : memref<256x64xf32, #tpu.memory_space<vmem>>, vector<1x16xf32>,
        %get3A_351 = vector.shape_cast %get3A_350 : vector<1x16xf32> to vector<16xf32>
        %get3A_352 = arith.index_cast %add3A_268 : i32 to index
        %get3A_353 = arith.constant 112 : index
        %get3A_354 = tpu.vector_load %arg10[%get3A_352, %get3A_353] {strides = array<i32>} : memref<128x128xf32, #tpu.memory_space<vmem>>, vector<1x16xf32>,
        %get3A_355 = vector.shape_cast %get3A_354 : vector<1x16xf32> to vector<16xf32>
        %mul3A_356 = arith.mulf %get3A_351, %get3A_355 : vector<16xf32>
        %add3A_357 = arith.addf %mul3A_329, %mul3A_338 : vector<16xf32>
        %add3A_358 = arith.addf %mul3A_347, %mul3A_356 : vector<16xf32>
        %add3A_359 = arith.addf %add3A_357, %add3A_358 : vector<16xf32>
        %swap3A_360 = arith.index_cast %add3A_320 : i32 to index
        %swap3A_361 = arith.constant 0 : index
        %swap3A_362 = tpu.vector_load %arg12[%swap3A_360, %swap3A_361] {strides = array<i32>} : memref<256x16xf32, #tpu.memory_space<vmem>>, vector<1x16xf32>,
        %swap3A_363 = vector.shape_cast %swap3A_362 : vector<1x16xf32> to vector<16xf32>
        %swap3A_364 = vector.shape_cast %add3A_359 : vector<16xf32> to vector<1x16xf32>
        tpu.vector_store %arg12[%swap3A_360, %swap3A_361], %swap3A_364 {strides = array<i32>} : memref<256x16xf32, #tpu.memory_space<vmem>>, vector<1x16xf32>,
        %add3A_365 = arith.constant 2 : i32
        %add3A_366 = arith.addi %mul3A_170, %add3A_365 : i32
        %mul3A_367 = arith.constant 2 : i32
        %mul3A_368 = arith.muli %mul3A_367, %add3A_366 : i32
        %add3A_369 = arith.constant 0 : i32
        %add3A_370 = arith.addi %mul3A_368, %add3A_369 : i32
        %get3A_371 = arith.index_cast %add3A_370 : i32 to index
        %get3A_372 = arith.constant 0 : index
        %get3A_373 = tpu.vector_load %arg11[%get3A_371, %get3A_372] {strides = array<i32>} : memref<256x64xf32, #tpu.memory_space<vmem>>, vector<1x16xf32>,
        %get3A_374 = vector.shape_cast %get3A_373 : vector<1x16xf32> to vector<16xf32>
        %get3A_375 = arith.index_cast %add3A_366 : i32 to index
        %get3A_376 = arith.constant 0 : index
        %get3A_377 = tpu.vector_load %arg10[%get3A_375, %get3A_376] {strides = array<i32>} : memref<128x128xf32, #tpu.memory_space<vmem>>, vector<1x16xf32>,
        %get3A_378 = vector.shape_cast %get3A_377 : vector<1x16xf32> to vector<16xf32>
        %mul3A_379 = arith.mulf %get3A_374, %get3A_378 : vector<16xf32>
        %get3A_380 = arith.index_cast %add3A_370 : i32 to index
        %get3A_381 = arith.constant 16 : index
        %get3A_382 = tpu.vector_load %arg11[%get3A_380, %get3A_381] {strides = array<i32>} : memref<256x64xf32, #tpu.memory_space<vmem>>, vector<1x16xf32>,
        %get3A_383 = vector.shape_cast %get3A_382 : vector<1x16xf32> to vector<16xf32>
        %get3A_384 = arith.index_cast %add3A_366 : i32 to index
        %get3A_385 = arith.constant 16 : index
        %get3A_386 = tpu.vector_load %arg10[%get3A_384, %get3A_385] {strides = array<i32>} : memref<128x128xf32, #tpu.memory_space<vmem>>, vector<1x16xf32>,
        %get3A_387 = vector.shape_cast %get3A_386 : vector<1x16xf32> to vector<16xf32>
        %mul3A_388 = arith.mulf %get3A_383, %get3A_387 : vector<16xf32>
        %get3A_389 = arith.index_cast %add3A_370 : i32 to index
        %get3A_390 = arith.constant 32 : index
        %get3A_391 = tpu.vector_load %arg11[%get3A_389, %get3A_390] {strides = array<i32>} : memref<256x64xf32, #tpu.memory_space<vmem>>, vector<1x16xf32>,
        %get3A_392 = vector.shape_cast %get3A_391 : vector<1x16xf32> to vector<16xf32>
        %get3A_393 = arith.index_cast %add3A_366 : i32 to index
        %get3A_394 = arith.constant 32 : index
        %get3A_395 = tpu.vector_load %arg10[%get3A_393, %get3A_394] {strides = array<i32>} : memref<128x128xf32, #tpu.memory_space<vmem>>, vector<1x16xf32>,
        %get3A_396 = vector.shape_cast %get3A_395 : vector<1x16xf32> to vector<16xf32>
        %mul3A_397 = arith.mulf %get3A_392, %get3A_396 : vector<16xf32>
        %get3A_398 = arith.index_cast %add3A_370 : i32 to index
        %get3A_399 = arith.constant 48 : index
        %get3A_400 = tpu.vector_load %arg11[%get3A_398, %get3A_399] {strides = array<i32>} : memref<256x64xf32, #tpu.memory_space<vmem>>, vector<1x16xf32>,
        %get3A_401 = vector.shape_cast %get3A_400 : vector<1x16xf32> to vector<16xf32>
        %get3A_402 = arith.index_cast %add3A_366 : i32 to index
        %get3A_403 = arith.constant 48 : index
        %get3A_404 = tpu.vector_load %arg10[%get3A_402, %get3A_403] {strides = array<i32>} : memref<128x128xf32, #tpu.memory_space<vmem>>, vector<1x16xf32>,
        %get3A_405 = vector.shape_cast %get3A_404 : vector<1x16xf32> to vector<16xf32>
        %mul3A_406 = arith.mulf %get3A_401, %get3A_405 : vector<16xf32>
        %add3A_407 = arith.addf %mul3A_379, %mul3A_388 : vector<16xf32>
        %add3A_408 = arith.addf %mul3A_397, %mul3A_406 : vector<16xf32>
        %add3A_409 = arith.addf %add3A_407, %add3A_408 : vector<16xf32>
        %swap3A_410 = arith.index_cast %add3A_370 : i32 to index
        %swap3A_411 = arith.constant 0 : index
        %swap3A_412 = tpu.vector_load %arg12[%swap3A_410, %swap3A_411] {strides = array<i32>} : memref<256x16xf32, #tpu.memory_space<vmem>>, vector<1x16xf32>,
        %swap3A_413 = vector.shape_cast %swap3A_412 : vector<1x16xf32> to vector<16xf32>
        %swap3A_414 = vector.shape_cast %add3A_409 : vector<16xf32> to vector<1x16xf32>
        tpu.vector_store %arg12[%swap3A_410, %swap3A_411], %swap3A_414 {strides = array<i32>} : memref<256x16xf32, #tpu.memory_space<vmem>>, vector<1x16xf32>,
        %mul3A_415 = arith.constant 2 : i32
        %mul3A_416 = arith.muli %mul3A_415, %add3A_366 : i32
        %add3A_417 = arith.constant 1 : i32
        %add3A_418 = arith.addi %mul3A_416, %add3A_417 : i32
        %get3A_419 = arith.index_cast %add3A_418 : i32 to index
        %get3A_420 = arith.constant 0 : index
        %get3A_421 = tpu.vector_load %arg11[%get3A_419, %get3A_420] {strides = array<i32>} : memref<256x64xf32, #tpu.memory_space<vmem>>, vector<1x16xf32>,
        %get3A_422 = vector.shape_cast %get3A_421 : vector<1x16xf32> to vector<16xf32>
        %get3A_423 = arith.index_cast %add3A_366 : i32 to index
        %get3A_424 = arith.constant 64 : index
        %get3A_425 = tpu.vector_load %arg10[%get3A_423, %get3A_424] {strides = array<i32>} : memref<128x128xf32, #tpu.memory_space<vmem>>, vector<1x16xf32>,
        %get3A_426 = vector.shape_cast %get3A_425 : vector<1x16xf32> to vector<16xf32>
        %mul3A_427 = arith.mulf %get3A_422, %get3A_426 : vector<16xf32>
        %get3A_428 = arith.index_cast %add3A_418 : i32 to index
        %get3A_429 = arith.constant 16 : index
        %get3A_430 = tpu.vector_load %arg11[%get3A_428, %get3A_429] {strides = array<i32>} : memref<256x64xf32, #tpu.memory_space<vmem>>, vector<1x16xf32>,
        %get3A_431 = vector.shape_cast %get3A_430 : vector<1x16xf32> to vector<16xf32>
        %get3A_432 = arith.index_cast %add3A_366 : i32 to index
        %get3A_433 = arith.constant 80 : index
        %get3A_434 = tpu.vector_load %arg10[%get3A_432, %get3A_433] {strides = array<i32>} : memref<128x128xf32, #tpu.memory_space<vmem>>, vector<1x16xf32>,
        %get3A_435 = vector.shape_cast %get3A_434 : vector<1x16xf32> to vector<16xf32>
        %mul3A_436 = arith.mulf %get3A_431, %get3A_435 : vector<16xf32>
        %get3A_437 = arith.index_cast %add3A_418 : i32 to index
        %get3A_438 = arith.constant 32 : index
        %get3A_439 = tpu.vector_load %arg11[%get3A_437, %get3A_438] {strides = array<i32>} : memref<256x64xf32, #tpu.memory_space<vmem>>, vector<1x16xf32>,
        %get3A_440 = vector.shape_cast %get3A_439 : vector<1x16xf32> to vector<16xf32>
        %get3A_441 = arith.index_cast %add3A_366 : i32 to index
        %get3A_442 = arith.constant 96 : index
        %get3A_443 = tpu.vector_load %arg10[%get3A_441, %get3A_442] {strides = array<i32>} : memref<128x128xf32, #tpu.memory_space<vmem>>, vector<1x16xf32>,
        %get3A_444 = vector.shape_cast %get3A_443 : vector<1x16xf32> to vector<16xf32>
        %mul3A_445 = arith.mulf %get3A_440, %get3A_444 : vector<16xf32>
        %get3A_446 = arith.index_cast %add3A_418 : i32 to index
        %get3A_447 = arith.constant 48 : index
        %get3A_448 = tpu.vector_load %arg11[%get3A_446, %get3A_447] {strides = array<i32>} : memref<256x64xf32, #tpu.memory_space<vmem>>, vector<1x16xf32>,
        %get3A_449 = vector.shape_cast %get3A_448 : vector<1x16xf32> to vector<16xf32>
        %get3A_450 = arith.index_cast %add3A_366 : i32 to index
        %get3A_451 = arith.constant 112 : index
        %get3A_452 = tpu.vector_load %arg10[%get3A_450, %get3A_451] {strides = array<i32>} : memref<128x128xf32, #tpu.memory_space<vmem>>, vector<1x16xf32>,
        %get3A_453 = vector.shape_cast %get3A_452 : vector<1x16xf32> to vector<16xf32>
        %mul3A_454 = arith.mulf %get3A_449, %get3A_453 : vector<16xf32>
        %add3A_455 = arith.addf %mul3A_427, %mul3A_436 : vector<16xf32>
        %add3A_456 = arith.addf %mul3A_445, %mul3A_454 : vector<16xf32>
        %add3A_457 = arith.addf %add3A_455, %add3A_456 : vector<16xf32>
        %swap3A_458 = arith.index_cast %add3A_418 : i32 to index
        %swap3A_459 = arith.constant 0 : index
        %swap3A_460 = tpu.vector_load %arg12[%swap3A_458, %swap3A_459] {strides = array<i32>} : memref<256x16xf32, #tpu.memory_space<vmem>>, vector<1x16xf32>,
        %swap3A_461 = vector.shape_cast %swap3A_460 : vector<1x16xf32> to vector<16xf32>
        %swap3A_462 = vector.shape_cast %add3A_457 : vector<16xf32> to vector<1x16xf32>
        tpu.vector_store %arg12[%swap3A_458, %swap3A_459], %swap3A_462 {strides = array<i32>} : memref<256x16xf32, #tpu.memory_space<vmem>>, vector<1x16xf32>,
        %add3A_463 = arith.constant 3 : i32
        %add3A_464 = arith.addi %mul3A_170, %add3A_463 : i32
        %mul3A_465 = arith.constant 2 : i32
        %mul3A_466 = arith.muli %mul3A_465, %add3A_464 : i32
        %add3A_467 = arith.constant 0 : i32
        %add3A_468 = arith.addi %mul3A_466, %add3A_467 : i32
        %get3A_469 = arith.index_cast %add3A_468 : i32 to index
        %get3A_470 = arith.constant 0 : index
        %get3A_471 = tpu.vector_load %arg11[%get3A_469, %get3A_470] {strides = array<i32>} : memref<256x64xf32, #tpu.memory_space<vmem>>, vector<1x16xf32>,
        %get3A_472 = vector.shape_cast %get3A_471 : vector<1x16xf32> to vector<16xf32>
        %get3A_473 = arith.index_cast %add3A_464 : i32 to index
        %get3A_474 = arith.constant 0 : index
        %get3A_475 = tpu.vector_load %arg10[%get3A_473, %get3A_474] {strides = array<i32>} : memref<128x128xf32, #tpu.memory_space<vmem>>, vector<1x16xf32>,
        %get3A_476 = vector.shape_cast %get3A_475 : vector<1x16xf32> to vector<16xf32>
        %mul3A_477 = arith.mulf %get3A_472, %get3A_476 : vector<16xf32>
        %get3A_478 = arith.index_cast %add3A_468 : i32 to index
        %get3A_479 = arith.constant 16 : index
        %get3A_480 = tpu.vector_load %arg11[%get3A_478, %get3A_479] {strides = array<i32>} : memref<256x64xf32, #tpu.memory_space<vmem>>, vector<1x16xf32>,
        %get3A_481 = vector.shape_cast %get3A_480 : vector<1x16xf32> to vector<16xf32>
        %get3A_482 = arith.index_cast %add3A_464 : i32 to index
        %get3A_483 = arith.constant 16 : index
        %get3A_484 = tpu.vector_load %arg10[%get3A_482, %get3A_483] {strides = array<i32>} : memref<128x128xf32, #tpu.memory_space<vmem>>, vector<1x16xf32>,
        %get3A_485 = vector.shape_cast %get3A_484 : vector<1x16xf32> to vector<16xf32>
        %mul3A_486 = arith.mulf %get3A_481, %get3A_485 : vector<16xf32>
        %get3A_487 = arith.index_cast %add3A_468 : i32 to index
        %get3A_488 = arith.constant 32 : index
        %get3A_489 = tpu.vector_load %arg11[%get3A_487, %get3A_488] {strides = array<i32>} : memref<256x64xf32, #tpu.memory_space<vmem>>, vector<1x16xf32>,
        %get3A_490 = vector.shape_cast %get3A_489 : vector<1x16xf32> to vector<16xf32>
        %get3A_491 = arith.index_cast %add3A_464 : i32 to index
        %get3A_492 = arith.constant 32 : index
        %get3A_493 = tpu.vector_load %arg10[%get3A_491, %get3A_492] {strides = array<i32>} : memref<128x128xf32, #tpu.memory_space<vmem>>, vector<1x16xf32>,
        %get3A_494 = vector.shape_cast %get3A_493 : vector<1x16xf32> to vector<16xf32>
        %mul3A_495 = arith.mulf %get3A_490, %get3A_494 : vector<16xf32>
        %get3A_496 = arith.index_cast %add3A_468 : i32 to index
        %get3A_497 = arith.constant 48 : index
        %get3A_498 = tpu.vector_load %arg11[%get3A_496, %get3A_497] {strides = array<i32>} : memref<256x64xf32, #tpu.memory_space<vmem>>, vector<1x16xf32>,
        %get3A_499 = vector.shape_cast %get3A_498 : vector<1x16xf32> to vector<16xf32>
        %get3A_500 = arith.index_cast %add3A_464 : i32 to index
        %get3A_501 = arith.constant 48 : index
        %get3A_502 = tpu.vector_load %arg10[%get3A_500, %get3A_501] {strides = array<i32>} : memref<128x128xf32, #tpu.memory_space<vmem>>, vector<1x16xf32>,
        %get3A_503 = vector.shape_cast %get3A_502 : vector<1x16xf32> to vector<16xf32>
        %mul3A_504 = arith.mulf %get3A_499, %get3A_503 : vector<16xf32>
        %add3A_505 = arith.addf %mul3A_477, %mul3A_486 : vector<16xf32>
        %add3A_506 = arith.addf %mul3A_495, %mul3A_504 : vector<16xf32>
        %add3A_507 = arith.addf %add3A_505, %add3A_506 : vector<16xf32>
        %swap3A_508 = arith.index_cast %add3A_468 : i32 to index
        %swap3A_509 = arith.constant 0 : index
        %swap3A_510 = tpu.vector_load %arg12[%swap3A_508, %swap3A_509] {strides = array<i32>} : memref<256x16xf32, #tpu.memory_space<vmem>>, vector<1x16xf32>,
        %swap3A_511 = vector.shape_cast %swap3A_510 : vector<1x16xf32> to vector<16xf32>
        %swap3A_512 = vector.shape_cast %add3A_507 : vector<16xf32> to vector<1x16xf32>
        tpu.vector_store %arg12[%swap3A_508, %swap3A_509], %swap3A_512 {strides = array<i32>} : memref<256x16xf32, #tpu.memory_space<vmem>>, vector<1x16xf32>,
        %mul3A_513 = arith.constant 2 : i32
        %mul3A_514 = arith.muli %mul3A_513, %add3A_464 : i32
        %add3A_515 = arith.constant 1 : i32
        %add3A_516 = arith.addi %mul3A_514, %add3A_515 : i32
        %get3A_517 = arith.index_cast %add3A_516 : i32 to index
        %get3A_518 = arith.constant 0 : index
        %get3A_519 = tpu.vector_load %arg11[%get3A_517, %get3A_518] {strides = array<i32>} : memref<256x64xf32, #tpu.memory_space<vmem>>, vector<1x16xf32>,
        %get3A_520 = vector.shape_cast %get3A_519 : vector<1x16xf32> to vector<16xf32>
        %get3A_521 = arith.index_cast %add3A_464 : i32 to index
        %get3A_522 = arith.constant 64 : index
        %get3A_523 = tpu.vector_load %arg10[%get3A_521, %get3A_522] {strides = array<i32>} : memref<128x128xf32, #tpu.memory_space<vmem>>, vector<1x16xf32>,
        %get3A_524 = vector.shape_cast %get3A_523 : vector<1x16xf32> to vector<16xf32>
        %mul3A_525 = arith.mulf %get3A_520, %get3A_524 : vector<16xf32>
        %get3A_526 = arith.index_cast %add3A_516 : i32 to index
        %get3A_527 = arith.constant 16 : index
        %get3A_528 = tpu.vector_load %arg11[%get3A_526, %get3A_527] {strides = array<i32>} : memref<256x64xf32, #tpu.memory_space<vmem>>, vector<1x16xf32>,
        %get3A_529 = vector.shape_cast %get3A_528 : vector<1x16xf32> to vector<16xf32>
        %get3A_530 = arith.index_cast %add3A_464 : i32 to index
        %get3A_531 = arith.constant 80 : index
        %get3A_532 = tpu.vector_load %arg10[%get3A_530, %get3A_531] {strides = array<i32>} : memref<128x128xf32, #tpu.memory_space<vmem>>, vector<1x16xf32>,
        %get3A_533 = vector.shape_cast %get3A_532 : vector<1x16xf32> to vector<16xf32>
        %mul3A_534 = arith.mulf %get3A_529, %get3A_533 : vector<16xf32>
        %get3A_535 = arith.index_cast %add3A_516 : i32 to index
        %get3A_536 = arith.constant 32 : index
        %get3A_537 = tpu.vector_load %arg11[%get3A_535, %get3A_536] {strides = array<i32>} : memref<256x64xf32, #tpu.memory_space<vmem>>, vector<1x16xf32>,
        %get3A_538 = vector.shape_cast %get3A_537 : vector<1x16xf32> to vector<16xf32>
        %get3A_539 = arith.index_cast %add3A_464 : i32 to index
        %get3A_540 = arith.constant 96 : index
        %get3A_541 = tpu.vector_load %arg10[%get3A_539, %get3A_540] {strides = array<i32>} : memref<128x128xf32, #tpu.memory_space<vmem>>, vector<1x16xf32>,
        %get3A_542 = vector.shape_cast %get3A_541 : vector<1x16xf32> to vector<16xf32>
        %mul3A_543 = arith.mulf %get3A_538, %get3A_542 : vector<16xf32>
        %get3A_544 = arith.index_cast %add3A_516 : i32 to index
        %get3A_545 = arith.constant 48 : index
        %get3A_546 = tpu.vector_load %arg11[%get3A_544, %get3A_545] {strides = array<i32>} : memref<256x64xf32, #tpu.memory_space<vmem>>, vector<1x16xf32>,
        %get3A_547 = vector.shape_cast %get3A_546 : vector<1x16xf32> to vector<16xf32>
        %get3A_548 = arith.index_cast %add3A_464 : i32 to index
        %get3A_549 = arith.constant 112 : index
        %get3A_550 = tpu.vector_load %arg10[%get3A_548, %get3A_549] {strides = array<i32>} : memref<128x128xf32, #tpu.memory_space<vmem>>, vector<1x16xf32>,
        %get3A_551 = vector.shape_cast %get3A_550 : vector<1x16xf32> to vector<16xf32>
        %mul3A_552 = arith.mulf %get3A_547, %get3A_551 : vector<16xf32>
        %add3A_553 = arith.addf %mul3A_525, %mul3A_534 : vector<16xf32>
        %add3A_554 = arith.addf %mul3A_543, %mul3A_552 : vector<16xf32>
        %add3A_555 = arith.addf %add3A_553, %add3A_554 : vector<16xf32>
        %swap3A_556 = arith.index_cast %add3A_516 : i32 to index
        %swap3A_557 = arith.constant 0 : index
        %swap3A_558 = tpu.vector_load %arg12[%swap3A_556, %swap3A_557] {strides = array<i32>} : memref<256x16xf32, #tpu.memory_space<vmem>>, vector<1x16xf32>,
        %swap3A_559 = vector.shape_cast %swap3A_558 : vector<1x16xf32> to vector<16xf32>
        %swap3A_560 = vector.shape_cast %add3A_555 : vector<16xf32> to vector<1x16xf32>
        tpu.vector_store %arg12[%swap3A_556, %swap3A_557], %swap3A_560 {strides = array<i32>} : memref<256x16xf32, #tpu.memory_space<vmem>>, vector<1x16xf32>,
      }
      %scan3A_166 = arith.constant 32 : i32
      %run_scoped3A = arith.constant 0 : i32
      "tpu.region"() ({
        %run_scoped3A_168 = tpu.sem_alloc : memref<!tpu.dma_semaphore, #tpu.memory_space<semaphore_mem>>
        %dma_start3A_169 = arith.constant 0 : i32
        %dma_start3A_170 = arith.constant 0 : i32
        %dma_start3A_171 = tpu.memref_slice %arg12[%dma_start3A_169, %dma_start3A_170] : memref<256x16xf32, #tpu.memory_space<vmem>> -> memref<128x16xf32, #tpu.memory_space<vmem>>
        %dma_start3A_172 = arith.constant 0 : i32
        %dma_start3A_173 = tpu.memref_slice %arg9[%run_scoped3A, %dma_start3A_172] : memref<2x128xi32, #tpu.memory_space<vmem>> -> memref<1x128xi32, #tpu.memory_space<vmem>>
        %dma_start3A_174 = tpu.memref_squeeze %dma_start3A_173 : memref<1x128xi32, #tpu.memory_space<vmem>> -> memref<128xi32, #tpu.memory_space<vmem>>
        %dma_start3A_175 = arith.constant 0 : i32
        %dma_start3A_176 = arith.constant 0 : i32
        %dma_start3A_177 = tpu.memref_slice %arg7[%dma_start3A_175, %dma_start3A_176] : memref<50176x16xf32, #tpu.memory_space<vmem_shared>> -> memref<50176x16xf32, #tpu.memory_space<vmem_shared>>
        tpu.enqueue_indirect_dma source(%dma_start3A_171 : memref<128x16xf32, #tpu.memory_space<vmem>>) target(%dma_start3A_177 : memref<50176x16xf32, #tpu.memory_space<vmem_shared>>) offsets(%dma_start3A_174 : memref<128xi32, #tpu.memory_space<vmem>>) semaphore(%run_scoped3A_168 : memref<!tpu.dma_semaphore, #tpu.memory_space<semaphore_mem>>) {add = true}
        %dma_wait3A_178 = arith.constant 0 : i32
        %dma_wait3A_179 = arith.constant 0 : i32
        %dma_wait3A_180 = tpu.memref_slice %arg12[%dma_wait3A_178, %dma_wait3A_179] : memref<256x16xf32, #tpu.memory_space<vmem>> -> memref<128x16xf32, #tpu.memory_space<vmem>>
        %dma_wait3A_181 = arith.constant 0 : i32
        %dma_wait3A_182 = tpu.memref_slice %arg9[%run_scoped3A, %dma_wait3A_181] : memref<2x128xi32, #tpu.memory_space<vmem>> -> memref<1x128xi32, #tpu.memory_space<vmem>>
        %dma_wait3A_183 = tpu.memref_squeeze %dma_wait3A_182 : memref<1x128xi32, #tpu.memory_space<vmem>> -> memref<128xi32, #tpu.memory_space<vmem>>
        %dma_wait3A_184 = arith.constant 0 : i32
        %dma_wait3A_185 = arith.constant 0 : i32
        %dma_wait3A_186 = tpu.memref_slice %arg7[%dma_wait3A_184, %dma_wait3A_185] : memref<50176x16xf32, #tpu.memory_space<vmem_shared>> -> memref<50176x16xf32, #tpu.memory_space<vmem_shared>>
        tpu.wait_indirect_dma semaphore(%run_scoped3A_168 : memref<!tpu.dma_semaphore, #tpu.memory_space<semaphore_mem>>) src(%dma_wait3A_180 : memref<128x16xf32, #tpu.memory_space<vmem>>) dst(%dma_wait3A_186 : memref<50176x16xf32, #tpu.memory_space<vmem_shared>>)
        tpu.yield
      }) : () -> ()
      %run_scoped3A_167 = arith.constant 1 : i32
      "tpu.region"() ({
        %run_scoped3A_168 = tpu.sem_alloc : memref<!tpu.dma_semaphore, #tpu.memory_space<semaphore_mem>>
        %dma_start3A_169 = arith.constant 128 : i32
        %dma_start3A_170 = arith.constant 0 : i32
        %dma_start3A_171 = tpu.memref_slice %arg12[%dma_start3A_169, %dma_start3A_170] : memref<256x16xf32, #tpu.memory_space<vmem>> -> memref<128x16xf32, #tpu.memory_space<vmem>>
        %dma_start3A_172 = arith.constant 0 : i32
        %dma_start3A_173 = tpu.memref_slice %arg9[%run_scoped3A_167, %dma_start3A_172] : memref<2x128xi32, #tpu.memory_space<vmem>> -> memref<1x128xi32, #tpu.memory_space<vmem>>
        %dma_start3A_174 = tpu.memref_squeeze %dma_start3A_173 : memref<1x128xi32, #tpu.memory_space<vmem>> -> memref<128xi32, #tpu.memory_space<vmem>>
        %dma_start3A_175 = arith.constant 0 : i32
        %dma_start3A_176 = arith.constant 0 : i32
        %dma_start3A_177 = tpu.memref_slice %arg7[%dma_start3A_175, %dma_start3A_176] : memref<50176x16xf32, #tpu.memory_space<vmem_shared>> -> memref<50176x16xf32, #tpu.memory_space<vmem_shared>>
        tpu.enqueue_indirect_dma source(%dma_start3A_171 : memref<128x16xf32, #tpu.memory_space<vmem>>) target(%dma_start3A_177 : memref<50176x16xf32, #tpu.memory_space<vmem_shared>>) offsets(%dma_start3A_174 : memref<128xi32, #tpu.memory_space<vmem>>) semaphore(%run_scoped3A_168 : memref<!tpu.dma_semaphore, #tpu.memory_space<semaphore_mem>>) {add = true}
        %dma_wait3A_178 = arith.constant 128 : i32
        %dma_wait3A_179 = arith.constant 0 : i32
        %dma_wait3A_180 = tpu.memref_slice %arg12[%dma_wait3A_178, %dma_wait3A_179] : memref<256x16xf32, #tpu.memory_space<vmem>> -> memref<128x16xf32, #tpu.memory_space<vmem>>
        %dma_wait3A_181 = arith.constant 0 : i32
        %dma_wait3A_182 = tpu.memref_slice %arg9[%run_scoped3A_167, %dma_wait3A_181] : memref<2x128xi32, #tpu.memory_space<vmem>> -> memref<1x128xi32, #tpu.memory_space<vmem>>
        %dma_wait3A_183 = tpu.memref_squeeze %dma_wait3A_182 : memref<1x128xi32, #tpu.memory_space<vmem>> -> memref<128xi32, #tpu.memory_space<vmem>>
        %dma_wait3A_184 = arith.constant 0 : i32
        %dma_wait3A_185 = arith.constant 0 : i32
        %dma_wait3A_186 = tpu.memref_slice %arg7[%dma_wait3A_184, %dma_wait3A_185] : memref<50176x16xf32, #tpu.memory_space<vmem_shared>> -> memref<50176x16xf32, #tpu.memory_space<vmem_shared>>
        tpu.wait_indirect_dma semaphore(%run_scoped3A_168 : memref<!tpu.dma_semaphore, #tpu.memory_space<semaphore_mem>>) src(%dma_wait3A_180 : memref<128x16xf32, #tpu.memory_space<vmem>>) dst(%dma_wait3A_186 : memref<50176x16xf32, #tpu.memory_space<vmem_shared>>)
        tpu.yield
      }) : () -> ()
    }
    %scan3A_62 = arith.constant 98 : i32
    %barrier3A_63 = arith.constant 0 : index
    tpu.barrier barrier_id(%barrier3A_63)
    %mul3A_64 = arith.constant 2 : i32
    %mul3A_65 = arith.muli %arg1, %mul3A_64 : i32
    %add3A_66 = arith.constant 0 : i32
    %add3A_67 = arith.addi %mul3A_65, %add3A_66 : i32
    %mul3A_68 = arith.constant 1568 : i32
    %mul3A_69 = arith.muli %add3A_67, %mul3A_68 : i32
    "tpu.region"() ({
      %run_scoped3A = tpu.sem_alloc : memref<!tpu.dma_semaphore, #tpu.memory_space<semaphore_mem>>
      %dma_start3A = arith.constant 0 : i32
      %dma_start3A_76 = tpu.memref_slice %arg6[%arg0, %mul3A_69, %dma_start3A] : memref<2x50176x16xf32, #tpu.memory_space<hbm>> -> memref<1x1568x16xf32, #tpu.memory_space<hbm>>
      %dma_start3A_77 = tpu.memref_squeeze %dma_start3A_76 : memref<1x1568x16xf32, #tpu.memory_space<hbm>> -> memref<1568x16xf32, #tpu.memory_space<hbm>>
      %dma_start3A_78 = arith.constant 0 : i32
      %dma_start3A_79 = tpu.memref_slice %arg7[%mul3A_69, %dma_start3A_78] : memref<50176x16xf32, #tpu.memory_space<vmem_shared>> -> memref<1568x16xf32, #tpu.memory_space<vmem_shared>>
      tpu.enqueue_dma source(%dma_start3A_79 : memref<1568x16xf32, #tpu.memory_space<vmem_shared>>) target(%dma_start3A_77 : memref<1568x16xf32, #tpu.memory_space<hbm>>) target_semaphore(%run_scoped3A : memref<!tpu.dma_semaphore, #tpu.memory_space<semaphore_mem>>)
      %dma_wait3A = arith.constant 0 : i32
      %dma_wait3A_80 = tpu.memref_slice %arg6[%arg0, %mul3A_69, %dma_wait3A] : memref<2x50176x16xf32, #tpu.memory_space<hbm>> -> memref<1x1568x16xf32, #tpu.memory_space<hbm>>
      %dma_wait3A_81 = tpu.memref_squeeze %dma_wait3A_80 : memref<1x1568x16xf32, #tpu.memory_space<hbm>> -> memref<1568x16xf32, #tpu.memory_space<hbm>>
      %dma_wait3A_82 = arith.constant 0 : i32
      %dma_wait3A_83 = tpu.memref_slice %arg7[%mul3A_69, %dma_wait3A_82] : memref<50176x16xf32, #tpu.memory_space<vmem_shared>> -> memref<1568x16xf32, #tpu.memory_space<vmem_shared>>
      tpu.wait_dma2 semaphore(%run_scoped3A : memref<!tpu.dma_semaphore, #tpu.memory_space<semaphore_mem>>) src(%dma_wait3A_83 : memref<1568x16xf32, #tpu.memory_space<vmem_shared>>) dst(%dma_wait3A_81 : memref<1568x16xf32, #tpu.memory_space<hbm>>)
      tpu.yield
    }) : () -> ()
    %mul3A_70 = arith.constant 2 : i32
    %mul3A_71 = arith.muli %arg1, %mul3A_70 : i32
    %add3A_72 = arith.constant 1 : i32
    %add3A_73 = arith.addi %mul3A_71, %add3A_72 : i32
    %mul3A_74 = arith.constant 1568 : i32
    %mul3A_75 = arith.muli %add3A_73, %mul3A_74 : i32
    "tpu.region"() ({
      %run_scoped3A = tpu.sem_alloc : memref<!tpu.dma_semaphore, #tpu.memory_space<semaphore_mem>>
      %dma_start3A = arith.constant 0 : i32
      %dma_start3A_76 = tpu.memref_slice %arg6[%arg0, %mul3A_75, %dma_start3A] : memref<2x50176x16xf32, #tpu.memory_space<hbm>> -> memref<1x1568x16xf32, #tpu.memory_space<hbm>>
      %dma_start3A_77 = tpu.memref_squeeze %dma_start3A_76 : memref<1x1568x16xf32, #tpu.memory_space<hbm>> -> memref<1568x16xf32, #tpu.memory_space<hbm>>
      %dma_start3A_78 = arith.constant 0 : i32
      %dma_start3A_79 = tpu.memref_slice %arg7[%mul3A_75, %dma_start3A_78] : memref<50176x16xf32, #tpu.memory_space<vmem_shared>> -> memref<1568x16xf32, #tpu.memory_space<vmem_shared>>
      tpu.enqueue_dma source(%dma_start3A_79 : memref<1568x16xf32, #tpu.memory_space<vmem_shared>>) target(%dma_start3A_77 : memref<1568x16xf32, #tpu.memory_space<hbm>>) target_semaphore(%run_scoped3A : memref<!tpu.dma_semaphore, #tpu.memory_space<semaphore_mem>>)
      %dma_wait3A = arith.constant 0 : i32
      %dma_wait3A_80 = tpu.memref_slice %arg6[%arg0, %mul3A_75, %dma_wait3A] : memref<2x50176x16xf32, #tpu.memory_space<hbm>> -> memref<1x1568x16xf32, #tpu.memory_space<hbm>>
      %dma_wait3A_81 = tpu.memref_squeeze %dma_wait3A_80 : memref<1x1568x16xf32, #tpu.memory_space<hbm>> -> memref<1568x16xf32, #tpu.memory_space<hbm>>
      %dma_wait3A_82 = arith.constant 0 : i32
      %dma_wait3A_83 = tpu.memref_slice %arg7[%mul3A_75, %dma_wait3A_82] : memref<50176x16xf32, #tpu.memory_space<vmem_shared>> -> memref<1568x16xf32, #tpu.memory_space<vmem_shared>>
      tpu.wait_dma2 semaphore(%run_scoped3A : memref<!tpu.dma_semaphore, #tpu.memory_space<semaphore_mem>>) src(%dma_wait3A_83 : memref<1568x16xf32, #tpu.memory_space<vmem_shared>>) dst(%dma_wait3A_81 : memref<1568x16xf32, #tpu.memory_space<hbm>>)
      tpu.yield
    }) : () -> ()
    return
  }
}

#map = affine_map<(d0, d1) -> (0, 0)>
#map1 = affine_map<(d0, d1) -> (0, 0, 0)>
#map2 = affine_map<(d0, d1) -> (0)>
module attributes {stable_mosaic.version = 14 : i64} {
  func.func @body(%arg0: i32, %arg1: i32, %arg2: memref<50000x64xf32, #tpu.memory_space<hbm>>, %arg3: memref<6272x128xi32, #tpu.memory_space<hbm>>, %arg4: memref<6272x128xi32, #tpu.memory_space<hbm>>, %arg5: memref<401408x128xf32, #tpu.memory_space<hbm>>, %arg6: memref<2x50176x16xf32, #tpu.memory_space<hbm>>, %arg7: memref<100352xf32, #tpu.memory_space<hbm>>, %arg8: memref<50176x16xf32, #tpu.memory_space<vmem_shared>>, %arg9: memref<2x128xi32, #tpu.memory_space<vmem>>, %arg10: memref<2x128xi32, #tpu.memory_space<vmem>>, %arg11: memref<128x128xf32, #tpu.memory_space<vmem>>, %arg12: memref<256x64xf32, #tpu.memory_space<vmem>>, %arg13: memref<256x16xf32, #tpu.memory_space<vmem>>, %arg14: memref<392x16xf32, #tpu.memory_space<vmem>>, %arg15: memref<!tpu.dma_semaphore, #tpu.memory_space<semaphore_mem>>, %arg16: memref<50176xf32, #tpu.memory_space<vmem_shared>>, %arg17: memref<128xf32, #tpu.memory_space<vmem>>, %arg18: memref<392xf32, #tpu.memory_space<vmem>>) attributes {dimension_semantics = [#tpu.dimension_semantics<core_parallel>, #tpu.dimension_semantics<subcore_parallel>], iteration_bounds = array<i64: 2, 16>, scalar_prefetch = 0 : i64, scratch_operands = 11 : i64, tpu.core_type = #tpu.core_type<sc_vector_subcore>, window_params = [{transform_indices = #map}, {transform_indices = #map}, {transform_indices = #map}, {transform_indices = #map}, {transform_indices = #map1}, {transform_indices = #map2}]} {
    %mul3A = arith.constant 2 : i32
    %mul3A_0 = arith.muli %arg1, %mul3A : i32
    %add3A = arith.addi %mul3A_0, %arg0 : i32
    %broadcast_in_dim3A = arith.constant 0.000000e+00 : f32
    %broadcast_in_dim3A_1 = vector.broadcast %broadcast_in_dim3A : f32 to vector<16xf32>
    %broadcast_in_dim3A_2 = arith.constant 1.000000e+00 : f32
    %broadcast_in_dim3A_3 = vector.broadcast %broadcast_in_dim3A_2 : f32 to vector<16xf32>
    %scan3A = arith.constant 0 : i32
    %scan3A_4 = arith.constant 0 : i32
    %scan3A_5 = arith.constant 392 : i32
    %scan3A_6 = arith.addi %scan3A_4, %scan3A_5 : i32
    %scan3A_7 = arith.constant 1 : i32
    scf.for %scan3A_95 = %scan3A_4 to %scan3A_6 step %scan3A_7  : i32 {
      %swap3A = arith.index_cast %scan3A_95 : i32 to index
      %swap3A_96 = arith.constant 0 : index
      %swap3A_97 = tpu.vector_load %arg14[%swap3A, %swap3A_96] {strides = array<i32>} : memref<392x16xf32, #tpu.memory_space<vmem>>, vector<1x16xf32>,
      %swap3A_98 = vector.shape_cast %swap3A_97 : vector<1x16xf32> to vector<16xf32>
      %swap3A_99 = vector.shape_cast %broadcast_in_dim3A_1 : vector<16xf32> to vector<1x16xf32>
      tpu.vector_store %arg14[%swap3A, %swap3A_96], %swap3A_99 {strides = array<i32>} : memref<392x16xf32, #tpu.memory_space<vmem>>, vector<1x16xf32>,
    }
    %scan3A_8 = arith.constant 392 : i32
    %scan3A_9 = arith.constant 0 : i32
    %scan3A_10 = arith.constant 0 : i32
    %scan3A_11 = arith.constant 25 : i32
    %scan3A_12 = arith.addi %scan3A_10, %scan3A_11 : i32
    %scan3A_13 = arith.constant 1 : i32
    scf.for %scan3A_95 = %scan3A_10 to %scan3A_12 step %scan3A_13  : i32 {
      %mul3A_96 = arith.constant 16 : i32
      %mul3A_97 = arith.muli %scan3A_95, %mul3A_96 : i32
      %min3A = arith.constant 376 : i32
      %min3A_98 = arith.minsi %mul3A_97, %min3A : i32
      %swap3A = arith.index_cast %min3A_98 : i32 to index
      %swap3A_99 = tpu.vector_load %arg18[%swap3A] {strides = array<i32>} : memref<392xf32, #tpu.memory_space<vmem>>, vector<16xf32>,
      %swap3A_100 = vector.shape_cast %swap3A_99 : vector<16xf32> to vector<16xf32>
      %swap3A_101 = vector.shape_cast %broadcast_in_dim3A_1 : vector<16xf32> to vector<16xf32>
      tpu.vector_store %arg18[%swap3A], %swap3A_101 {strides = array<i32>} : memref<392xf32, #tpu.memory_space<vmem>>, vector<16xf32>,
    }
    %scan3A_14 = arith.constant 25 : i32
    %scan3A_15 = arith.constant 0 : i32
    %scan3A_16 = arith.constant 0 : i32
    %scan3A_17 = arith.constant 8 : i32
    %scan3A_18 = arith.addi %scan3A_16, %scan3A_17 : i32
    %scan3A_19 = arith.constant 1 : i32
    scf.for %scan3A_95 = %scan3A_16 to %scan3A_18 step %scan3A_19  : i32 {
      %mul3A_96 = arith.constant 16 : i32
      %mul3A_97 = arith.muli %scan3A_95, %mul3A_96 : i32
      %swap3A = arith.index_cast %mul3A_97 : i32 to index
      %swap3A_98 = tpu.vector_load %arg17[%swap3A] {strides = array<i32>} : memref<128xf32, #tpu.memory_space<vmem>>, vector<16xf32>,
      %swap3A_99 = vector.shape_cast %swap3A_98 : vector<16xf32> to vector<16xf32>
      %swap3A_100 = vector.shape_cast %broadcast_in_dim3A_3 : vector<16xf32> to vector<16xf32>
      tpu.vector_store %arg17[%swap3A], %swap3A_100 {strides = array<i32>} : memref<128xf32, #tpu.memory_space<vmem>>, vector<16xf32>,
    }
    %scan3A_20 = arith.constant 8 : i32
    %mul3A_21 = arith.constant 2 : i32
    %mul3A_22 = arith.muli %arg1, %mul3A_21 : i32
    %mul3A_23 = arith.constant 1568 : i32
    %mul3A_24 = arith.muli %mul3A_22, %mul3A_23 : i32
    %add3A_25 = arith.constant 0 : i32
    %add3A_26 = arith.addi %mul3A_24, %add3A_25 : i32
    "tpu.region"() ({
      %run_scoped3A = tpu.sem_alloc : memref<!tpu.dma_semaphore, #tpu.memory_space<semaphore_mem>>
      %dma_start3A = arith.constant 0 : i32
      %dma_start3A_95 = tpu.memref_slice %arg8[%add3A_26, %dma_start3A] : memref<50176x16xf32, #tpu.memory_space<vmem_shared>> -> memref<392x16xf32, #tpu.memory_space<vmem_shared>>
      %dma_start3A_96 = arith.constant 0 : i32
      %dma_start3A_97 = tpu.memref_slice %arg8[%add3A_26, %dma_start3A_96] : memref<50176x16xf32, #tpu.memory_space<vmem_shared>> -> memref<392x16xf32, #tpu.memory_space<vmem_shared>>
      tpu.enqueue_dma source(%arg14 : memref<392x16xf32, #tpu.memory_space<vmem>>) target(%dma_start3A_97 : memref<392x16xf32, #tpu.memory_space<vmem_shared>>) target_semaphore(%run_scoped3A : memref<!tpu.dma_semaphore, #tpu.memory_space<semaphore_mem>>)
      %dma_wait3A = arith.constant 0 : i32
      %dma_wait3A_98 = tpu.memref_slice %arg8[%add3A_26, %dma_wait3A] : memref<50176x16xf32, #tpu.memory_space<vmem_shared>> -> memref<392x16xf32, #tpu.memory_space<vmem_shared>>
      %dma_wait3A_99 = arith.constant 0 : i32
      %dma_wait3A_100 = tpu.memref_slice %arg8[%add3A_26, %dma_wait3A_99] : memref<50176x16xf32, #tpu.memory_space<vmem_shared>> -> memref<392x16xf32, #tpu.memory_space<vmem_shared>>
      tpu.wait_dma2 semaphore(%run_scoped3A : memref<!tpu.dma_semaphore, #tpu.memory_space<semaphore_mem>>) src(%arg14 : memref<392x16xf32, #tpu.memory_space<vmem>>) dst(%dma_wait3A_100 : memref<392x16xf32, #tpu.memory_space<vmem_shared>>)
      tpu.yield
    }) : () -> ()
    "tpu.region"() ({
      %run_scoped3A = tpu.sem_alloc : memref<!tpu.dma_semaphore, #tpu.memory_space<semaphore_mem>>
      %dma_start3A = tpu.memref_slice %arg16[%add3A_26] : memref<50176xf32, #tpu.memory_space<vmem_shared>> -> memref<392xf32, #tpu.memory_space<vmem_shared>>
      %dma_start3A_95 = tpu.memref_slice %arg16[%add3A_26] : memref<50176xf32, #tpu.memory_space<vmem_shared>> -> memref<392xf32, #tpu.memory_space<vmem_shared>>
      tpu.enqueue_dma source(%arg18 : memref<392xf32, #tpu.memory_space<vmem>>) target(%dma_start3A_95 : memref<392xf32, #tpu.memory_space<vmem_shared>>) target_semaphore(%run_scoped3A : memref<!tpu.dma_semaphore, #tpu.memory_space<semaphore_mem>>)
      %dma_wait3A = tpu.memref_slice %arg16[%add3A_26] : memref<50176xf32, #tpu.memory_space<vmem_shared>> -> memref<392xf32, #tpu.memory_space<vmem_shared>>
      %dma_wait3A_96 = tpu.memref_slice %arg16[%add3A_26] : memref<50176xf32, #tpu.memory_space<vmem_shared>> -> memref<392xf32, #tpu.memory_space<vmem_shared>>
      tpu.wait_dma2 semaphore(%run_scoped3A : memref<!tpu.dma_semaphore, #tpu.memory_space<semaphore_mem>>) src(%arg18 : memref<392xf32, #tpu.memory_space<vmem>>) dst(%dma_wait3A_96 : memref<392xf32, #tpu.memory_space<vmem_shared>>)
      tpu.yield
    }) : () -> ()
    %mul3A_27 = arith.constant 2 : i32
    %mul3A_28 = arith.muli %arg1, %mul3A_27 : i32
    %mul3A_29 = arith.constant 1568 : i32
    %mul3A_30 = arith.muli %mul3A_28, %mul3A_29 : i32
    %add3A_31 = arith.constant 392 : i32
    %add3A_32 = arith.addi %mul3A_30, %add3A_31 : i32
    "tpu.region"() ({
      %run_scoped3A = tpu.sem_alloc : memref<!tpu.dma_semaphore, #tpu.memory_space<semaphore_mem>>
      %dma_start3A = arith.constant 0 : i32
      %dma_start3A_95 = tpu.memref_slice %arg8[%add3A_32, %dma_start3A] : memref<50176x16xf32, #tpu.memory_space<vmem_shared>> -> memref<392x16xf32, #tpu.memory_space<vmem_shared>>
      %dma_start3A_96 = arith.constant 0 : i32
      %dma_start3A_97 = tpu.memref_slice %arg8[%add3A_32, %dma_start3A_96] : memref<50176x16xf32, #tpu.memory_space<vmem_shared>> -> memref<392x16xf32, #tpu.memory_space<vmem_shared>>
      tpu.enqueue_dma source(%arg14 : memref<392x16xf32, #tpu.memory_space<vmem>>) target(%dma_start3A_97 : memref<392x16xf32, #tpu.memory_space<vmem_shared>>) target_semaphore(%run_scoped3A : memref<!tpu.dma_semaphore, #tpu.memory_space<semaphore_mem>>)
      %dma_wait3A = arith.constant 0 : i32
      %dma_wait3A_98 = tpu.memref_slice %arg8[%add3A_32, %dma_wait3A] : memref<50176x16xf32, #tpu.memory_space<vmem_shared>> -> memref<392x16xf32, #tpu.memory_space<vmem_shared>>
      %dma_wait3A_99 = arith.constant 0 : i32
      %dma_wait3A_100 = tpu.memref_slice %arg8[%add3A_32, %dma_wait3A_99] : memref<50176x16xf32, #tpu.memory_space<vmem_shared>> -> memref<392x16xf32, #tpu.memory_space<vmem_shared>>
      tpu.wait_dma2 semaphore(%run_scoped3A : memref<!tpu.dma_semaphore, #tpu.memory_space<semaphore_mem>>) src(%arg14 : memref<392x16xf32, #tpu.memory_space<vmem>>) dst(%dma_wait3A_100 : memref<392x16xf32, #tpu.memory_space<vmem_shared>>)
      tpu.yield
    }) : () -> ()
    "tpu.region"() ({
      %run_scoped3A = tpu.sem_alloc : memref<!tpu.dma_semaphore, #tpu.memory_space<semaphore_mem>>
      %dma_start3A = tpu.memref_slice %arg16[%add3A_32] : memref<50176xf32, #tpu.memory_space<vmem_shared>> -> memref<392xf32, #tpu.memory_space<vmem_shared>>
      %dma_start3A_95 = tpu.memref_slice %arg16[%add3A_32] : memref<50176xf32, #tpu.memory_space<vmem_shared>> -> memref<392xf32, #tpu.memory_space<vmem_shared>>
      tpu.enqueue_dma source(%arg18 : memref<392xf32, #tpu.memory_space<vmem>>) target(%dma_start3A_95 : memref<392xf32, #tpu.memory_space<vmem_shared>>) target_semaphore(%run_scoped3A : memref<!tpu.dma_semaphore, #tpu.memory_space<semaphore_mem>>)
      %dma_wait3A = tpu.memref_slice %arg16[%add3A_32] : memref<50176xf32, #tpu.memory_space<vmem_shared>> -> memref<392xf32, #tpu.memory_space<vmem_shared>>
      %dma_wait3A_96 = tpu.memref_slice %arg16[%add3A_32] : memref<50176xf32, #tpu.memory_space<vmem_shared>> -> memref<392xf32, #tpu.memory_space<vmem_shared>>
      tpu.wait_dma2 semaphore(%run_scoped3A : memref<!tpu.dma_semaphore, #tpu.memory_space<semaphore_mem>>) src(%arg18 : memref<392xf32, #tpu.memory_space<vmem>>) dst(%dma_wait3A_96 : memref<392xf32, #tpu.memory_space<vmem_shared>>)
      tpu.yield
    }) : () -> ()
    %mul3A_33 = arith.constant 2 : i32
    %mul3A_34 = arith.muli %arg1, %mul3A_33 : i32
    %mul3A_35 = arith.constant 1568 : i32
    %mul3A_36 = arith.muli %mul3A_34, %mul3A_35 : i32
    %add3A_37 = arith.constant 784 : i32
    %add3A_38 = arith.addi %mul3A_36, %add3A_37 : i32
    "tpu.region"() ({
      %run_scoped3A = tpu.sem_alloc : memref<!tpu.dma_semaphore, #tpu.memory_space<semaphore_mem>>
      %dma_start3A = arith.constant 0 : i32
      %dma_start3A_95 = tpu.memref_slice %arg8[%add3A_38, %dma_start3A] : memref<50176x16xf32, #tpu.memory_space<vmem_shared>> -> memref<392x16xf32, #tpu.memory_space<vmem_shared>>
      %dma_start3A_96 = arith.constant 0 : i32
      %dma_start3A_97 = tpu.memref_slice %arg8[%add3A_38, %dma_start3A_96] : memref<50176x16xf32, #tpu.memory_space<vmem_shared>> -> memref<392x16xf32, #tpu.memory_space<vmem_shared>>
      tpu.enqueue_dma source(%arg14 : memref<392x16xf32, #tpu.memory_space<vmem>>) target(%dma_start3A_97 : memref<392x16xf32, #tpu.memory_space<vmem_shared>>) target_semaphore(%run_scoped3A : memref<!tpu.dma_semaphore, #tpu.memory_space<semaphore_mem>>)
      %dma_wait3A = arith.constant 0 : i32
      %dma_wait3A_98 = tpu.memref_slice %arg8[%add3A_38, %dma_wait3A] : memref<50176x16xf32, #tpu.memory_space<vmem_shared>> -> memref<392x16xf32, #tpu.memory_space<vmem_shared>>
      %dma_wait3A_99 = arith.constant 0 : i32
      %dma_wait3A_100 = tpu.memref_slice %arg8[%add3A_38, %dma_wait3A_99] : memref<50176x16xf32, #tpu.memory_space<vmem_shared>> -> memref<392x16xf32, #tpu.memory_space<vmem_shared>>
      tpu.wait_dma2 semaphore(%run_scoped3A : memref<!tpu.dma_semaphore, #tpu.memory_space<semaphore_mem>>) src(%arg14 : memref<392x16xf32, #tpu.memory_space<vmem>>) dst(%dma_wait3A_100 : memref<392x16xf32, #tpu.memory_space<vmem_shared>>)
      tpu.yield
    }) : () -> ()
    "tpu.region"() ({
      %run_scoped3A = tpu.sem_alloc : memref<!tpu.dma_semaphore, #tpu.memory_space<semaphore_mem>>
      %dma_start3A = tpu.memref_slice %arg16[%add3A_38] : memref<50176xf32, #tpu.memory_space<vmem_shared>> -> memref<392xf32, #tpu.memory_space<vmem_shared>>
      %dma_start3A_95 = tpu.memref_slice %arg16[%add3A_38] : memref<50176xf32, #tpu.memory_space<vmem_shared>> -> memref<392xf32, #tpu.memory_space<vmem_shared>>
      tpu.enqueue_dma source(%arg18 : memref<392xf32, #tpu.memory_space<vmem>>) target(%dma_start3A_95 : memref<392xf32, #tpu.memory_space<vmem_shared>>) target_semaphore(%run_scoped3A : memref<!tpu.dma_semaphore, #tpu.memory_space<semaphore_mem>>)
      %dma_wait3A = tpu.memref_slice %arg16[%add3A_38] : memref<50176xf32, #tpu.memory_space<vmem_shared>> -> memref<392xf32, #tpu.memory_space<vmem_shared>>
      %dma_wait3A_96 = tpu.memref_slice %arg16[%add3A_38] : memref<50176xf32, #tpu.memory_space<vmem_shared>> -> memref<392xf32, #tpu.memory_space<vmem_shared>>
      tpu.wait_dma2 semaphore(%run_scoped3A : memref<!tpu.dma_semaphore, #tpu.memory_space<semaphore_mem>>) src(%arg18 : memref<392xf32, #tpu.memory_space<vmem>>) dst(%dma_wait3A_96 : memref<392xf32, #tpu.memory_space<vmem_shared>>)
      tpu.yield
    }) : () -> ()
    %mul3A_39 = arith.constant 2 : i32
    %mul3A_40 = arith.muli %arg1, %mul3A_39 : i32
    %mul3A_41 = arith.constant 1568 : i32
    %mul3A_42 = arith.muli %mul3A_40, %mul3A_41 : i32
    %add3A_43 = arith.constant 1176 : i32
    %add3A_44 = arith.addi %mul3A_42, %add3A_43 : i32
    "tpu.region"() ({
      %run_scoped3A = tpu.sem_alloc : memref<!tpu.dma_semaphore, #tpu.memory_space<semaphore_mem>>
      %dma_start3A = arith.constant 0 : i32
      %dma_start3A_95 = tpu.memref_slice %arg8[%add3A_44, %dma_start3A] : memref<50176x16xf32, #tpu.memory_space<vmem_shared>> -> memref<392x16xf32, #tpu.memory_space<vmem_shared>>
      %dma_start3A_96 = arith.constant 0 : i32
      %dma_start3A_97 = tpu.memref_slice %arg8[%add3A_44, %dma_start3A_96] : memref<50176x16xf32, #tpu.memory_space<vmem_shared>> -> memref<392x16xf32, #tpu.memory_space<vmem_shared>>
      tpu.enqueue_dma source(%arg14 : memref<392x16xf32, #tpu.memory_space<vmem>>) target(%dma_start3A_97 : memref<392x16xf32, #tpu.memory_space<vmem_shared>>) target_semaphore(%run_scoped3A : memref<!tpu.dma_semaphore, #tpu.memory_space<semaphore_mem>>)
      %dma_wait3A = arith.constant 0 : i32
      %dma_wait3A_98 = tpu.memref_slice %arg8[%add3A_44, %dma_wait3A] : memref<50176x16xf32, #tpu.memory_space<vmem_shared>> -> memref<392x16xf32, #tpu.memory_space<vmem_shared>>
      %dma_wait3A_99 = arith.constant 0 : i32
      %dma_wait3A_100 = tpu.memref_slice %arg8[%add3A_44, %dma_wait3A_99] : memref<50176x16xf32, #tpu.memory_space<vmem_shared>> -> memref<392x16xf32, #tpu.memory_space<vmem_shared>>
      tpu.wait_dma2 semaphore(%run_scoped3A : memref<!tpu.dma_semaphore, #tpu.memory_space<semaphore_mem>>) src(%arg14 : memref<392x16xf32, #tpu.memory_space<vmem>>) dst(%dma_wait3A_100 : memref<392x16xf32, #tpu.memory_space<vmem_shared>>)
      tpu.yield
    }) : () -> ()
    "tpu.region"() ({
      %run_scoped3A = tpu.sem_alloc : memref<!tpu.dma_semaphore, #tpu.memory_space<semaphore_mem>>
      %dma_start3A = tpu.memref_slice %arg16[%add3A_44] : memref<50176xf32, #tpu.memory_space<vmem_shared>> -> memref<392xf32, #tpu.memory_space<vmem_shared>>
      %dma_start3A_95 = tpu.memref_slice %arg16[%add3A_44] : memref<50176xf32, #tpu.memory_space<vmem_shared>> -> memref<392xf32, #tpu.memory_space<vmem_shared>>
      tpu.enqueue_dma source(%arg18 : memref<392xf32, #tpu.memory_space<vmem>>) target(%dma_start3A_95 : memref<392xf32, #tpu.memory_space<vmem_shared>>) target_semaphore(%run_scoped3A : memref<!tpu.dma_semaphore, #tpu.memory_space<semaphore_mem>>)
      %dma_wait3A = tpu.memref_slice %arg16[%add3A_44] : memref<50176xf32, #tpu.memory_space<vmem_shared>> -> memref<392xf32, #tpu.memory_space<vmem_shared>>
      %dma_wait3A_96 = tpu.memref_slice %arg16[%add3A_44] : memref<50176xf32, #tpu.memory_space<vmem_shared>> -> memref<392xf32, #tpu.memory_space<vmem_shared>>
      tpu.wait_dma2 semaphore(%run_scoped3A : memref<!tpu.dma_semaphore, #tpu.memory_space<semaphore_mem>>) src(%arg18 : memref<392xf32, #tpu.memory_space<vmem>>) dst(%dma_wait3A_96 : memref<392xf32, #tpu.memory_space<vmem_shared>>)
      tpu.yield
    }) : () -> ()
    %mul3A_45 = arith.constant 2 : i32
    %mul3A_46 = arith.muli %arg1, %mul3A_45 : i32
    %mul3A_47 = arith.constant 1568 : i32
    %mul3A_48 = arith.muli %mul3A_46, %mul3A_47 : i32
    %add3A_49 = arith.constant 1568 : i32
    %add3A_50 = arith.addi %mul3A_48, %add3A_49 : i32
    "tpu.region"() ({
      %run_scoped3A = tpu.sem_alloc : memref<!tpu.dma_semaphore, #tpu.memory_space<semaphore_mem>>
      %dma_start3A = arith.constant 0 : i32
      %dma_start3A_95 = tpu.memref_slice %arg8[%add3A_50, %dma_start3A] : memref<50176x16xf32, #tpu.memory_space<vmem_shared>> -> memref<392x16xf32, #tpu.memory_space<vmem_shared>>
      %dma_start3A_96 = arith.constant 0 : i32
      %dma_start3A_97 = tpu.memref_slice %arg8[%add3A_50, %dma_start3A_96] : memref<50176x16xf32, #tpu.memory_space<vmem_shared>> -> memref<392x16xf32, #tpu.memory_space<vmem_shared>>
      tpu.enqueue_dma source(%arg14 : memref<392x16xf32, #tpu.memory_space<vmem>>) target(%dma_start3A_97 : memref<392x16xf32, #tpu.memory_space<vmem_shared>>) target_semaphore(%run_scoped3A : memref<!tpu.dma_semaphore, #tpu.memory_space<semaphore_mem>>)
      %dma_wait3A = arith.constant 0 : i32
      %dma_wait3A_98 = tpu.memref_slice %arg8[%add3A_50, %dma_wait3A] : memref<50176x16xf32, #tpu.memory_space<vmem_shared>> -> memref<392x16xf32, #tpu.memory_space<vmem_shared>>
      %dma_wait3A_99 = arith.constant 0 : i32
      %dma_wait3A_100 = tpu.memref_slice %arg8[%add3A_50, %dma_wait3A_99] : memref<50176x16xf32, #tpu.memory_space<vmem_shared>> -> memref<392x16xf32, #tpu.memory_space<vmem_shared>>
      tpu.wait_dma2 semaphore(%run_scoped3A : memref<!tpu.dma_semaphore, #tpu.memory_space<semaphore_mem>>) src(%arg14 : memref<392x16xf32, #tpu.memory_space<vmem>>) dst(%dma_wait3A_100 : memref<392x16xf32, #tpu.memory_space<vmem_shared>>)
      tpu.yield
    }) : () -> ()
    "tpu.region"() ({
      %run_scoped3A = tpu.sem_alloc : memref<!tpu.dma_semaphore, #tpu.memory_space<semaphore_mem>>
      %dma_start3A = tpu.memref_slice %arg16[%add3A_50] : memref<50176xf32, #tpu.memory_space<vmem_shared>> -> memref<392xf32, #tpu.memory_space<vmem_shared>>
      %dma_start3A_95 = tpu.memref_slice %arg16[%add3A_50] : memref<50176xf32, #tpu.memory_space<vmem_shared>> -> memref<392xf32, #tpu.memory_space<vmem_shared>>
      tpu.enqueue_dma source(%arg18 : memref<392xf32, #tpu.memory_space<vmem>>) target(%dma_start3A_95 : memref<392xf32, #tpu.memory_space<vmem_shared>>) target_semaphore(%run_scoped3A : memref<!tpu.dma_semaphore, #tpu.memory_space<semaphore_mem>>)
      %dma_wait3A = tpu.memref_slice %arg16[%add3A_50] : memref<50176xf32, #tpu.memory_space<vmem_shared>> -> memref<392xf32, #tpu.memory_space<vmem_shared>>
      %dma_wait3A_96 = tpu.memref_slice %arg16[%add3A_50] : memref<50176xf32, #tpu.memory_space<vmem_shared>> -> memref<392xf32, #tpu.memory_space<vmem_shared>>
      tpu.wait_dma2 semaphore(%run_scoped3A : memref<!tpu.dma_semaphore, #tpu.memory_space<semaphore_mem>>) src(%arg18 : memref<392xf32, #tpu.memory_space<vmem>>) dst(%dma_wait3A_96 : memref<392xf32, #tpu.memory_space<vmem_shared>>)
      tpu.yield
    }) : () -> ()
    %mul3A_51 = arith.constant 2 : i32
    %mul3A_52 = arith.muli %arg1, %mul3A_51 : i32
    %mul3A_53 = arith.constant 1568 : i32
    %mul3A_54 = arith.muli %mul3A_52, %mul3A_53 : i32
    %add3A_55 = arith.constant 1960 : i32
    %add3A_56 = arith.addi %mul3A_54, %add3A_55 : i32
    "tpu.region"() ({
      %run_scoped3A = tpu.sem_alloc : memref<!tpu.dma_semaphore, #tpu.memory_space<semaphore_mem>>
      %dma_start3A = arith.constant 0 : i32
      %dma_start3A_95 = tpu.memref_slice %arg8[%add3A_56, %dma_start3A] : memref<50176x16xf32, #tpu.memory_space<vmem_shared>> -> memref<392x16xf32, #tpu.memory_space<vmem_shared>>
      %dma_start3A_96 = arith.constant 0 : i32
      %dma_start3A_97 = tpu.memref_slice %arg8[%add3A_56, %dma_start3A_96] : memref<50176x16xf32, #tpu.memory_space<vmem_shared>> -> memref<392x16xf32, #tpu.memory_space<vmem_shared>>
      tpu.enqueue_dma source(%arg14 : memref<392x16xf32, #tpu.memory_space<vmem>>) target(%dma_start3A_97 : memref<392x16xf32, #tpu.memory_space<vmem_shared>>) target_semaphore(%run_scoped3A : memref<!tpu.dma_semaphore, #tpu.memory_space<semaphore_mem>>)
      %dma_wait3A = arith.constant 0 : i32
      %dma_wait3A_98 = tpu.memref_slice %arg8[%add3A_56, %dma_wait3A] : memref<50176x16xf32, #tpu.memory_space<vmem_shared>> -> memref<392x16xf32, #tpu.memory_space<vmem_shared>>
      %dma_wait3A_99 = arith.constant 0 : i32
      %dma_wait3A_100 = tpu.memref_slice %arg8[%add3A_56, %dma_wait3A_99] : memref<50176x16xf32, #tpu.memory_space<vmem_shared>> -> memref<392x16xf32, #tpu.memory_space<vmem_shared>>
      tpu.wait_dma2 semaphore(%run_scoped3A : memref<!tpu.dma_semaphore, #tpu.memory_space<semaphore_mem>>) src(%arg14 : memref<392x16xf32, #tpu.memory_space<vmem>>) dst(%dma_wait3A_100 : memref<392x16xf32, #tpu.memory_space<vmem_shared>>)
      tpu.yield
    }) : () -> ()
    "tpu.region"() ({
      %run_scoped3A = tpu.sem_alloc : memref<!tpu.dma_semaphore, #tpu.memory_space<semaphore_mem>>
      %dma_start3A = tpu.memref_slice %arg16[%add3A_56] : memref<50176xf32, #tpu.memory_space<vmem_shared>> -> memref<392xf32, #tpu.memory_space<vmem_shared>>
      %dma_start3A_95 = tpu.memref_slice %arg16[%add3A_56] : memref<50176xf32, #tpu.memory_space<vmem_shared>> -> memref<392xf32, #tpu.memory_space<vmem_shared>>
      tpu.enqueue_dma source(%arg18 : memref<392xf32, #tpu.memory_space<vmem>>) target(%dma_start3A_95 : memref<392xf32, #tpu.memory_space<vmem_shared>>) target_semaphore(%run_scoped3A : memref<!tpu.dma_semaphore, #tpu.memory_space<semaphore_mem>>)
      %dma_wait3A = tpu.memref_slice %arg16[%add3A_56] : memref<50176xf32, #tpu.memory_space<vmem_shared>> -> memref<392xf32, #tpu.memory_space<vmem_shared>>
      %dma_wait3A_96 = tpu.memref_slice %arg16[%add3A_56] : memref<50176xf32, #tpu.memory_space<vmem_shared>> -> memref<392xf32, #tpu.memory_space<vmem_shared>>
      tpu.wait_dma2 semaphore(%run_scoped3A : memref<!tpu.dma_semaphore, #tpu.memory_space<semaphore_mem>>) src(%arg18 : memref<392xf32, #tpu.memory_space<vmem>>) dst(%dma_wait3A_96 : memref<392xf32, #tpu.memory_space<vmem_shared>>)
      tpu.yield
    }) : () -> ()
    %mul3A_57 = arith.constant 2 : i32
    %mul3A_58 = arith.muli %arg1, %mul3A_57 : i32
    %mul3A_59 = arith.constant 1568 : i32
    %mul3A_60 = arith.muli %mul3A_58, %mul3A_59 : i32
    %add3A_61 = arith.constant 2352 : i32
    %add3A_62 = arith.addi %mul3A_60, %add3A_61 : i32
    "tpu.region"() ({
      %run_scoped3A = tpu.sem_alloc : memref<!tpu.dma_semaphore, #tpu.memory_space<semaphore_mem>>
      %dma_start3A = arith.constant 0 : i32
      %dma_start3A_95 = tpu.memref_slice %arg8[%add3A_62, %dma_start3A] : memref<50176x16xf32, #tpu.memory_space<vmem_shared>> -> memref<392x16xf32, #tpu.memory_space<vmem_shared>>
      %dma_start3A_96 = arith.constant 0 : i32
      %dma_start3A_97 = tpu.memref_slice %arg8[%add3A_62, %dma_start3A_96] : memref<50176x16xf32, #tpu.memory_space<vmem_shared>> -> memref<392x16xf32, #tpu.memory_space<vmem_shared>>
      tpu.enqueue_dma source(%arg14 : memref<392x16xf32, #tpu.memory_space<vmem>>) target(%dma_start3A_97 : memref<392x16xf32, #tpu.memory_space<vmem_shared>>) target_semaphore(%run_scoped3A : memref<!tpu.dma_semaphore, #tpu.memory_space<semaphore_mem>>)
      %dma_wait3A = arith.constant 0 : i32
      %dma_wait3A_98 = tpu.memref_slice %arg8[%add3A_62, %dma_wait3A] : memref<50176x16xf32, #tpu.memory_space<vmem_shared>> -> memref<392x16xf32, #tpu.memory_space<vmem_shared>>
      %dma_wait3A_99 = arith.constant 0 : i32
      %dma_wait3A_100 = tpu.memref_slice %arg8[%add3A_62, %dma_wait3A_99] : memref<50176x16xf32, #tpu.memory_space<vmem_shared>> -> memref<392x16xf32, #tpu.memory_space<vmem_shared>>
      tpu.wait_dma2 semaphore(%run_scoped3A : memref<!tpu.dma_semaphore, #tpu.memory_space<semaphore_mem>>) src(%arg14 : memref<392x16xf32, #tpu.memory_space<vmem>>) dst(%dma_wait3A_100 : memref<392x16xf32, #tpu.memory_space<vmem_shared>>)
      tpu.yield
    }) : () -> ()
    "tpu.region"() ({
      %run_scoped3A = tpu.sem_alloc : memref<!tpu.dma_semaphore, #tpu.memory_space<semaphore_mem>>
      %dma_start3A = tpu.memref_slice %arg16[%add3A_62] : memref<50176xf32, #tpu.memory_space<vmem_shared>> -> memref<392xf32, #tpu.memory_space<vmem_shared>>
      %dma_start3A_95 = tpu.memref_slice %arg16[%add3A_62] : memref<50176xf32, #tpu.memory_space<vmem_shared>> -> memref<392xf32, #tpu.memory_space<vmem_shared>>
      tpu.enqueue_dma source(%arg18 : memref<392xf32, #tpu.memory_space<vmem>>) target(%dma_start3A_95 : memref<392xf32, #tpu.memory_space<vmem_shared>>) target_semaphore(%run_scoped3A : memref<!tpu.dma_semaphore, #tpu.memory_space<semaphore_mem>>)
      %dma_wait3A = tpu.memref_slice %arg16[%add3A_62] : memref<50176xf32, #tpu.memory_space<vmem_shared>> -> memref<392xf32, #tpu.memory_space<vmem_shared>>
      %dma_wait3A_96 = tpu.memref_slice %arg16[%add3A_62] : memref<50176xf32, #tpu.memory_space<vmem_shared>> -> memref<392xf32, #tpu.memory_space<vmem_shared>>
      tpu.wait_dma2 semaphore(%run_scoped3A : memref<!tpu.dma_semaphore, #tpu.memory_space<semaphore_mem>>) src(%arg18 : memref<392xf32, #tpu.memory_space<vmem>>) dst(%dma_wait3A_96 : memref<392xf32, #tpu.memory_space<vmem_shared>>)
      tpu.yield
    }) : () -> ()
    %mul3A_63 = arith.constant 2 : i32
    %mul3A_64 = arith.muli %arg1, %mul3A_63 : i32
    %mul3A_65 = arith.constant 1568 : i32
    %mul3A_66 = arith.muli %mul3A_64, %mul3A_65 : i32
    %add3A_67 = arith.constant 2744 : i32
    %add3A_68 = arith.addi %mul3A_66, %add3A_67 : i32
    "tpu.region"() ({
      %run_scoped3A = tpu.sem_alloc : memref<!tpu.dma_semaphore, #tpu.memory_space<semaphore_mem>>
      %dma_start3A = arith.constant 0 : i32
      %dma_start3A_95 = tpu.memref_slice %arg8[%add3A_68, %dma_start3A] : memref<50176x16xf32, #tpu.memory_space<vmem_shared>> -> memref<392x16xf32, #tpu.memory_space<vmem_shared>>
      %dma_start3A_96 = arith.constant 0 : i32
      %dma_start3A_97 = tpu.memref_slice %arg8[%add3A_68, %dma_start3A_96] : memref<50176x16xf32, #tpu.memory_space<vmem_shared>> -> memref<392x16xf32, #tpu.memory_space<vmem_shared>>
      tpu.enqueue_dma source(%arg14 : memref<392x16xf32, #tpu.memory_space<vmem>>) target(%dma_start3A_97 : memref<392x16xf32, #tpu.memory_space<vmem_shared>>) target_semaphore(%run_scoped3A : memref<!tpu.dma_semaphore, #tpu.memory_space<semaphore_mem>>)
      %dma_wait3A = arith.constant 0 : i32
      %dma_wait3A_98 = tpu.memref_slice %arg8[%add3A_68, %dma_wait3A] : memref<50176x16xf32, #tpu.memory_space<vmem_shared>> -> memref<392x16xf32, #tpu.memory_space<vmem_shared>>
      %dma_wait3A_99 = arith.constant 0 : i32
      %dma_wait3A_100 = tpu.memref_slice %arg8[%add3A_68, %dma_wait3A_99] : memref<50176x16xf32, #tpu.memory_space<vmem_shared>> -> memref<392x16xf32, #tpu.memory_space<vmem_shared>>
      tpu.wait_dma2 semaphore(%run_scoped3A : memref<!tpu.dma_semaphore, #tpu.memory_space<semaphore_mem>>) src(%arg14 : memref<392x16xf32, #tpu.memory_space<vmem>>) dst(%dma_wait3A_100 : memref<392x16xf32, #tpu.memory_space<vmem_shared>>)
      tpu.yield
    }) : () -> ()
    "tpu.region"() ({
      %run_scoped3A = tpu.sem_alloc : memref<!tpu.dma_semaphore, #tpu.memory_space<semaphore_mem>>
      %dma_start3A = tpu.memref_slice %arg16[%add3A_68] : memref<50176xf32, #tpu.memory_space<vmem_shared>> -> memref<392xf32, #tpu.memory_space<vmem_shared>>
      %dma_start3A_95 = tpu.memref_slice %arg16[%add3A_68] : memref<50176xf32, #tpu.memory_space<vmem_shared>> -> memref<392xf32, #tpu.memory_space<vmem_shared>>
      tpu.enqueue_dma source(%arg18 : memref<392xf32, #tpu.memory_space<vmem>>) target(%dma_start3A_95 : memref<392xf32, #tpu.memory_space<vmem_shared>>) target_semaphore(%run_scoped3A : memref<!tpu.dma_semaphore, #tpu.memory_space<semaphore_mem>>)
      %dma_wait3A = tpu.memref_slice %arg16[%add3A_68] : memref<50176xf32, #tpu.memory_space<vmem_shared>> -> memref<392xf32, #tpu.memory_space<vmem_shared>>
      %dma_wait3A_96 = tpu.memref_slice %arg16[%add3A_68] : memref<50176xf32, #tpu.memory_space<vmem_shared>> -> memref<392xf32, #tpu.memory_space<vmem_shared>>
      tpu.wait_dma2 semaphore(%run_scoped3A : memref<!tpu.dma_semaphore, #tpu.memory_space<semaphore_mem>>) src(%arg18 : memref<392xf32, #tpu.memory_space<vmem>>) dst(%dma_wait3A_96 : memref<392xf32, #tpu.memory_space<vmem_shared>>)
      tpu.yield
    }) : () -> ()
    %barrier3A = arith.constant 0 : index
    tpu.barrier barrier_id(%barrier3A)
    %scan3A_69 = arith.constant 0 : i32
    %scan3A_70 = arith.constant 0 : i32
    %scan3A_71 = arith.constant 98 : i32
    %scan3A_72 = arith.addi %scan3A_70, %scan3A_71 : i32
    %scan3A_73 = arith.constant 1 : i32
    scf.for %scan3A_95 = %scan3A_70 to %scan3A_72 step %scan3A_73  : i32 {
      %mul3A_96 = arith.constant 25088 : i32
      %mul3A_97 = arith.muli %add3A, %mul3A_96 : i32
      %mul3A_98 = arith.constant 256 : i32
      %mul3A_99 = arith.muli %scan3A_95, %mul3A_98 : i32
      %add3A_100 = arith.addi %mul3A_97, %mul3A_99 : i32
      %jit3A = arith.constant 128 : i32
      %div3A = arith.divsi %add3A_100, %jit3A : i32
      %sign3A = arith.constant 0 : i32
      %sign3A_101 = arith.cmpi sgt, %add3A_100, %sign3A : i32
      %sign3A_102 = arith.extui %sign3A_101 : i1 to i32
      %sign3A_103 = arith.constant 0 : i32
      %sign3A_104 = arith.cmpi slt, %add3A_100, %sign3A_103 : i32
      %sign3A_105 = arith.extui %sign3A_104 : i1 to i32
      %sign3A_106 = arith.subi %sign3A_102, %sign3A_105 : i32
      %sign3A_107 = arith.constant 0 : i32
      %sign3A_108 = arith.cmpi sgt, %jit3A, %sign3A_107 : i32
      %sign3A_109 = arith.extui %sign3A_108 : i1 to i32
      %sign3A_110 = arith.constant 0 : i32
      %sign3A_111 = arith.cmpi slt, %jit3A, %sign3A_110 : i32
      %sign3A_112 = arith.extui %sign3A_111 : i1 to i32
      %sign3A_113 = arith.subi %sign3A_109, %sign3A_112 : i32
      %ne3A = arith.cmpi ne, %sign3A_106, %sign3A_113 : i32
      %rem3A = arith.remsi %add3A_100, %jit3A : i32
      %ne3A_114 = arith.constant 0 : i32
      %ne3A_115 = arith.cmpi ne, %rem3A, %ne3A_114 : i32
      %and3A = arith.andi %ne3A, %ne3A_115 : i1
      %sub3A = arith.constant 1 : i32
      %sub3A_116 = arith.subi %div3A, %sub3A : i32
      %select_n3A = arith.select %and3A, %sub3A_116, %div3A : i32
      %multiple_of3A_117 = tpu.assume_multiple %select_n3A, 2 : i32
      "tpu.region"() ({
        %run_scoped3A_190 = tpu.sem_alloc : memref<!tpu.dma_semaphore, #tpu.memory_space<semaphore_mem>>
        %dma_start3A_191 = arith.constant 0 : i32
        %dma_start3A_192 = tpu.memref_slice %arg3[%multiple_of3A_117, %dma_start3A_191] : memref<6272x128xi32, #tpu.memory_space<hbm>> -> memref<2x128xi32, #tpu.memory_space<hbm>>
        %dma_start3A_193 = arith.constant 0 : i32
        %dma_start3A_194 = tpu.memref_slice %arg3[%multiple_of3A_117, %dma_start3A_193] : memref<6272x128xi32, #tpu.memory_space<hbm>> -> memref<2x128xi32, #tpu.memory_space<hbm>>
        tpu.enqueue_dma source(%dma_start3A_194 : memref<2x128xi32, #tpu.memory_space<hbm>>) target(%arg9 : memref<2x128xi32, #tpu.memory_space<vmem>>) target_semaphore(%run_scoped3A_190 : memref<!tpu.dma_semaphore, #tpu.memory_space<semaphore_mem>>)
        %dma_wait3A_195 = arith.constant 0 : i32
        %dma_wait3A_196 = tpu.memref_slice %arg3[%multiple_of3A_117, %dma_wait3A_195] : memref<6272x128xi32, #tpu.memory_space<hbm>> -> memref<2x128xi32, #tpu.memory_space<hbm>>
        %dma_wait3A_197 = arith.constant 0 : i32
        %dma_wait3A_198 = tpu.memref_slice %arg3[%multiple_of3A_117, %dma_wait3A_197] : memref<6272x128xi32, #tpu.memory_space<hbm>> -> memref<2x128xi32, #tpu.memory_space<hbm>>
        tpu.wait_dma2 semaphore(%run_scoped3A_190 : memref<!tpu.dma_semaphore, #tpu.memory_space<semaphore_mem>>) src(%dma_wait3A_198 : memref<2x128xi32, #tpu.memory_space<hbm>>) dst(%arg9 : memref<2x128xi32, #tpu.memory_space<vmem>>)
        tpu.yield
      }) : () -> ()
      "tpu.region"() ({
        %run_scoped3A_190 = tpu.sem_alloc : memref<!tpu.dma_semaphore, #tpu.memory_space<semaphore_mem>>
        %dma_start3A_191 = arith.constant 0 : i32
        %dma_start3A_192 = tpu.memref_slice %arg4[%multiple_of3A_117, %dma_start3A_191] : memref<6272x128xi32, #tpu.memory_space<hbm>> -> memref<2x128xi32, #tpu.memory_space<hbm>>
        %dma_start3A_193 = arith.constant 0 : i32
        %dma_start3A_194 = tpu.memref_slice %arg4[%multiple_of3A_117, %dma_start3A_193] : memref<6272x128xi32, #tpu.memory_space<hbm>> -> memref<2x128xi32, #tpu.memory_space<hbm>>
        tpu.enqueue_dma source(%dma_start3A_194 : memref<2x128xi32, #tpu.memory_space<hbm>>) target(%arg10 : memref<2x128xi32, #tpu.memory_space<vmem>>) target_semaphore(%run_scoped3A_190 : memref<!tpu.dma_semaphore, #tpu.memory_space<semaphore_mem>>)
        %dma_wait3A_195 = arith.constant 0 : i32
        %dma_wait3A_196 = tpu.memref_slice %arg4[%multiple_of3A_117, %dma_wait3A_195] : memref<6272x128xi32, #tpu.memory_space<hbm>> -> memref<2x128xi32, #tpu.memory_space<hbm>>
        %dma_wait3A_197 = arith.constant 0 : i32
        %dma_wait3A_198 = tpu.memref_slice %arg4[%multiple_of3A_117, %dma_wait3A_197] : memref<6272x128xi32, #tpu.memory_space<hbm>> -> memref<2x128xi32, #tpu.memory_space<hbm>>
        tpu.wait_dma2 semaphore(%run_scoped3A_190 : memref<!tpu.dma_semaphore, #tpu.memory_space<semaphore_mem>>) src(%dma_wait3A_198 : memref<2x128xi32, #tpu.memory_space<hbm>>) dst(%arg10 : memref<2x128xi32, #tpu.memory_space<vmem>>)
        tpu.yield
      }) : () -> ()
      %jit3A_118 = arith.constant 2 : i32
      %div3A_119 = arith.divsi %add3A_100, %jit3A_118 : i32
      %sign3A_120 = arith.constant 0 : i32
      %sign3A_121 = arith.cmpi sgt, %add3A_100, %sign3A_120 : i32
      %sign3A_122 = arith.extui %sign3A_121 : i1 to i32
      %sign3A_123 = arith.constant 0 : i32
      %sign3A_124 = arith.cmpi slt, %add3A_100, %sign3A_123 : i32
      %sign3A_125 = arith.extui %sign3A_124 : i1 to i32
      %sign3A_126 = arith.subi %sign3A_122, %sign3A_125 : i32
      %sign3A_127 = arith.constant 0 : i32
      %sign3A_128 = arith.cmpi sgt, %jit3A_118, %sign3A_127 : i32
      %sign3A_129 = arith.extui %sign3A_128 : i1 to i32
      %sign3A_130 = arith.constant 0 : i32
      %sign3A_131 = arith.cmpi slt, %jit3A_118, %sign3A_130 : i32
      %sign3A_132 = arith.extui %sign3A_131 : i1 to i32
      %sign3A_133 = arith.subi %sign3A_129, %sign3A_132 : i32
      %ne3A_134 = arith.cmpi ne, %sign3A_126, %sign3A_133 : i32
      %rem3A_135 = arith.remsi %add3A_100, %jit3A_118 : i32
      %ne3A_136 = arith.constant 0 : i32
      %ne3A_137 = arith.cmpi ne, %rem3A_135, %ne3A_136 : i32
      %and3A_138 = arith.andi %ne3A_134, %ne3A_137 : i1
      %sub3A_139 = arith.constant 1 : i32
      %sub3A_140 = arith.subi %div3A_119, %sub3A_139 : i32
      %select_n3A_141 = arith.select %and3A_138, %sub3A_140, %div3A_119 : i32
      %multiple_of3A_142 = tpu.assume_multiple %select_n3A_141, 128 : i32
      "tpu.region"() ({
        %run_scoped3A_190 = tpu.sem_alloc : memref<!tpu.dma_semaphore, #tpu.memory_space<semaphore_mem>>
        %dma_start3A_191 = arith.constant 0 : i32
        %dma_start3A_192 = tpu.memref_slice %arg5[%multiple_of3A_142, %dma_start3A_191] : memref<401408x128xf32, #tpu.memory_space<hbm>> -> memref<128x128xf32, #tpu.memory_space<hbm>>
        %dma_start3A_193 = arith.constant 0 : i32
        %dma_start3A_194 = tpu.memref_slice %arg5[%multiple_of3A_142, %dma_start3A_193] : memref<401408x128xf32, #tpu.memory_space<hbm>> -> memref<128x128xf32, #tpu.memory_space<hbm>>
        tpu.enqueue_dma source(%dma_start3A_194 : memref<128x128xf32, #tpu.memory_space<hbm>>) target(%arg11 : memref<128x128xf32, #tpu.memory_space<vmem>>) target_semaphore(%run_scoped3A_190 : memref<!tpu.dma_semaphore, #tpu.memory_space<semaphore_mem>>)
        %dma_wait3A_195 = arith.constant 0 : i32
        %dma_wait3A_196 = tpu.memref_slice %arg5[%multiple_of3A_142, %dma_wait3A_195] : memref<401408x128xf32, #tpu.memory_space<hbm>> -> memref<128x128xf32, #tpu.memory_space<hbm>>
        %dma_wait3A_197 = arith.constant 0 : i32
        %dma_wait3A_198 = tpu.memref_slice %arg5[%multiple_of3A_142, %dma_wait3A_197] : memref<401408x128xf32, #tpu.memory_space<hbm>> -> memref<128x128xf32, #tpu.memory_space<hbm>>
        tpu.wait_dma2 semaphore(%run_scoped3A_190 : memref<!tpu.dma_semaphore, #tpu.memory_space<semaphore_mem>>) src(%dma_wait3A_198 : memref<128x128xf32, #tpu.memory_space<hbm>>) dst(%arg11 : memref<128x128xf32, #tpu.memory_space<vmem>>)
        tpu.yield
      }) : () -> ()
      %dma_start3A = arith.constant 0 : i32
      %dma_start3A_143 = arith.constant 0 : i32
      %dma_start3A_144 = arith.constant 0 : i32
      %dma_start3A_145 = tpu.memref_slice %arg12[%dma_start3A_143, %dma_start3A_144] : memref<256x64xf32, #tpu.memory_space<vmem>> -> memref<128x64xf32, #tpu.memory_space<vmem>>
      %dma_start3A_146 = arith.constant 0 : i32
      %dma_start3A_147 = tpu.memref_slice %arg9[%dma_start3A, %dma_start3A_146] : memref<2x128xi32, #tpu.memory_space<vmem>> -> memref<1x128xi32, #tpu.memory_space<vmem>>
      %dma_start3A_148 = tpu.memref_squeeze %dma_start3A_147 : memref<1x128xi32, #tpu.memory_space<vmem>> -> memref<128xi32, #tpu.memory_space<vmem>>
      %dma_start3A_149 = arith.constant 0 : i32
      %dma_start3A_150 = arith.constant 0 : i32
      %dma_start3A_151 = tpu.memref_slice %arg2[%dma_start3A_149, %dma_start3A_150] : memref<50000x64xf32, #tpu.memory_space<hbm>> -> memref<50000x64xf32, #tpu.memory_space<hbm>>
      tpu.enqueue_indirect_dma source(%dma_start3A_151 : memref<50000x64xf32, #tpu.memory_space<hbm>>) target(%dma_start3A_145 : memref<128x64xf32, #tpu.memory_space<vmem>>) offsets(%dma_start3A_148 : memref<128xi32, #tpu.memory_space<vmem>>) semaphore(%arg15 : memref<!tpu.dma_semaphore, #tpu.memory_space<semaphore_mem>>)
      %dma_start3A_152 = arith.constant 1 : i32
      %dma_start3A_153 = arith.constant 128 : i32
      %dma_start3A_154 = arith.constant 0 : i32
      %dma_start3A_155 = tpu.memref_slice %arg12[%dma_start3A_153, %dma_start3A_154] : memref<256x64xf32, #tpu.memory_space<vmem>> -> memref<128x64xf32, #tpu.memory_space<vmem>>
      %dma_start3A_156 = arith.constant 0 : i32
      %dma_start3A_157 = tpu.memref_slice %arg9[%dma_start3A_152, %dma_start3A_156] : memref<2x128xi32, #tpu.memory_space<vmem>> -> memref<1x128xi32, #tpu.memory_space<vmem>>
      %dma_start3A_158 = tpu.memref_squeeze %dma_start3A_157 : memref<1x128xi32, #tpu.memory_space<vmem>> -> memref<128xi32, #tpu.memory_space<vmem>>
      %dma_start3A_159 = arith.constant 0 : i32
      %dma_start3A_160 = arith.constant 0 : i32
      %dma_start3A_161 = tpu.memref_slice %arg2[%dma_start3A_159, %dma_start3A_160] : memref<50000x64xf32, #tpu.memory_space<hbm>> -> memref<50000x64xf32, #tpu.memory_space<hbm>>
      tpu.enqueue_indirect_dma source(%dma_start3A_161 : memref<50000x64xf32, #tpu.memory_space<hbm>>) target(%dma_start3A_155 : memref<128x64xf32, #tpu.memory_space<vmem>>) offsets(%dma_start3A_158 : memref<128xi32, #tpu.memory_space<vmem>>) semaphore(%arg15 : memref<!tpu.dma_semaphore, #tpu.memory_space<semaphore_mem>>)
      %dma_wait3A = arith.constant 0 : i32
      %dma_wait3A_162 = arith.constant 0 : i32
      %dma_wait3A_163 = arith.constant 0 : i32
      %dma_wait3A_164 = tpu.memref_slice %arg12[%dma_wait3A_162, %dma_wait3A_163] : memref<256x64xf32, #tpu.memory_space<vmem>> -> memref<128x64xf32, #tpu.memory_space<vmem>>
      %dma_wait3A_165 = arith.constant 0 : i32
      %dma_wait3A_166 = tpu.memref_slice %arg9[%dma_wait3A, %dma_wait3A_165] : memref<2x128xi32, #tpu.memory_space<vmem>> -> memref<1x128xi32, #tpu.memory_space<vmem>>
      %dma_wait3A_167 = tpu.memref_squeeze %dma_wait3A_166 : memref<1x128xi32, #tpu.memory_space<vmem>> -> memref<128xi32, #tpu.memory_space<vmem>>
      %dma_wait3A_168 = arith.constant 0 : i32
      %dma_wait3A_169 = arith.constant 0 : i32
      %dma_wait3A_170 = tpu.memref_slice %arg2[%dma_wait3A_168, %dma_wait3A_169] : memref<50000x64xf32, #tpu.memory_space<hbm>> -> memref<50000x64xf32, #tpu.memory_space<hbm>>
      tpu.wait_indirect_dma semaphore(%arg15 : memref<!tpu.dma_semaphore, #tpu.memory_space<semaphore_mem>>) src(%dma_wait3A_170 : memref<50000x64xf32, #tpu.memory_space<hbm>>) dst(%dma_wait3A_164 : memref<128x64xf32, #tpu.memory_space<vmem>>)
      %dma_wait3A_171 = arith.constant 1 : i32
      %dma_wait3A_172 = arith.constant 128 : i32
      %dma_wait3A_173 = arith.constant 0 : i32
      %dma_wait3A_174 = tpu.memref_slice %arg12[%dma_wait3A_172, %dma_wait3A_173] : memref<256x64xf32, #tpu.memory_space<vmem>> -> memref<128x64xf32, #tpu.memory_space<vmem>>
      %dma_wait3A_175 = arith.constant 0 : i32
      %dma_wait3A_176 = tpu.memref_slice %arg9[%dma_wait3A_171, %dma_wait3A_175] : memref<2x128xi32, #tpu.memory_space<vmem>> -> memref<1x128xi32, #tpu.memory_space<vmem>>
      %dma_wait3A_177 = tpu.memref_squeeze %dma_wait3A_176 : memref<1x128xi32, #tpu.memory_space<vmem>> -> memref<128xi32, #tpu.memory_space<vmem>>
      %dma_wait3A_178 = arith.constant 0 : i32
      %dma_wait3A_179 = arith.constant 0 : i32
      %dma_wait3A_180 = tpu.memref_slice %arg2[%dma_wait3A_178, %dma_wait3A_179] : memref<50000x64xf32, #tpu.memory_space<hbm>> -> memref<50000x64xf32, #tpu.memory_space<hbm>>
      tpu.wait_indirect_dma semaphore(%arg15 : memref<!tpu.dma_semaphore, #tpu.memory_space<semaphore_mem>>) src(%dma_wait3A_180 : memref<50000x64xf32, #tpu.memory_space<hbm>>) dst(%dma_wait3A_174 : memref<128x64xf32, #tpu.memory_space<vmem>>)
      %scan3A_181 = arith.constant 0 : i32
      %scan3A_182 = arith.constant 0 : i32
      %scan3A_183 = arith.constant 32 : i32
      %scan3A_184 = arith.addi %scan3A_182, %scan3A_183 : i32
      %scan3A_185 = arith.constant 1 : i32
      scf.for %scan3A_190 = %scan3A_182 to %scan3A_184 step %scan3A_185  : i32 {
        %mul3A_191 = arith.constant 4 : i32
        %mul3A_192 = arith.muli %scan3A_190, %mul3A_191 : i32
        %add3A_193 = arith.constant 0 : i32
        %add3A_194 = arith.addi %mul3A_192, %add3A_193 : i32
        %mul3A_195 = arith.constant 2 : i32
        %mul3A_196 = arith.muli %mul3A_195, %add3A_194 : i32
        %add3A_197 = arith.constant 0 : i32
        %add3A_198 = arith.addi %mul3A_196, %add3A_197 : i32
        %get3A = arith.index_cast %add3A_198 : i32 to index
        %get3A_199 = arith.constant 0 : index
        %get3A_200 = tpu.vector_load %arg12[%get3A, %get3A_199] {strides = array<i32>} : memref<256x64xf32, #tpu.memory_space<vmem>>, vector<1x16xf32>,
        %get3A_201 = vector.shape_cast %get3A_200 : vector<1x16xf32> to vector<16xf32>
        %get3A_202 = arith.index_cast %add3A_194 : i32 to index
        %get3A_203 = arith.constant 0 : index
        %get3A_204 = tpu.vector_load %arg11[%get3A_202, %get3A_203] {strides = array<i32>} : memref<128x128xf32, #tpu.memory_space<vmem>>, vector<1x16xf32>,
        %get3A_205 = vector.shape_cast %get3A_204 : vector<1x16xf32> to vector<16xf32>
        %mul3A_206 = arith.mulf %get3A_201, %get3A_205 : vector<16xf32>
        %get3A_207 = arith.index_cast %add3A_198 : i32 to index
        %get3A_208 = arith.constant 16 : index
        %get3A_209 = tpu.vector_load %arg12[%get3A_207, %get3A_208] {strides = array<i32>} : memref<256x64xf32, #tpu.memory_space<vmem>>, vector<1x16xf32>,
        %get3A_210 = vector.shape_cast %get3A_209 : vector<1x16xf32> to vector<16xf32>
        %get3A_211 = arith.index_cast %add3A_194 : i32 to index
        %get3A_212 = arith.constant 16 : index
        %get3A_213 = tpu.vector_load %arg11[%get3A_211, %get3A_212] {strides = array<i32>} : memref<128x128xf32, #tpu.memory_space<vmem>>, vector<1x16xf32>,
        %get3A_214 = vector.shape_cast %get3A_213 : vector<1x16xf32> to vector<16xf32>
        %mul3A_215 = arith.mulf %get3A_210, %get3A_214 : vector<16xf32>
        %get3A_216 = arith.index_cast %add3A_198 : i32 to index
        %get3A_217 = arith.constant 32 : index
        %get3A_218 = tpu.vector_load %arg12[%get3A_216, %get3A_217] {strides = array<i32>} : memref<256x64xf32, #tpu.memory_space<vmem>>, vector<1x16xf32>,
        %get3A_219 = vector.shape_cast %get3A_218 : vector<1x16xf32> to vector<16xf32>
        %get3A_220 = arith.index_cast %add3A_194 : i32 to index
        %get3A_221 = arith.constant 32 : index
        %get3A_222 = tpu.vector_load %arg11[%get3A_220, %get3A_221] {strides = array<i32>} : memref<128x128xf32, #tpu.memory_space<vmem>>, vector<1x16xf32>,
        %get3A_223 = vector.shape_cast %get3A_222 : vector<1x16xf32> to vector<16xf32>
        %mul3A_224 = arith.mulf %get3A_219, %get3A_223 : vector<16xf32>
        %get3A_225 = arith.index_cast %add3A_198 : i32 to index
        %get3A_226 = arith.constant 48 : index
        %get3A_227 = tpu.vector_load %arg12[%get3A_225, %get3A_226] {strides = array<i32>} : memref<256x64xf32, #tpu.memory_space<vmem>>, vector<1x16xf32>,
        %get3A_228 = vector.shape_cast %get3A_227 : vector<1x16xf32> to vector<16xf32>
        %get3A_229 = arith.index_cast %add3A_194 : i32 to index
        %get3A_230 = arith.constant 48 : index
        %get3A_231 = tpu.vector_load %arg11[%get3A_229, %get3A_230] {strides = array<i32>} : memref<128x128xf32, #tpu.memory_space<vmem>>, vector<1x16xf32>,
        %get3A_232 = vector.shape_cast %get3A_231 : vector<1x16xf32> to vector<16xf32>
        %mul3A_233 = arith.mulf %get3A_228, %get3A_232 : vector<16xf32>
        %add3A_234 = arith.addf %mul3A_206, %mul3A_215 : vector<16xf32>
        %add3A_235 = arith.addf %mul3A_224, %mul3A_233 : vector<16xf32>
        %add3A_236 = arith.addf %add3A_234, %add3A_235 : vector<16xf32>
        %swap3A = arith.index_cast %add3A_198 : i32 to index
        %swap3A_237 = arith.constant 0 : index
        %swap3A_238 = tpu.vector_load %arg13[%swap3A, %swap3A_237] {strides = array<i32>} : memref<256x16xf32, #tpu.memory_space<vmem>>, vector<1x16xf32>,
        %swap3A_239 = vector.shape_cast %swap3A_238 : vector<1x16xf32> to vector<16xf32>
        %swap3A_240 = vector.shape_cast %add3A_236 : vector<16xf32> to vector<1x16xf32>
        tpu.vector_store %arg13[%swap3A, %swap3A_237], %swap3A_240 {strides = array<i32>} : memref<256x16xf32, #tpu.memory_space<vmem>>, vector<1x16xf32>,
        %mul3A_241 = arith.constant 2 : i32
        %mul3A_242 = arith.muli %mul3A_241, %add3A_194 : i32
        %add3A_243 = arith.constant 1 : i32
        %add3A_244 = arith.addi %mul3A_242, %add3A_243 : i32
        %get3A_245 = arith.index_cast %add3A_244 : i32 to index
        %get3A_246 = arith.constant 0 : index
        %get3A_247 = tpu.vector_load %arg12[%get3A_245, %get3A_246] {strides = array<i32>} : memref<256x64xf32, #tpu.memory_space<vmem>>, vector<1x16xf32>,
        %get3A_248 = vector.shape_cast %get3A_247 : vector<1x16xf32> to vector<16xf32>
        %get3A_249 = arith.index_cast %add3A_194 : i32 to index
        %get3A_250 = arith.constant 64 : index
        %get3A_251 = tpu.vector_load %arg11[%get3A_249, %get3A_250] {strides = array<i32>} : memref<128x128xf32, #tpu.memory_space<vmem>>, vector<1x16xf32>,
        %get3A_252 = vector.shape_cast %get3A_251 : vector<1x16xf32> to vector<16xf32>
        %mul3A_253 = arith.mulf %get3A_248, %get3A_252 : vector<16xf32>
        %get3A_254 = arith.index_cast %add3A_244 : i32 to index
        %get3A_255 = arith.constant 16 : index
        %get3A_256 = tpu.vector_load %arg12[%get3A_254, %get3A_255] {strides = array<i32>} : memref<256x64xf32, #tpu.memory_space<vmem>>, vector<1x16xf32>,
        %get3A_257 = vector.shape_cast %get3A_256 : vector<1x16xf32> to vector<16xf32>
        %get3A_258 = arith.index_cast %add3A_194 : i32 to index
        %get3A_259 = arith.constant 80 : index
        %get3A_260 = tpu.vector_load %arg11[%get3A_258, %get3A_259] {strides = array<i32>} : memref<128x128xf32, #tpu.memory_space<vmem>>, vector<1x16xf32>,
        %get3A_261 = vector.shape_cast %get3A_260 : vector<1x16xf32> to vector<16xf32>
        %mul3A_262 = arith.mulf %get3A_257, %get3A_261 : vector<16xf32>
        %get3A_263 = arith.index_cast %add3A_244 : i32 to index
        %get3A_264 = arith.constant 32 : index
        %get3A_265 = tpu.vector_load %arg12[%get3A_263, %get3A_264] {strides = array<i32>} : memref<256x64xf32, #tpu.memory_space<vmem>>, vector<1x16xf32>,
        %get3A_266 = vector.shape_cast %get3A_265 : vector<1x16xf32> to vector<16xf32>
        %get3A_267 = arith.index_cast %add3A_194 : i32 to index
        %get3A_268 = arith.constant 96 : index
        %get3A_269 = tpu.vector_load %arg11[%get3A_267, %get3A_268] {strides = array<i32>} : memref<128x128xf32, #tpu.memory_space<vmem>>, vector<1x16xf32>,
        %get3A_270 = vector.shape_cast %get3A_269 : vector<1x16xf32> to vector<16xf32>
        %mul3A_271 = arith.mulf %get3A_266, %get3A_270 : vector<16xf32>
        %get3A_272 = arith.index_cast %add3A_244 : i32 to index
        %get3A_273 = arith.constant 48 : index
        %get3A_274 = tpu.vector_load %arg12[%get3A_272, %get3A_273] {strides = array<i32>} : memref<256x64xf32, #tpu.memory_space<vmem>>, vector<1x16xf32>,
        %get3A_275 = vector.shape_cast %get3A_274 : vector<1x16xf32> to vector<16xf32>
        %get3A_276 = arith.index_cast %add3A_194 : i32 to index
        %get3A_277 = arith.constant 112 : index
        %get3A_278 = tpu.vector_load %arg11[%get3A_276, %get3A_277] {strides = array<i32>} : memref<128x128xf32, #tpu.memory_space<vmem>>, vector<1x16xf32>,
        %get3A_279 = vector.shape_cast %get3A_278 : vector<1x16xf32> to vector<16xf32>
        %mul3A_280 = arith.mulf %get3A_275, %get3A_279 : vector<16xf32>
        %add3A_281 = arith.addf %mul3A_253, %mul3A_262 : vector<16xf32>
        %add3A_282 = arith.addf %mul3A_271, %mul3A_280 : vector<16xf32>
        %add3A_283 = arith.addf %add3A_281, %add3A_282 : vector<16xf32>
        %swap3A_284 = arith.index_cast %add3A_244 : i32 to index
        %swap3A_285 = arith.constant 0 : index
        %swap3A_286 = tpu.vector_load %arg13[%swap3A_284, %swap3A_285] {strides = array<i32>} : memref<256x16xf32, #tpu.memory_space<vmem>>, vector<1x16xf32>,
        %swap3A_287 = vector.shape_cast %swap3A_286 : vector<1x16xf32> to vector<16xf32>
        %swap3A_288 = vector.shape_cast %add3A_283 : vector<16xf32> to vector<1x16xf32>
        tpu.vector_store %arg13[%swap3A_284, %swap3A_285], %swap3A_288 {strides = array<i32>} : memref<256x16xf32, #tpu.memory_space<vmem>>, vector<1x16xf32>,
        %add3A_289 = arith.constant 1 : i32
        %add3A_290 = arith.addi %mul3A_192, %add3A_289 : i32
        %mul3A_291 = arith.constant 2 : i32
        %mul3A_292 = arith.muli %mul3A_291, %add3A_290 : i32
        %add3A_293 = arith.constant 0 : i32
        %add3A_294 = arith.addi %mul3A_292, %add3A_293 : i32
        %get3A_295 = arith.index_cast %add3A_294 : i32 to index
        %get3A_296 = arith.constant 0 : index
        %get3A_297 = tpu.vector_load %arg12[%get3A_295, %get3A_296] {strides = array<i32>} : memref<256x64xf32, #tpu.memory_space<vmem>>, vector<1x16xf32>,
        %get3A_298 = vector.shape_cast %get3A_297 : vector<1x16xf32> to vector<16xf32>
        %get3A_299 = arith.index_cast %add3A_290 : i32 to index
        %get3A_300 = arith.constant 0 : index
        %get3A_301 = tpu.vector_load %arg11[%get3A_299, %get3A_300] {strides = array<i32>} : memref<128x128xf32, #tpu.memory_space<vmem>>, vector<1x16xf32>,
        %get3A_302 = vector.shape_cast %get3A_301 : vector<1x16xf32> to vector<16xf32>
        %mul3A_303 = arith.mulf %get3A_298, %get3A_302 : vector<16xf32>
        %get3A_304 = arith.index_cast %add3A_294 : i32 to index
        %get3A_305 = arith.constant 16 : index
        %get3A_306 = tpu.vector_load %arg12[%get3A_304, %get3A_305] {strides = array<i32>} : memref<256x64xf32, #tpu.memory_space<vmem>>, vector<1x16xf32>,
        %get3A_307 = vector.shape_cast %get3A_306 : vector<1x16xf32> to vector<16xf32>
        %get3A_308 = arith.index_cast %add3A_290 : i32 to index
        %get3A_309 = arith.constant 16 : index
        %get3A_310 = tpu.vector_load %arg11[%get3A_308, %get3A_309] {strides = array<i32>} : memref<128x128xf32, #tpu.memory_space<vmem>>, vector<1x16xf32>,
        %get3A_311 = vector.shape_cast %get3A_310 : vector<1x16xf32> to vector<16xf32>
        %mul3A_312 = arith.mulf %get3A_307, %get3A_311 : vector<16xf32>
        %get3A_313 = arith.index_cast %add3A_294 : i32 to index
        %get3A_314 = arith.constant 32 : index
        %get3A_315 = tpu.vector_load %arg12[%get3A_313, %get3A_314] {strides = array<i32>} : memref<256x64xf32, #tpu.memory_space<vmem>>, vector<1x16xf32>,
        %get3A_316 = vector.shape_cast %get3A_315 : vector<1x16xf32> to vector<16xf32>
        %get3A_317 = arith.index_cast %add3A_290 : i32 to index
        %get3A_318 = arith.constant 32 : index
        %get3A_319 = tpu.vector_load %arg11[%get3A_317, %get3A_318] {strides = array<i32>} : memref<128x128xf32, #tpu.memory_space<vmem>>, vector<1x16xf32>,
        %get3A_320 = vector.shape_cast %get3A_319 : vector<1x16xf32> to vector<16xf32>
        %mul3A_321 = arith.mulf %get3A_316, %get3A_320 : vector<16xf32>
        %get3A_322 = arith.index_cast %add3A_294 : i32 to index
        %get3A_323 = arith.constant 48 : index
        %get3A_324 = tpu.vector_load %arg12[%get3A_322, %get3A_323] {strides = array<i32>} : memref<256x64xf32, #tpu.memory_space<vmem>>, vector<1x16xf32>,
        %get3A_325 = vector.shape_cast %get3A_324 : vector<1x16xf32> to vector<16xf32>
        %get3A_326 = arith.index_cast %add3A_290 : i32 to index
        %get3A_327 = arith.constant 48 : index
        %get3A_328 = tpu.vector_load %arg11[%get3A_326, %get3A_327] {strides = array<i32>} : memref<128x128xf32, #tpu.memory_space<vmem>>, vector<1x16xf32>,
        %get3A_329 = vector.shape_cast %get3A_328 : vector<1x16xf32> to vector<16xf32>
        %mul3A_330 = arith.mulf %get3A_325, %get3A_329 : vector<16xf32>
        %add3A_331 = arith.addf %mul3A_303, %mul3A_312 : vector<16xf32>
        %add3A_332 = arith.addf %mul3A_321, %mul3A_330 : vector<16xf32>
        %add3A_333 = arith.addf %add3A_331, %add3A_332 : vector<16xf32>
        %swap3A_334 = arith.index_cast %add3A_294 : i32 to index
        %swap3A_335 = arith.constant 0 : index
        %swap3A_336 = tpu.vector_load %arg13[%swap3A_334, %swap3A_335] {strides = array<i32>} : memref<256x16xf32, #tpu.memory_space<vmem>>, vector<1x16xf32>,
        %swap3A_337 = vector.shape_cast %swap3A_336 : vector<1x16xf32> to vector<16xf32>
        %swap3A_338 = vector.shape_cast %add3A_333 : vector<16xf32> to vector<1x16xf32>
        tpu.vector_store %arg13[%swap3A_334, %swap3A_335], %swap3A_338 {strides = array<i32>} : memref<256x16xf32, #tpu.memory_space<vmem>>, vector<1x16xf32>,
        %mul3A_339 = arith.constant 2 : i32
        %mul3A_340 = arith.muli %mul3A_339, %add3A_290 : i32
        %add3A_341 = arith.constant 1 : i32
        %add3A_342 = arith.addi %mul3A_340, %add3A_341 : i32
        %get3A_343 = arith.index_cast %add3A_342 : i32 to index
        %get3A_344 = arith.constant 0 : index
        %get3A_345 = tpu.vector_load %arg12[%get3A_343, %get3A_344] {strides = array<i32>} : memref<256x64xf32, #tpu.memory_space<vmem>>, vector<1x16xf32>,
        %get3A_346 = vector.shape_cast %get3A_345 : vector<1x16xf32> to vector<16xf32>
        %get3A_347 = arith.index_cast %add3A_290 : i32 to index
        %get3A_348 = arith.constant 64 : index
        %get3A_349 = tpu.vector_load %arg11[%get3A_347, %get3A_348] {strides = array<i32>} : memref<128x128xf32, #tpu.memory_space<vmem>>, vector<1x16xf32>,
        %get3A_350 = vector.shape_cast %get3A_349 : vector<1x16xf32> to vector<16xf32>
        %mul3A_351 = arith.mulf %get3A_346, %get3A_350 : vector<16xf32>
        %get3A_352 = arith.index_cast %add3A_342 : i32 to index
        %get3A_353 = arith.constant 16 : index
        %get3A_354 = tpu.vector_load %arg12[%get3A_352, %get3A_353] {strides = array<i32>} : memref<256x64xf32, #tpu.memory_space<vmem>>, vector<1x16xf32>,
        %get3A_355 = vector.shape_cast %get3A_354 : vector<1x16xf32> to vector<16xf32>
        %get3A_356 = arith.index_cast %add3A_290 : i32 to index
        %get3A_357 = arith.constant 80 : index
        %get3A_358 = tpu.vector_load %arg11[%get3A_356, %get3A_357] {strides = array<i32>} : memref<128x128xf32, #tpu.memory_space<vmem>>, vector<1x16xf32>,
        %get3A_359 = vector.shape_cast %get3A_358 : vector<1x16xf32> to vector<16xf32>
        %mul3A_360 = arith.mulf %get3A_355, %get3A_359 : vector<16xf32>
        %get3A_361 = arith.index_cast %add3A_342 : i32 to index
        %get3A_362 = arith.constant 32 : index
        %get3A_363 = tpu.vector_load %arg12[%get3A_361, %get3A_362] {strides = array<i32>} : memref<256x64xf32, #tpu.memory_space<vmem>>, vector<1x16xf32>,
        %get3A_364 = vector.shape_cast %get3A_363 : vector<1x16xf32> to vector<16xf32>
        %get3A_365 = arith.index_cast %add3A_290 : i32 to index
        %get3A_366 = arith.constant 96 : index
        %get3A_367 = tpu.vector_load %arg11[%get3A_365, %get3A_366] {strides = array<i32>} : memref<128x128xf32, #tpu.memory_space<vmem>>, vector<1x16xf32>,
        %get3A_368 = vector.shape_cast %get3A_367 : vector<1x16xf32> to vector<16xf32>
        %mul3A_369 = arith.mulf %get3A_364, %get3A_368 : vector<16xf32>
        %get3A_370 = arith.index_cast %add3A_342 : i32 to index
        %get3A_371 = arith.constant 48 : index
        %get3A_372 = tpu.vector_load %arg12[%get3A_370, %get3A_371] {strides = array<i32>} : memref<256x64xf32, #tpu.memory_space<vmem>>, vector<1x16xf32>,
        %get3A_373 = vector.shape_cast %get3A_372 : vector<1x16xf32> to vector<16xf32>
        %get3A_374 = arith.index_cast %add3A_290 : i32 to index
        %get3A_375 = arith.constant 112 : index
        %get3A_376 = tpu.vector_load %arg11[%get3A_374, %get3A_375] {strides = array<i32>} : memref<128x128xf32, #tpu.memory_space<vmem>>, vector<1x16xf32>,
        %get3A_377 = vector.shape_cast %get3A_376 : vector<1x16xf32> to vector<16xf32>
        %mul3A_378 = arith.mulf %get3A_373, %get3A_377 : vector<16xf32>
        %add3A_379 = arith.addf %mul3A_351, %mul3A_360 : vector<16xf32>
        %add3A_380 = arith.addf %mul3A_369, %mul3A_378 : vector<16xf32>
        %add3A_381 = arith.addf %add3A_379, %add3A_380 : vector<16xf32>
        %swap3A_382 = arith.index_cast %add3A_342 : i32 to index
        %swap3A_383 = arith.constant 0 : index
        %swap3A_384 = tpu.vector_load %arg13[%swap3A_382, %swap3A_383] {strides = array<i32>} : memref<256x16xf32, #tpu.memory_space<vmem>>, vector<1x16xf32>,
        %swap3A_385 = vector.shape_cast %swap3A_384 : vector<1x16xf32> to vector<16xf32>
        %swap3A_386 = vector.shape_cast %add3A_381 : vector<16xf32> to vector<1x16xf32>
        tpu.vector_store %arg13[%swap3A_382, %swap3A_383], %swap3A_386 {strides = array<i32>} : memref<256x16xf32, #tpu.memory_space<vmem>>, vector<1x16xf32>,
        %add3A_387 = arith.constant 2 : i32
        %add3A_388 = arith.addi %mul3A_192, %add3A_387 : i32
        %mul3A_389 = arith.constant 2 : i32
        %mul3A_390 = arith.muli %mul3A_389, %add3A_388 : i32
        %add3A_391 = arith.constant 0 : i32
        %add3A_392 = arith.addi %mul3A_390, %add3A_391 : i32
        %get3A_393 = arith.index_cast %add3A_392 : i32 to index
        %get3A_394 = arith.constant 0 : index
        %get3A_395 = tpu.vector_load %arg12[%get3A_393, %get3A_394] {strides = array<i32>} : memref<256x64xf32, #tpu.memory_space<vmem>>, vector<1x16xf32>,
        %get3A_396 = vector.shape_cast %get3A_395 : vector<1x16xf32> to vector<16xf32>
        %get3A_397 = arith.index_cast %add3A_388 : i32 to index
        %get3A_398 = arith.constant 0 : index
        %get3A_399 = tpu.vector_load %arg11[%get3A_397, %get3A_398] {strides = array<i32>} : memref<128x128xf32, #tpu.memory_space<vmem>>, vector<1x16xf32>,
        %get3A_400 = vector.shape_cast %get3A_399 : vector<1x16xf32> to vector<16xf32>
        %mul3A_401 = arith.mulf %get3A_396, %get3A_400 : vector<16xf32>
        %get3A_402 = arith.index_cast %add3A_392 : i32 to index
        %get3A_403 = arith.constant 16 : index
        %get3A_404 = tpu.vector_load %arg12[%get3A_402, %get3A_403] {strides = array<i32>} : memref<256x64xf32, #tpu.memory_space<vmem>>, vector<1x16xf32>,
        %get3A_405 = vector.shape_cast %get3A_404 : vector<1x16xf32> to vector<16xf32>
        %get3A_406 = arith.index_cast %add3A_388 : i32 to index
        %get3A_407 = arith.constant 16 : index
        %get3A_408 = tpu.vector_load %arg11[%get3A_406, %get3A_407] {strides = array<i32>} : memref<128x128xf32, #tpu.memory_space<vmem>>, vector<1x16xf32>,
        %get3A_409 = vector.shape_cast %get3A_408 : vector<1x16xf32> to vector<16xf32>
        %mul3A_410 = arith.mulf %get3A_405, %get3A_409 : vector<16xf32>
        %get3A_411 = arith.index_cast %add3A_392 : i32 to index
        %get3A_412 = arith.constant 32 : index
        %get3A_413 = tpu.vector_load %arg12[%get3A_411, %get3A_412] {strides = array<i32>} : memref<256x64xf32, #tpu.memory_space<vmem>>, vector<1x16xf32>,
        %get3A_414 = vector.shape_cast %get3A_413 : vector<1x16xf32> to vector<16xf32>
        %get3A_415 = arith.index_cast %add3A_388 : i32 to index
        %get3A_416 = arith.constant 32 : index
        %get3A_417 = tpu.vector_load %arg11[%get3A_415, %get3A_416] {strides = array<i32>} : memref<128x128xf32, #tpu.memory_space<vmem>>, vector<1x16xf32>,
        %get3A_418 = vector.shape_cast %get3A_417 : vector<1x16xf32> to vector<16xf32>
        %mul3A_419 = arith.mulf %get3A_414, %get3A_418 : vector<16xf32>
        %get3A_420 = arith.index_cast %add3A_392 : i32 to index
        %get3A_421 = arith.constant 48 : index
        %get3A_422 = tpu.vector_load %arg12[%get3A_420, %get3A_421] {strides = array<i32>} : memref<256x64xf32, #tpu.memory_space<vmem>>, vector<1x16xf32>,
        %get3A_423 = vector.shape_cast %get3A_422 : vector<1x16xf32> to vector<16xf32>
        %get3A_424 = arith.index_cast %add3A_388 : i32 to index
        %get3A_425 = arith.constant 48 : index
        %get3A_426 = tpu.vector_load %arg11[%get3A_424, %get3A_425] {strides = array<i32>} : memref<128x128xf32, #tpu.memory_space<vmem>>, vector<1x16xf32>,
        %get3A_427 = vector.shape_cast %get3A_426 : vector<1x16xf32> to vector<16xf32>
        %mul3A_428 = arith.mulf %get3A_423, %get3A_427 : vector<16xf32>
        %add3A_429 = arith.addf %mul3A_401, %mul3A_410 : vector<16xf32>
        %add3A_430 = arith.addf %mul3A_419, %mul3A_428 : vector<16xf32>
        %add3A_431 = arith.addf %add3A_429, %add3A_430 : vector<16xf32>
        %swap3A_432 = arith.index_cast %add3A_392 : i32 to index
        %swap3A_433 = arith.constant 0 : index
        %swap3A_434 = tpu.vector_load %arg13[%swap3A_432, %swap3A_433] {strides = array<i32>} : memref<256x16xf32, #tpu.memory_space<vmem>>, vector<1x16xf32>,
        %swap3A_435 = vector.shape_cast %swap3A_434 : vector<1x16xf32> to vector<16xf32>
        %swap3A_436 = vector.shape_cast %add3A_431 : vector<16xf32> to vector<1x16xf32>
        tpu.vector_store %arg13[%swap3A_432, %swap3A_433], %swap3A_436 {strides = array<i32>} : memref<256x16xf32, #tpu.memory_space<vmem>>, vector<1x16xf32>,
        %mul3A_437 = arith.constant 2 : i32
        %mul3A_438 = arith.muli %mul3A_437, %add3A_388 : i32
        %add3A_439 = arith.constant 1 : i32
        %add3A_440 = arith.addi %mul3A_438, %add3A_439 : i32
        %get3A_441 = arith.index_cast %add3A_440 : i32 to index
        %get3A_442 = arith.constant 0 : index
        %get3A_443 = tpu.vector_load %arg12[%get3A_441, %get3A_442] {strides = array<i32>} : memref<256x64xf32, #tpu.memory_space<vmem>>, vector<1x16xf32>,
        %get3A_444 = vector.shape_cast %get3A_443 : vector<1x16xf32> to vector<16xf32>
        %get3A_445 = arith.index_cast %add3A_388 : i32 to index
        %get3A_446 = arith.constant 64 : index
        %get3A_447 = tpu.vector_load %arg11[%get3A_445, %get3A_446] {strides = array<i32>} : memref<128x128xf32, #tpu.memory_space<vmem>>, vector<1x16xf32>,
        %get3A_448 = vector.shape_cast %get3A_447 : vector<1x16xf32> to vector<16xf32>
        %mul3A_449 = arith.mulf %get3A_444, %get3A_448 : vector<16xf32>
        %get3A_450 = arith.index_cast %add3A_440 : i32 to index
        %get3A_451 = arith.constant 16 : index
        %get3A_452 = tpu.vector_load %arg12[%get3A_450, %get3A_451] {strides = array<i32>} : memref<256x64xf32, #tpu.memory_space<vmem>>, vector<1x16xf32>,
        %get3A_453 = vector.shape_cast %get3A_452 : vector<1x16xf32> to vector<16xf32>
        %get3A_454 = arith.index_cast %add3A_388 : i32 to index
        %get3A_455 = arith.constant 80 : index
        %get3A_456 = tpu.vector_load %arg11[%get3A_454, %get3A_455] {strides = array<i32>} : memref<128x128xf32, #tpu.memory_space<vmem>>, vector<1x16xf32>,
        %get3A_457 = vector.shape_cast %get3A_456 : vector<1x16xf32> to vector<16xf32>
        %mul3A_458 = arith.mulf %get3A_453, %get3A_457 : vector<16xf32>
        %get3A_459 = arith.index_cast %add3A_440 : i32 to index
        %get3A_460 = arith.constant 32 : index
        %get3A_461 = tpu.vector_load %arg12[%get3A_459, %get3A_460] {strides = array<i32>} : memref<256x64xf32, #tpu.memory_space<vmem>>, vector<1x16xf32>,
        %get3A_462 = vector.shape_cast %get3A_461 : vector<1x16xf32> to vector<16xf32>
        %get3A_463 = arith.index_cast %add3A_388 : i32 to index
        %get3A_464 = arith.constant 96 : index
        %get3A_465 = tpu.vector_load %arg11[%get3A_463, %get3A_464] {strides = array<i32>} : memref<128x128xf32, #tpu.memory_space<vmem>>, vector<1x16xf32>,
        %get3A_466 = vector.shape_cast %get3A_465 : vector<1x16xf32> to vector<16xf32>
        %mul3A_467 = arith.mulf %get3A_462, %get3A_466 : vector<16xf32>
        %get3A_468 = arith.index_cast %add3A_440 : i32 to index
        %get3A_469 = arith.constant 48 : index
        %get3A_470 = tpu.vector_load %arg12[%get3A_468, %get3A_469] {strides = array<i32>} : memref<256x64xf32, #tpu.memory_space<vmem>>, vector<1x16xf32>,
        %get3A_471 = vector.shape_cast %get3A_470 : vector<1x16xf32> to vector<16xf32>
        %get3A_472 = arith.index_cast %add3A_388 : i32 to index
        %get3A_473 = arith.constant 112 : index
        %get3A_474 = tpu.vector_load %arg11[%get3A_472, %get3A_473] {strides = array<i32>} : memref<128x128xf32, #tpu.memory_space<vmem>>, vector<1x16xf32>,
        %get3A_475 = vector.shape_cast %get3A_474 : vector<1x16xf32> to vector<16xf32>
        %mul3A_476 = arith.mulf %get3A_471, %get3A_475 : vector<16xf32>
        %add3A_477 = arith.addf %mul3A_449, %mul3A_458 : vector<16xf32>
        %add3A_478 = arith.addf %mul3A_467, %mul3A_476 : vector<16xf32>
        %add3A_479 = arith.addf %add3A_477, %add3A_478 : vector<16xf32>
        %swap3A_480 = arith.index_cast %add3A_440 : i32 to index
        %swap3A_481 = arith.constant 0 : index
        %swap3A_482 = tpu.vector_load %arg13[%swap3A_480, %swap3A_481] {strides = array<i32>} : memref<256x16xf32, #tpu.memory_space<vmem>>, vector<1x16xf32>,
        %swap3A_483 = vector.shape_cast %swap3A_482 : vector<1x16xf32> to vector<16xf32>
        %swap3A_484 = vector.shape_cast %add3A_479 : vector<16xf32> to vector<1x16xf32>
        tpu.vector_store %arg13[%swap3A_480, %swap3A_481], %swap3A_484 {strides = array<i32>} : memref<256x16xf32, #tpu.memory_space<vmem>>, vector<1x16xf32>,
        %add3A_485 = arith.constant 3 : i32
        %add3A_486 = arith.addi %mul3A_192, %add3A_485 : i32
        %mul3A_487 = arith.constant 2 : i32
        %mul3A_488 = arith.muli %mul3A_487, %add3A_486 : i32
        %add3A_489 = arith.constant 0 : i32
        %add3A_490 = arith.addi %mul3A_488, %add3A_489 : i32
        %get3A_491 = arith.index_cast %add3A_490 : i32 to index
        %get3A_492 = arith.constant 0 : index
        %get3A_493 = tpu.vector_load %arg12[%get3A_491, %get3A_492] {strides = array<i32>} : memref<256x64xf32, #tpu.memory_space<vmem>>, vector<1x16xf32>,
        %get3A_494 = vector.shape_cast %get3A_493 : vector<1x16xf32> to vector<16xf32>
        %get3A_495 = arith.index_cast %add3A_486 : i32 to index
        %get3A_496 = arith.constant 0 : index
        %get3A_497 = tpu.vector_load %arg11[%get3A_495, %get3A_496] {strides = array<i32>} : memref<128x128xf32, #tpu.memory_space<vmem>>, vector<1x16xf32>,
        %get3A_498 = vector.shape_cast %get3A_497 : vector<1x16xf32> to vector<16xf32>
        %mul3A_499 = arith.mulf %get3A_494, %get3A_498 : vector<16xf32>
        %get3A_500 = arith.index_cast %add3A_490 : i32 to index
        %get3A_501 = arith.constant 16 : index
        %get3A_502 = tpu.vector_load %arg12[%get3A_500, %get3A_501] {strides = array<i32>} : memref<256x64xf32, #tpu.memory_space<vmem>>, vector<1x16xf32>,
        %get3A_503 = vector.shape_cast %get3A_502 : vector<1x16xf32> to vector<16xf32>
        %get3A_504 = arith.index_cast %add3A_486 : i32 to index
        %get3A_505 = arith.constant 16 : index
        %get3A_506 = tpu.vector_load %arg11[%get3A_504, %get3A_505] {strides = array<i32>} : memref<128x128xf32, #tpu.memory_space<vmem>>, vector<1x16xf32>,
        %get3A_507 = vector.shape_cast %get3A_506 : vector<1x16xf32> to vector<16xf32>
        %mul3A_508 = arith.mulf %get3A_503, %get3A_507 : vector<16xf32>
        %get3A_509 = arith.index_cast %add3A_490 : i32 to index
        %get3A_510 = arith.constant 32 : index
        %get3A_511 = tpu.vector_load %arg12[%get3A_509, %get3A_510] {strides = array<i32>} : memref<256x64xf32, #tpu.memory_space<vmem>>, vector<1x16xf32>,
        %get3A_512 = vector.shape_cast %get3A_511 : vector<1x16xf32> to vector<16xf32>
        %get3A_513 = arith.index_cast %add3A_486 : i32 to index
        %get3A_514 = arith.constant 32 : index
        %get3A_515 = tpu.vector_load %arg11[%get3A_513, %get3A_514] {strides = array<i32>} : memref<128x128xf32, #tpu.memory_space<vmem>>, vector<1x16xf32>,
        %get3A_516 = vector.shape_cast %get3A_515 : vector<1x16xf32> to vector<16xf32>
        %mul3A_517 = arith.mulf %get3A_512, %get3A_516 : vector<16xf32>
        %get3A_518 = arith.index_cast %add3A_490 : i32 to index
        %get3A_519 = arith.constant 48 : index
        %get3A_520 = tpu.vector_load %arg12[%get3A_518, %get3A_519] {strides = array<i32>} : memref<256x64xf32, #tpu.memory_space<vmem>>, vector<1x16xf32>,
        %get3A_521 = vector.shape_cast %get3A_520 : vector<1x16xf32> to vector<16xf32>
        %get3A_522 = arith.index_cast %add3A_486 : i32 to index
        %get3A_523 = arith.constant 48 : index
        %get3A_524 = tpu.vector_load %arg11[%get3A_522, %get3A_523] {strides = array<i32>} : memref<128x128xf32, #tpu.memory_space<vmem>>, vector<1x16xf32>,
        %get3A_525 = vector.shape_cast %get3A_524 : vector<1x16xf32> to vector<16xf32>
        %mul3A_526 = arith.mulf %get3A_521, %get3A_525 : vector<16xf32>
        %add3A_527 = arith.addf %mul3A_499, %mul3A_508 : vector<16xf32>
        %add3A_528 = arith.addf %mul3A_517, %mul3A_526 : vector<16xf32>
        %add3A_529 = arith.addf %add3A_527, %add3A_528 : vector<16xf32>
        %swap3A_530 = arith.index_cast %add3A_490 : i32 to index
        %swap3A_531 = arith.constant 0 : index
        %swap3A_532 = tpu.vector_load %arg13[%swap3A_530, %swap3A_531] {strides = array<i32>} : memref<256x16xf32, #tpu.memory_space<vmem>>, vector<1x16xf32>,
        %swap3A_533 = vector.shape_cast %swap3A_532 : vector<1x16xf32> to vector<16xf32>
        %swap3A_534 = vector.shape_cast %add3A_529 : vector<16xf32> to vector<1x16xf32>
        tpu.vector_store %arg13[%swap3A_530, %swap3A_531], %swap3A_534 {strides = array<i32>} : memref<256x16xf32, #tpu.memory_space<vmem>>, vector<1x16xf32>,
        %mul3A_535 = arith.constant 2 : i32
        %mul3A_536 = arith.muli %mul3A_535, %add3A_486 : i32
        %add3A_537 = arith.constant 1 : i32
        %add3A_538 = arith.addi %mul3A_536, %add3A_537 : i32
        %get3A_539 = arith.index_cast %add3A_538 : i32 to index
        %get3A_540 = arith.constant 0 : index
        %get3A_541 = tpu.vector_load %arg12[%get3A_539, %get3A_540] {strides = array<i32>} : memref<256x64xf32, #tpu.memory_space<vmem>>, vector<1x16xf32>,
        %get3A_542 = vector.shape_cast %get3A_541 : vector<1x16xf32> to vector<16xf32>
        %get3A_543 = arith.index_cast %add3A_486 : i32 to index
        %get3A_544 = arith.constant 64 : index
        %get3A_545 = tpu.vector_load %arg11[%get3A_543, %get3A_544] {strides = array<i32>} : memref<128x128xf32, #tpu.memory_space<vmem>>, vector<1x16xf32>,
        %get3A_546 = vector.shape_cast %get3A_545 : vector<1x16xf32> to vector<16xf32>
        %mul3A_547 = arith.mulf %get3A_542, %get3A_546 : vector<16xf32>
        %get3A_548 = arith.index_cast %add3A_538 : i32 to index
        %get3A_549 = arith.constant 16 : index
        %get3A_550 = tpu.vector_load %arg12[%get3A_548, %get3A_549] {strides = array<i32>} : memref<256x64xf32, #tpu.memory_space<vmem>>, vector<1x16xf32>,
        %get3A_551 = vector.shape_cast %get3A_550 : vector<1x16xf32> to vector<16xf32>
        %get3A_552 = arith.index_cast %add3A_486 : i32 to index
        %get3A_553 = arith.constant 80 : index
        %get3A_554 = tpu.vector_load %arg11[%get3A_552, %get3A_553] {strides = array<i32>} : memref<128x128xf32, #tpu.memory_space<vmem>>, vector<1x16xf32>,
        %get3A_555 = vector.shape_cast %get3A_554 : vector<1x16xf32> to vector<16xf32>
        %mul3A_556 = arith.mulf %get3A_551, %get3A_555 : vector<16xf32>
        %get3A_557 = arith.index_cast %add3A_538 : i32 to index
        %get3A_558 = arith.constant 32 : index
        %get3A_559 = tpu.vector_load %arg12[%get3A_557, %get3A_558] {strides = array<i32>} : memref<256x64xf32, #tpu.memory_space<vmem>>, vector<1x16xf32>,
        %get3A_560 = vector.shape_cast %get3A_559 : vector<1x16xf32> to vector<16xf32>
        %get3A_561 = arith.index_cast %add3A_486 : i32 to index
        %get3A_562 = arith.constant 96 : index
        %get3A_563 = tpu.vector_load %arg11[%get3A_561, %get3A_562] {strides = array<i32>} : memref<128x128xf32, #tpu.memory_space<vmem>>, vector<1x16xf32>,
        %get3A_564 = vector.shape_cast %get3A_563 : vector<1x16xf32> to vector<16xf32>
        %mul3A_565 = arith.mulf %get3A_560, %get3A_564 : vector<16xf32>
        %get3A_566 = arith.index_cast %add3A_538 : i32 to index
        %get3A_567 = arith.constant 48 : index
        %get3A_568 = tpu.vector_load %arg12[%get3A_566, %get3A_567] {strides = array<i32>} : memref<256x64xf32, #tpu.memory_space<vmem>>, vector<1x16xf32>,
        %get3A_569 = vector.shape_cast %get3A_568 : vector<1x16xf32> to vector<16xf32>
        %get3A_570 = arith.index_cast %add3A_486 : i32 to index
        %get3A_571 = arith.constant 112 : index
        %get3A_572 = tpu.vector_load %arg11[%get3A_570, %get3A_571] {strides = array<i32>} : memref<128x128xf32, #tpu.memory_space<vmem>>, vector<1x16xf32>,
        %get3A_573 = vector.shape_cast %get3A_572 : vector<1x16xf32> to vector<16xf32>
        %mul3A_574 = arith.mulf %get3A_569, %get3A_573 : vector<16xf32>
        %add3A_575 = arith.addf %mul3A_547, %mul3A_556 : vector<16xf32>
        %add3A_576 = arith.addf %mul3A_565, %mul3A_574 : vector<16xf32>
        %add3A_577 = arith.addf %add3A_575, %add3A_576 : vector<16xf32>
        %swap3A_578 = arith.index_cast %add3A_538 : i32 to index
        %swap3A_579 = arith.constant 0 : index
        %swap3A_580 = tpu.vector_load %arg13[%swap3A_578, %swap3A_579] {strides = array<i32>} : memref<256x16xf32, #tpu.memory_space<vmem>>, vector<1x16xf32>,
        %swap3A_581 = vector.shape_cast %swap3A_580 : vector<1x16xf32> to vector<16xf32>
        %swap3A_582 = vector.shape_cast %add3A_577 : vector<16xf32> to vector<1x16xf32>
        tpu.vector_store %arg13[%swap3A_578, %swap3A_579], %swap3A_582 {strides = array<i32>} : memref<256x16xf32, #tpu.memory_space<vmem>>, vector<1x16xf32>,
      }
      %scan3A_186 = arith.constant 32 : i32
      %run_scoped3A = arith.constant 0 : i32
      "tpu.region"() ({
        %run_scoped3A_190 = tpu.sem_alloc : memref<!tpu.dma_semaphore, #tpu.memory_space<semaphore_mem>>
        %dma_start3A_191 = arith.constant 0 : i32
        %dma_start3A_192 = arith.constant 0 : i32
        %dma_start3A_193 = tpu.memref_slice %arg13[%dma_start3A_191, %dma_start3A_192] : memref<256x16xf32, #tpu.memory_space<vmem>> -> memref<128x16xf32, #tpu.memory_space<vmem>>
        %dma_start3A_194 = arith.constant 0 : i32
        %dma_start3A_195 = tpu.memref_slice %arg10[%run_scoped3A, %dma_start3A_194] : memref<2x128xi32, #tpu.memory_space<vmem>> -> memref<1x128xi32, #tpu.memory_space<vmem>>
        %dma_start3A_196 = tpu.memref_squeeze %dma_start3A_195 : memref<1x128xi32, #tpu.memory_space<vmem>> -> memref<128xi32, #tpu.memory_space<vmem>>
        %dma_start3A_197 = arith.constant 0 : i32
        %dma_start3A_198 = arith.constant 0 : i32
        %dma_start3A_199 = tpu.memref_slice %arg8[%dma_start3A_197, %dma_start3A_198] : memref<50176x16xf32, #tpu.memory_space<vmem_shared>> -> memref<50176x16xf32, #tpu.memory_space<vmem_shared>>
        tpu.enqueue_indirect_dma source(%dma_start3A_193 : memref<128x16xf32, #tpu.memory_space<vmem>>) target(%dma_start3A_199 : memref<50176x16xf32, #tpu.memory_space<vmem_shared>>) offsets(%dma_start3A_196 : memref<128xi32, #tpu.memory_space<vmem>>) semaphore(%run_scoped3A_190 : memref<!tpu.dma_semaphore, #tpu.memory_space<semaphore_mem>>) {add = true}
        %dma_wait3A_200 = arith.constant 0 : i32
        %dma_wait3A_201 = arith.constant 0 : i32
        %dma_wait3A_202 = tpu.memref_slice %arg13[%dma_wait3A_200, %dma_wait3A_201] : memref<256x16xf32, #tpu.memory_space<vmem>> -> memref<128x16xf32, #tpu.memory_space<vmem>>
        %dma_wait3A_203 = arith.constant 0 : i32
        %dma_wait3A_204 = tpu.memref_slice %arg10[%run_scoped3A, %dma_wait3A_203] : memref<2x128xi32, #tpu.memory_space<vmem>> -> memref<1x128xi32, #tpu.memory_space<vmem>>
        %dma_wait3A_205 = tpu.memref_squeeze %dma_wait3A_204 : memref<1x128xi32, #tpu.memory_space<vmem>> -> memref<128xi32, #tpu.memory_space<vmem>>
        %dma_wait3A_206 = arith.constant 0 : i32
        %dma_wait3A_207 = arith.constant 0 : i32
        %dma_wait3A_208 = tpu.memref_slice %arg8[%dma_wait3A_206, %dma_wait3A_207] : memref<50176x16xf32, #tpu.memory_space<vmem_shared>> -> memref<50176x16xf32, #tpu.memory_space<vmem_shared>>
        tpu.wait_indirect_dma semaphore(%run_scoped3A_190 : memref<!tpu.dma_semaphore, #tpu.memory_space<semaphore_mem>>) src(%dma_wait3A_202 : memref<128x16xf32, #tpu.memory_space<vmem>>) dst(%dma_wait3A_208 : memref<50176x16xf32, #tpu.memory_space<vmem_shared>>)
        tpu.yield
      }) : () -> ()
      %run_scoped3A_187 = arith.constant 0 : i32
      "tpu.region"() ({
        %run_scoped3A_190 = tpu.sem_alloc : memref<!tpu.dma_semaphore, #tpu.memory_space<semaphore_mem>>
        %dma_start3A_191 = arith.constant 0 : i32
        %dma_start3A_192 = tpu.memref_slice %arg10[%run_scoped3A_187, %dma_start3A_191] : memref<2x128xi32, #tpu.memory_space<vmem>> -> memref<1x128xi32, #tpu.memory_space<vmem>>
        %dma_start3A_193 = tpu.memref_squeeze %dma_start3A_192 : memref<1x128xi32, #tpu.memory_space<vmem>> -> memref<128xi32, #tpu.memory_space<vmem>>
        %dma_start3A_194 = arith.constant 0 : i32
        %dma_start3A_195 = tpu.memref_slice %arg16[%dma_start3A_194] : memref<50176xf32, #tpu.memory_space<vmem_shared>> -> memref<50176xf32, #tpu.memory_space<vmem_shared>>
        tpu.enqueue_indirect_dma source(%arg17 : memref<128xf32, #tpu.memory_space<vmem>>) target(%dma_start3A_195 : memref<50176xf32, #tpu.memory_space<vmem_shared>>) offsets(%dma_start3A_193 : memref<128xi32, #tpu.memory_space<vmem>>) semaphore(%run_scoped3A_190 : memref<!tpu.dma_semaphore, #tpu.memory_space<semaphore_mem>>) {add = true}
        %dma_wait3A_196 = arith.constant 0 : i32
        %dma_wait3A_197 = tpu.memref_slice %arg10[%run_scoped3A_187, %dma_wait3A_196] : memref<2x128xi32, #tpu.memory_space<vmem>> -> memref<1x128xi32, #tpu.memory_space<vmem>>
        %dma_wait3A_198 = tpu.memref_squeeze %dma_wait3A_197 : memref<1x128xi32, #tpu.memory_space<vmem>> -> memref<128xi32, #tpu.memory_space<vmem>>
        %dma_wait3A_199 = arith.constant 0 : i32
        %dma_wait3A_200 = tpu.memref_slice %arg16[%dma_wait3A_199] : memref<50176xf32, #tpu.memory_space<vmem_shared>> -> memref<50176xf32, #tpu.memory_space<vmem_shared>>
        tpu.wait_indirect_dma semaphore(%run_scoped3A_190 : memref<!tpu.dma_semaphore, #tpu.memory_space<semaphore_mem>>) src(%arg17 : memref<128xf32, #tpu.memory_space<vmem>>) dst(%dma_wait3A_200 : memref<50176xf32, #tpu.memory_space<vmem_shared>>)
        tpu.yield
      }) : () -> ()
      %run_scoped3A_188 = arith.constant 1 : i32
      "tpu.region"() ({
        %run_scoped3A_190 = tpu.sem_alloc : memref<!tpu.dma_semaphore, #tpu.memory_space<semaphore_mem>>
        %dma_start3A_191 = arith.constant 128 : i32
        %dma_start3A_192 = arith.constant 0 : i32
        %dma_start3A_193 = tpu.memref_slice %arg13[%dma_start3A_191, %dma_start3A_192] : memref<256x16xf32, #tpu.memory_space<vmem>> -> memref<128x16xf32, #tpu.memory_space<vmem>>
        %dma_start3A_194 = arith.constant 0 : i32
        %dma_start3A_195 = tpu.memref_slice %arg10[%run_scoped3A_188, %dma_start3A_194] : memref<2x128xi32, #tpu.memory_space<vmem>> -> memref<1x128xi32, #tpu.memory_space<vmem>>
        %dma_start3A_196 = tpu.memref_squeeze %dma_start3A_195 : memref<1x128xi32, #tpu.memory_space<vmem>> -> memref<128xi32, #tpu.memory_space<vmem>>
        %dma_start3A_197 = arith.constant 0 : i32
        %dma_start3A_198 = arith.constant 0 : i32
        %dma_start3A_199 = tpu.memref_slice %arg8[%dma_start3A_197, %dma_start3A_198] : memref<50176x16xf32, #tpu.memory_space<vmem_shared>> -> memref<50176x16xf32, #tpu.memory_space<vmem_shared>>
        tpu.enqueue_indirect_dma source(%dma_start3A_193 : memref<128x16xf32, #tpu.memory_space<vmem>>) target(%dma_start3A_199 : memref<50176x16xf32, #tpu.memory_space<vmem_shared>>) offsets(%dma_start3A_196 : memref<128xi32, #tpu.memory_space<vmem>>) semaphore(%run_scoped3A_190 : memref<!tpu.dma_semaphore, #tpu.memory_space<semaphore_mem>>) {add = true}
        %dma_wait3A_200 = arith.constant 128 : i32
        %dma_wait3A_201 = arith.constant 0 : i32
        %dma_wait3A_202 = tpu.memref_slice %arg13[%dma_wait3A_200, %dma_wait3A_201] : memref<256x16xf32, #tpu.memory_space<vmem>> -> memref<128x16xf32, #tpu.memory_space<vmem>>
        %dma_wait3A_203 = arith.constant 0 : i32
        %dma_wait3A_204 = tpu.memref_slice %arg10[%run_scoped3A_188, %dma_wait3A_203] : memref<2x128xi32, #tpu.memory_space<vmem>> -> memref<1x128xi32, #tpu.memory_space<vmem>>
        %dma_wait3A_205 = tpu.memref_squeeze %dma_wait3A_204 : memref<1x128xi32, #tpu.memory_space<vmem>> -> memref<128xi32, #tpu.memory_space<vmem>>
        %dma_wait3A_206 = arith.constant 0 : i32
        %dma_wait3A_207 = arith.constant 0 : i32
        %dma_wait3A_208 = tpu.memref_slice %arg8[%dma_wait3A_206, %dma_wait3A_207] : memref<50176x16xf32, #tpu.memory_space<vmem_shared>> -> memref<50176x16xf32, #tpu.memory_space<vmem_shared>>
        tpu.wait_indirect_dma semaphore(%run_scoped3A_190 : memref<!tpu.dma_semaphore, #tpu.memory_space<semaphore_mem>>) src(%dma_wait3A_202 : memref<128x16xf32, #tpu.memory_space<vmem>>) dst(%dma_wait3A_208 : memref<50176x16xf32, #tpu.memory_space<vmem_shared>>)
        tpu.yield
      }) : () -> ()
      %run_scoped3A_189 = arith.constant 1 : i32
      "tpu.region"() ({
        %run_scoped3A_190 = tpu.sem_alloc : memref<!tpu.dma_semaphore, #tpu.memory_space<semaphore_mem>>
        %dma_start3A_191 = arith.constant 0 : i32
        %dma_start3A_192 = tpu.memref_slice %arg10[%run_scoped3A_189, %dma_start3A_191] : memref<2x128xi32, #tpu.memory_space<vmem>> -> memref<1x128xi32, #tpu.memory_space<vmem>>
        %dma_start3A_193 = tpu.memref_squeeze %dma_start3A_192 : memref<1x128xi32, #tpu.memory_space<vmem>> -> memref<128xi32, #tpu.memory_space<vmem>>
        %dma_start3A_194 = arith.constant 0 : i32
        %dma_start3A_195 = tpu.memref_slice %arg16[%dma_start3A_194] : memref<50176xf32, #tpu.memory_space<vmem_shared>> -> memref<50176xf32, #tpu.memory_space<vmem_shared>>
        tpu.enqueue_indirect_dma source(%arg17 : memref<128xf32, #tpu.memory_space<vmem>>) target(%dma_start3A_195 : memref<50176xf32, #tpu.memory_space<vmem_shared>>) offsets(%dma_start3A_193 : memref<128xi32, #tpu.memory_space<vmem>>) semaphore(%run_scoped3A_190 : memref<!tpu.dma_semaphore, #tpu.memory_space<semaphore_mem>>) {add = true}
        %dma_wait3A_196 = arith.constant 0 : i32
        %dma_wait3A_197 = tpu.memref_slice %arg10[%run_scoped3A_189, %dma_wait3A_196] : memref<2x128xi32, #tpu.memory_space<vmem>> -> memref<1x128xi32, #tpu.memory_space<vmem>>
        %dma_wait3A_198 = tpu.memref_squeeze %dma_wait3A_197 : memref<1x128xi32, #tpu.memory_space<vmem>> -> memref<128xi32, #tpu.memory_space<vmem>>
        %dma_wait3A_199 = arith.constant 0 : i32
        %dma_wait3A_200 = tpu.memref_slice %arg16[%dma_wait3A_199] : memref<50176xf32, #tpu.memory_space<vmem_shared>> -> memref<50176xf32, #tpu.memory_space<vmem_shared>>
        tpu.wait_indirect_dma semaphore(%run_scoped3A_190 : memref<!tpu.dma_semaphore, #tpu.memory_space<semaphore_mem>>) src(%arg17 : memref<128xf32, #tpu.memory_space<vmem>>) dst(%dma_wait3A_200 : memref<50176xf32, #tpu.memory_space<vmem_shared>>)
        tpu.yield
      }) : () -> ()
    }
    %scan3A_74 = arith.constant 98 : i32
    %barrier3A_75 = arith.constant 0 : index
    tpu.barrier barrier_id(%barrier3A_75)
    %mul3A_76 = arith.constant 2 : i32
    %mul3A_77 = arith.muli %arg1, %mul3A_76 : i32
    %add3A_78 = arith.constant 0 : i32
    %add3A_79 = arith.addi %mul3A_77, %add3A_78 : i32
    %mul3A_80 = arith.constant 1568 : i32
    %mul3A_81 = arith.muli %add3A_79, %mul3A_80 : i32
    "tpu.region"() ({
      %run_scoped3A = tpu.sem_alloc : memref<!tpu.dma_semaphore, #tpu.memory_space<semaphore_mem>>
      %dma_start3A = arith.constant 0 : i32
      %dma_start3A_95 = tpu.memref_slice %arg6[%arg0, %mul3A_81, %dma_start3A] : memref<2x50176x16xf32, #tpu.memory_space<hbm>> -> memref<1x1568x16xf32, #tpu.memory_space<hbm>>
      %dma_start3A_96 = tpu.memref_squeeze %dma_start3A_95 : memref<1x1568x16xf32, #tpu.memory_space<hbm>> -> memref<1568x16xf32, #tpu.memory_space<hbm>>
      %dma_start3A_97 = arith.constant 0 : i32
      %dma_start3A_98 = tpu.memref_slice %arg8[%mul3A_81, %dma_start3A_97] : memref<50176x16xf32, #tpu.memory_space<vmem_shared>> -> memref<1568x16xf32, #tpu.memory_space<vmem_shared>>
      tpu.enqueue_dma source(%dma_start3A_98 : memref<1568x16xf32, #tpu.memory_space<vmem_shared>>) target(%dma_start3A_96 : memref<1568x16xf32, #tpu.memory_space<hbm>>) target_semaphore(%run_scoped3A : memref<!tpu.dma_semaphore, #tpu.memory_space<semaphore_mem>>)
      %dma_wait3A = arith.constant 0 : i32
      %dma_wait3A_99 = tpu.memref_slice %arg6[%arg0, %mul3A_81, %dma_wait3A] : memref<2x50176x16xf32, #tpu.memory_space<hbm>> -> memref<1x1568x16xf32, #tpu.memory_space<hbm>>
      %dma_wait3A_100 = tpu.memref_squeeze %dma_wait3A_99 : memref<1x1568x16xf32, #tpu.memory_space<hbm>> -> memref<1568x16xf32, #tpu.memory_space<hbm>>
      %dma_wait3A_101 = arith.constant 0 : i32
      %dma_wait3A_102 = tpu.memref_slice %arg8[%mul3A_81, %dma_wait3A_101] : memref<50176x16xf32, #tpu.memory_space<vmem_shared>> -> memref<1568x16xf32, #tpu.memory_space<vmem_shared>>
      tpu.wait_dma2 semaphore(%run_scoped3A : memref<!tpu.dma_semaphore, #tpu.memory_space<semaphore_mem>>) src(%dma_wait3A_102 : memref<1568x16xf32, #tpu.memory_space<vmem_shared>>) dst(%dma_wait3A_100 : memref<1568x16xf32, #tpu.memory_space<hbm>>)
      tpu.yield
    }) : () -> ()
    %mul3A_82 = arith.constant 50176 : i32
    %mul3A_83 = arith.muli %arg0, %mul3A_82 : i32
    %add3A_84 = arith.addi %mul3A_83, %mul3A_81 : i32
    %multiple_of3A = tpu.assume_multiple %add3A_84, 8 : i32
    "tpu.region"() ({
      %run_scoped3A = tpu.sem_alloc : memref<!tpu.dma_semaphore, #tpu.memory_space<semaphore_mem>>
      %dma_start3A = tpu.memref_slice %arg7[%multiple_of3A] : memref<100352xf32, #tpu.memory_space<hbm>> -> memref<1568xf32, #tpu.memory_space<hbm>>
      %dma_start3A_95 = tpu.memref_slice %arg16[%mul3A_81] : memref<50176xf32, #tpu.memory_space<vmem_shared>> -> memref<1568xf32, #tpu.memory_space<vmem_shared>>
      tpu.enqueue_dma source(%dma_start3A_95 : memref<1568xf32, #tpu.memory_space<vmem_shared>>) target(%dma_start3A : memref<1568xf32, #tpu.memory_space<hbm>>) target_semaphore(%run_scoped3A : memref<!tpu.dma_semaphore, #tpu.memory_space<semaphore_mem>>)
      %dma_wait3A = tpu.memref_slice %arg7[%multiple_of3A] : memref<100352xf32, #tpu.memory_space<hbm>> -> memref<1568xf32, #tpu.memory_space<hbm>>
      %dma_wait3A_96 = tpu.memref_slice %arg16[%mul3A_81] : memref<50176xf32, #tpu.memory_space<vmem_shared>> -> memref<1568xf32, #tpu.memory_space<vmem_shared>>
      tpu.wait_dma2 semaphore(%run_scoped3A : memref<!tpu.dma_semaphore, #tpu.memory_space<semaphore_mem>>) src(%dma_wait3A_96 : memref<1568xf32, #tpu.memory_space<vmem_shared>>) dst(%dma_wait3A : memref<1568xf32, #tpu.memory_space<hbm>>)
      tpu.yield
    }) : () -> ()
    %mul3A_85 = arith.constant 2 : i32
    %mul3A_86 = arith.muli %arg1, %mul3A_85 : i32
    %add3A_87 = arith.constant 1 : i32
    %add3A_88 = arith.addi %mul3A_86, %add3A_87 : i32
    %mul3A_89 = arith.constant 1568 : i32
    %mul3A_90 = arith.muli %add3A_88, %mul3A_89 : i32
    "tpu.region"() ({
      %run_scoped3A = tpu.sem_alloc : memref<!tpu.dma_semaphore, #tpu.memory_space<semaphore_mem>>
      %dma_start3A = arith.constant 0 : i32
      %dma_start3A_95 = tpu.memref_slice %arg6[%arg0, %mul3A_90, %dma_start3A] : memref<2x50176x16xf32, #tpu.memory_space<hbm>> -> memref<1x1568x16xf32, #tpu.memory_space<hbm>>
      %dma_start3A_96 = tpu.memref_squeeze %dma_start3A_95 : memref<1x1568x16xf32, #tpu.memory_space<hbm>> -> memref<1568x16xf32, #tpu.memory_space<hbm>>
      %dma_start3A_97 = arith.constant 0 : i32
      %dma_start3A_98 = tpu.memref_slice %arg8[%mul3A_90, %dma_start3A_97] : memref<50176x16xf32, #tpu.memory_space<vmem_shared>> -> memref<1568x16xf32, #tpu.memory_space<vmem_shared>>
      tpu.enqueue_dma source(%dma_start3A_98 : memref<1568x16xf32, #tpu.memory_space<vmem_shared>>) target(%dma_start3A_96 : memref<1568x16xf32, #tpu.memory_space<hbm>>) target_semaphore(%run_scoped3A : memref<!tpu.dma_semaphore, #tpu.memory_space<semaphore_mem>>)
      %dma_wait3A = arith.constant 0 : i32
      %dma_wait3A_99 = tpu.memref_slice %arg6[%arg0, %mul3A_90, %dma_wait3A] : memref<2x50176x16xf32, #tpu.memory_space<hbm>> -> memref<1x1568x16xf32, #tpu.memory_space<hbm>>
      %dma_wait3A_100 = tpu.memref_squeeze %dma_wait3A_99 : memref<1x1568x16xf32, #tpu.memory_space<hbm>> -> memref<1568x16xf32, #tpu.memory_space<hbm>>
      %dma_wait3A_101 = arith.constant 0 : i32
      %dma_wait3A_102 = tpu.memref_slice %arg8[%mul3A_90, %dma_wait3A_101] : memref<50176x16xf32, #tpu.memory_space<vmem_shared>> -> memref<1568x16xf32, #tpu.memory_space<vmem_shared>>
      tpu.wait_dma2 semaphore(%run_scoped3A : memref<!tpu.dma_semaphore, #tpu.memory_space<semaphore_mem>>) src(%dma_wait3A_102 : memref<1568x16xf32, #tpu.memory_space<vmem_shared>>) dst(%dma_wait3A_100 : memref<1568x16xf32, #tpu.memory_space<hbm>>)
      tpu.yield
    }) : () -> ()
    %mul3A_91 = arith.constant 50176 : i32
    %mul3A_92 = arith.muli %arg0, %mul3A_91 : i32
    %add3A_93 = arith.addi %mul3A_92, %mul3A_90 : i32
    %multiple_of3A_94 = tpu.assume_multiple %add3A_93, 8 : i32
    "tpu.region"() ({
      %run_scoped3A = tpu.sem_alloc : memref<!tpu.dma_semaphore, #tpu.memory_space<semaphore_mem>>
      %dma_start3A = tpu.memref_slice %arg7[%multiple_of3A_94] : memref<100352xf32, #tpu.memory_space<hbm>> -> memref<1568xf32, #tpu.memory_space<hbm>>
      %dma_start3A_95 = tpu.memref_slice %arg16[%mul3A_90] : memref<50176xf32, #tpu.memory_space<vmem_shared>> -> memref<1568xf32, #tpu.memory_space<vmem_shared>>
      tpu.enqueue_dma source(%dma_start3A_95 : memref<1568xf32, #tpu.memory_space<vmem_shared>>) target(%dma_start3A : memref<1568xf32, #tpu.memory_space<hbm>>) target_semaphore(%run_scoped3A : memref<!tpu.dma_semaphore, #tpu.memory_space<semaphore_mem>>)
      %dma_wait3A = tpu.memref_slice %arg7[%multiple_of3A_94] : memref<100352xf32, #tpu.memory_space<hbm>> -> memref<1568xf32, #tpu.memory_space<hbm>>
      %dma_wait3A_96 = tpu.memref_slice %arg16[%mul3A_90] : memref<50176xf32, #tpu.memory_space<vmem_shared>> -> memref<1568xf32, #tpu.memory_space<vmem_shared>>
      tpu.wait_dma2 semaphore(%run_scoped3A : memref<!tpu.dma_semaphore, #tpu.memory_space<semaphore_mem>>) src(%dma_wait3A_96 : memref<1568xf32, #tpu.memory_space<vmem_shared>>) dst(%dma_wait3A : memref<1568xf32, #tpu.memory_space<hbm>>)
      tpu.yield
    }) : () -> ()
    return
  }
}

module attributes {stable_mosaic.version = 14 : i64} {
  func.func @_coeff_body(%arg0: i32, %arg1: memref<4096x4xf32, #tpu.memory_space<vmem>>, %arg2: memref<4096x128xf32, #tpu.memory_space<vmem>>) attributes {dimension_semantics = [#tpu.dimension_semantics<arbitrary>], iteration_bounds = array<i64: 98>, scalar_prefetch = 0 : i64, scratch_operands = 0 : i64, tpu.core_type = #tpu.core_type<tc>, window_params = [{transform_indices = @transform_0, window_bounds = array<i64: 4096, 4>}, {transform_indices = @transform_1, window_bounds = array<i64: 4096, 128>}]} {
    %get3A = arith.constant 0 : index
    %get3A_0 = arith.constant 0 : index
    %get3A_1 = vector.load %arg1[%get3A, %get3A_0] : memref<4096x4xf32, #tpu.memory_space<vmem>>, vector<4096x4xf32>
    %slice3A = vector.extract_strided_slice %get3A_1 {offsets = [0, 0], sizes = [4096, 1], strides = [1, 1]} : vector<4096x4xf32> to vector<4096x1xf32>
    %squeeze3A = vector.shape_cast %slice3A : vector<4096x1xf32> to vector<4096xf32>
    %sub3A = arith.constant 1.000000e+00 : f32
    %sub3A_2 = vector.broadcast %sub3A : f32 to vector<4096xf32>
    %sub3A_3 = arith.subf %sub3A_2, %squeeze3A : vector<4096xf32>
    %broadcast_in_dim3A = vector.shape_cast %sub3A_3 : vector<4096xf32> to vector<4096x1xf32>
    %slice3A_4 = vector.extract_strided_slice %get3A_1 {offsets = [0, 0], sizes = [4096, 1], strides = [1, 1]} : vector<4096x4xf32> to vector<4096x1xf32>
    %squeeze3A_5 = vector.shape_cast %slice3A_4 : vector<4096x1xf32> to vector<4096xf32>
    %broadcast_in_dim3A_6 = vector.shape_cast %squeeze3A_5 : vector<4096xf32> to vector<4096x1xf32>
    %slice3A_7 = vector.extract_strided_slice %get3A_1 {offsets = [0, 1], sizes = [4096, 1], strides = [1, 1]} : vector<4096x4xf32> to vector<4096x1xf32>
    %squeeze3A_8 = vector.shape_cast %slice3A_7 : vector<4096x1xf32> to vector<4096xf32>
    %sub3A_9 = arith.constant 1.000000e+00 : f32
    %sub3A_10 = vector.broadcast %sub3A_9 : f32 to vector<4096xf32>
    %sub3A_11 = arith.subf %sub3A_10, %squeeze3A_8 : vector<4096xf32>
    %broadcast_in_dim3A_12 = vector.shape_cast %sub3A_11 : vector<4096xf32> to vector<4096x1xf32>
    %slice3A_13 = vector.extract_strided_slice %get3A_1 {offsets = [0, 1], sizes = [4096, 1], strides = [1, 1]} : vector<4096x4xf32> to vector<4096x1xf32>
    %squeeze3A_14 = vector.shape_cast %slice3A_13 : vector<4096x1xf32> to vector<4096xf32>
    %broadcast_in_dim3A_15 = vector.shape_cast %squeeze3A_14 : vector<4096xf32> to vector<4096x1xf32>
    %mul3A = arith.mulf %broadcast_in_dim3A, %broadcast_in_dim3A_12 : vector<4096x1xf32>
    %broadcast_in_dim3A_16 = vector.shape_cast %mul3A : vector<4096x1xf32> to vector<4096x1xf32>
    %broadcast_in_dim3A_17 = vector.broadcast %broadcast_in_dim3A_16 : vector<4096x1xf32> to vector<4096x16xf32>
    %mul3A_18 = arith.mulf %broadcast_in_dim3A, %broadcast_in_dim3A_15 : vector<4096x1xf32>
    %broadcast_in_dim3A_19 = vector.shape_cast %mul3A_18 : vector<4096x1xf32> to vector<4096x1xf32>
    %broadcast_in_dim3A_20 = vector.broadcast %broadcast_in_dim3A_19 : vector<4096x1xf32> to vector<4096x16xf32>
    %mul3A_21 = arith.mulf %broadcast_in_dim3A_6, %broadcast_in_dim3A_12 : vector<4096x1xf32>
    %broadcast_in_dim3A_22 = vector.shape_cast %mul3A_21 : vector<4096x1xf32> to vector<4096x1xf32>
    %broadcast_in_dim3A_23 = vector.broadcast %broadcast_in_dim3A_22 : vector<4096x1xf32> to vector<4096x16xf32>
    %mul3A_24 = arith.mulf %broadcast_in_dim3A_6, %broadcast_in_dim3A_15 : vector<4096x1xf32>
    %broadcast_in_dim3A_25 = vector.shape_cast %mul3A_24 : vector<4096x1xf32> to vector<4096x1xf32>
    %broadcast_in_dim3A_26 = vector.broadcast %broadcast_in_dim3A_25 : vector<4096x1xf32> to vector<4096x16xf32>
    %slice3A_27 = vector.extract_strided_slice %get3A_1 {offsets = [0, 2], sizes = [4096, 1], strides = [1, 1]} : vector<4096x4xf32> to vector<4096x1xf32>
    %squeeze3A_28 = vector.shape_cast %slice3A_27 : vector<4096x1xf32> to vector<4096xf32>
    %sub3A_29 = arith.constant 1.000000e+00 : f32
    %sub3A_30 = vector.broadcast %sub3A_29 : f32 to vector<4096xf32>
    %sub3A_31 = arith.subf %sub3A_30, %squeeze3A_28 : vector<4096xf32>
    %broadcast_in_dim3A_32 = vector.shape_cast %sub3A_31 : vector<4096xf32> to vector<4096x1xf32>
    %slice3A_33 = vector.extract_strided_slice %get3A_1 {offsets = [0, 2], sizes = [4096, 1], strides = [1, 1]} : vector<4096x4xf32> to vector<4096x1xf32>
    %squeeze3A_34 = vector.shape_cast %slice3A_33 : vector<4096x1xf32> to vector<4096xf32>
    %broadcast_in_dim3A_35 = vector.shape_cast %squeeze3A_34 : vector<4096xf32> to vector<4096x1xf32>
    %slice3A_36 = vector.extract_strided_slice %get3A_1 {offsets = [0, 3], sizes = [4096, 1], strides = [1, 1]} : vector<4096x4xf32> to vector<4096x1xf32>
    %squeeze3A_37 = vector.shape_cast %slice3A_36 : vector<4096x1xf32> to vector<4096xf32>
    %sub3A_38 = arith.constant 1.000000e+00 : f32
    %sub3A_39 = vector.broadcast %sub3A_38 : f32 to vector<4096xf32>
    %sub3A_40 = arith.subf %sub3A_39, %squeeze3A_37 : vector<4096xf32>
    %broadcast_in_dim3A_41 = vector.shape_cast %sub3A_40 : vector<4096xf32> to vector<4096x1xf32>
    %slice3A_42 = vector.extract_strided_slice %get3A_1 {offsets = [0, 3], sizes = [4096, 1], strides = [1, 1]} : vector<4096x4xf32> to vector<4096x1xf32>
    %squeeze3A_43 = vector.shape_cast %slice3A_42 : vector<4096x1xf32> to vector<4096xf32>
    %broadcast_in_dim3A_44 = vector.shape_cast %squeeze3A_43 : vector<4096xf32> to vector<4096x1xf32>
    %mul3A_45 = arith.mulf %broadcast_in_dim3A_32, %broadcast_in_dim3A_41 : vector<4096x1xf32>
    %broadcast_in_dim3A_46 = vector.shape_cast %mul3A_45 : vector<4096x1xf32> to vector<4096x1xf32>
    %broadcast_in_dim3A_47 = vector.broadcast %broadcast_in_dim3A_46 : vector<4096x1xf32> to vector<4096x16xf32>
    %mul3A_48 = arith.mulf %broadcast_in_dim3A_32, %broadcast_in_dim3A_44 : vector<4096x1xf32>
    %broadcast_in_dim3A_49 = vector.shape_cast %mul3A_48 : vector<4096x1xf32> to vector<4096x1xf32>
    %broadcast_in_dim3A_50 = vector.broadcast %broadcast_in_dim3A_49 : vector<4096x1xf32> to vector<4096x16xf32>
    %mul3A_51 = arith.mulf %broadcast_in_dim3A_35, %broadcast_in_dim3A_41 : vector<4096x1xf32>
    %broadcast_in_dim3A_52 = vector.shape_cast %mul3A_51 : vector<4096x1xf32> to vector<4096x1xf32>
    %broadcast_in_dim3A_53 = vector.broadcast %broadcast_in_dim3A_52 : vector<4096x1xf32> to vector<4096x16xf32>
    %mul3A_54 = arith.mulf %broadcast_in_dim3A_35, %broadcast_in_dim3A_44 : vector<4096x1xf32>
    %broadcast_in_dim3A_55 = vector.shape_cast %mul3A_54 : vector<4096x1xf32> to vector<4096x1xf32>
    %broadcast_in_dim3A_56 = vector.broadcast %broadcast_in_dim3A_55 : vector<4096x1xf32> to vector<4096x16xf32>
    %concatenate3A = tpu.concatenate %broadcast_in_dim3A_17, %broadcast_in_dim3A_20, %broadcast_in_dim3A_23, %broadcast_in_dim3A_26, %broadcast_in_dim3A_47, %broadcast_in_dim3A_50, %broadcast_in_dim3A_53, %broadcast_in_dim3A_56 in 1 : vector<4096x16xf32>, vector<4096x16xf32>, vector<4096x16xf32>, vector<4096x16xf32>, vector<4096x16xf32>, vector<4096x16xf32>, vector<4096x16xf32>, vector<4096x16xf32> -> vector<4096x128xf32>
    %swap3A = arith.constant 0 : index
    %swap3A_57 = arith.constant 0 : index
    %swap3A_58 = vector.load %arg2[%swap3A, %swap3A_57] : memref<4096x128xf32, #tpu.memory_space<vmem>>, vector<4096x128xf32>
    tpu.vector_store %arg2[%swap3A, %swap3A_57], %concatenate3A {strides = array<i32>} : memref<4096x128xf32, #tpu.memory_space<vmem>>, vector<4096x128xf32>,
    return
  }
  func.func @transform_0(%arg0: i32) -> (i32, i32) {
    %c0_i32 = arith.constant 0 : i32
    %c0_i32_0 = arith.constant 0 : i32
    return %arg0, %c0_i32 : i32, i32
  }
  func.func @transform_1(%arg0: i32) -> (i32, i32) {
    %c0_i32 = arith.constant 0 : i32
    %c0_i32_0 = arith.constant 0 : i32
    return %arg0, %c0_i32 : i32, i32
  }
}

module attributes {stable_mosaic.version = 14 : i64} {
  func.func @_mm_body(%arg0: i32, %arg1: memref<1000x1433xf32, #tpu.memory_space<vmem>>, %arg2: memref<1433x64xf32, #tpu.memory_space<vmem>>, %arg3: memref<1000x64xf32, #tpu.memory_space<vmem>>) attributes {dimension_semantics = [#tpu.dimension_semantics<arbitrary>], iteration_bounds = array<i64: 50>, scalar_prefetch = 0 : i64, scratch_operands = 0 : i64, tpu.core_type = #tpu.core_type<tc>, window_params = [{transform_indices = @transform_0, window_bounds = array<i64: 1000, 1433>}, {pipeline_mode = #tpu.pipeline_mode<synchronous>, transform_indices = @transform_1, window_bounds = array<i64: 1433, 64>}, {transform_indices = @transform_2, window_bounds = array<i64: 1000, 64>}]} {
    %get3A = arith.constant 0 : index
    %get3A_0 = arith.constant 0 : index
    %get3A_1 = vector.load %arg1[%get3A, %get3A_0] : memref<1000x1433xf32, #tpu.memory_space<vmem>>, vector<1000x1433xf32>
    %get3A_2 = arith.constant 0 : index
    %get3A_3 = arith.constant 0 : index
    %get3A_4 = vector.load %arg2[%get3A_2, %get3A_3] : memref<1433x64xf32, #tpu.memory_space<vmem>>, vector<1433x64xf32>
    %dot_general3A = arith.constant dense<0.000000e+00> : vector<1000x64xf32>
    %dot_general3A_5 = tpu.matmul %get3A_1, %get3A_4, %dot_general3A {dimension_numbers = #tpu.dot_dimension_numbers<[1], [0], [0], [1], [0, 0, 1, 1], [], []>, transpose_lhs_hint = false} : vector<1000x1433xf32>, vector<1433x64xf32>, vector<1000x64xf32> -> vector<1000x64xf32>
    %swap3A = arith.constant 0 : index
    %swap3A_6 = arith.constant 0 : index
    %swap3A_7 = vector.load %arg3[%swap3A, %swap3A_6] : memref<1000x64xf32, #tpu.memory_space<vmem>>, vector<1000x64xf32>
    tpu.vector_store %arg3[%swap3A, %swap3A_6], %dot_general3A_5 {strides = array<i32>} : memref<1000x64xf32, #tpu.memory_space<vmem>>, vector<1000x64xf32>,
    return
  }
  func.func @transform_0(%arg0: i32) -> (i32, i32) {
    %c0_i32 = arith.constant 0 : i32
    %c0_i32_0 = arith.constant 0 : i32
    return %arg0, %c0_i32 : i32, i32
  }
  func.func @transform_1(%arg0: i32) -> (i32, i32) {
    %c0_i32 = arith.constant 0 : i32
    %c0_i32_0 = arith.constant 0 : i32
    %c0_i32_1 = arith.constant 0 : i32
    return %c0_i32, %c0_i32_0 : i32, i32
  }
  func.func @transform_2(%arg0: i32) -> (i32, i32) {
    %c0_i32 = arith.constant 0 : i32
    %c0_i32_0 = arith.constant 0 : i32
    return %arg0, %c0_i32 : i32, i32
  }
}

module attributes {stable_mosaic.version = 14 : i64} {
  func.func @_mid_body(%arg0: i32, %arg1: memref<2x3136x16xf32, #tpu.memory_space<vmem>>, %arg2: memref<2x3136x1xf32, #tpu.memory_space<vmem>>, %arg3: memref<16x64xf32, #tpu.memory_space<vmem>>, %arg4: memref<3136x64xf32, #tpu.memory_space<vmem>>) attributes {dimension_semantics = [#tpu.dimension_semantics<arbitrary>], iteration_bounds = array<i64: 16>, scalar_prefetch = 0 : i64, scratch_operands = 0 : i64, tpu.core_type = #tpu.core_type<tc>, window_params = [{transform_indices = @transform_0, window_bounds = array<i64: 2, 3136, 16>}, {transform_indices = @transform_1, window_bounds = array<i64: 2, 3136, 1>}, {pipeline_mode = #tpu.pipeline_mode<synchronous>, transform_indices = @transform_2, window_bounds = array<i64: 16, 64>}, {transform_indices = @transform_3, window_bounds = array<i64: 3136, 64>}]} {
    %get3A = arith.constant 0 : index
    %get3A_0 = arith.constant 0 : index
    %get3A_1 = arith.constant 0 : index
    %get3A_2 = vector.load %arg1[%get3A, %get3A_0, %get3A_1] : memref<2x3136x16xf32, #tpu.memory_space<vmem>>, vector<1x3136x16xf32>
    %get3A_3 = vector.shape_cast %get3A_2 : vector<1x3136x16xf32> to vector<3136x16xf32>
    %get3A_4 = arith.constant 1 : index
    %get3A_5 = arith.constant 0 : index
    %get3A_6 = arith.constant 0 : index
    %get3A_7 = vector.load %arg1[%get3A_4, %get3A_5, %get3A_6] : memref<2x3136x16xf32, #tpu.memory_space<vmem>>, vector<1x3136x16xf32>
    %get3A_8 = vector.shape_cast %get3A_7 : vector<1x3136x16xf32> to vector<3136x16xf32>
    %add3A = arith.addf %get3A_3, %get3A_8 : vector<3136x16xf32>
    %get3A_9 = arith.constant 0 : index
    %get3A_10 = arith.constant 0 : index
    %get3A_11 = arith.constant 0 : index
    %get3A_12 = vector.load %arg2[%get3A_9, %get3A_10, %get3A_11] : memref<2x3136x1xf32, #tpu.memory_space<vmem>>, vector<1x3136x1xf32>
    %get3A_13 = vector.shape_cast %get3A_12 : vector<1x3136x1xf32> to vector<3136x1xf32>
    %get3A_14 = arith.constant 1 : index
    %get3A_15 = arith.constant 0 : index
    %get3A_16 = arith.constant 0 : index
    %get3A_17 = vector.load %arg2[%get3A_14, %get3A_15, %get3A_16] : memref<2x3136x1xf32, #tpu.memory_space<vmem>>, vector<1x3136x1xf32>
    %get3A_18 = vector.shape_cast %get3A_17 : vector<1x3136x1xf32> to vector<3136x1xf32>
    %add3A_19 = arith.addf %get3A_13, %get3A_18 : vector<3136x1xf32>
    %max3A = arith.constant 1.000000e+00 : f32
    %max3A_20 = vector.broadcast %max3A : f32 to vector<3136x1xf32>
    %max3A_21 = arith.maximumf %add3A_19, %max3A_20 : vector<3136x1xf32>
    %div3A = vector.broadcast %max3A_21 : vector<3136x1xf32> to vector<3136x16xf32>
    %div3A_22 = arith.divf %add3A, %div3A : vector<3136x16xf32>
    %gt3A = arith.constant 0.000000e+00 : f32
    %gt3A_23 = vector.broadcast %gt3A : f32 to vector<3136x16xf32>
    %gt3A_24 = arith.cmpf ogt, %div3A_22, %gt3A_23 : vector<3136x16xf32>
    %exp3A = math.exp %div3A_22 : vector<3136x16xf32>
    %sub3A = arith.constant 1.000000e+00 : f32
    %sub3A_25 = vector.broadcast %sub3A : f32 to vector<3136x16xf32>
    %sub3A_26 = arith.subf %exp3A, %sub3A_25 : vector<3136x16xf32>
    %select_n3A = arith.select %gt3A_24, %div3A_22, %sub3A_26 : vector<3136x16xi1>, vector<3136x16xf32>
    %get3A_27 = arith.constant 0 : index
    %get3A_28 = arith.constant 0 : index
    %get3A_29 = vector.load %arg3[%get3A_27, %get3A_28] : memref<16x64xf32, #tpu.memory_space<vmem>>, vector<16x64xf32>
    %dot_general3A = arith.constant dense<0.000000e+00> : vector<3136x64xf32>
    %dot_general3A_30 = tpu.matmul %select_n3A, %get3A_29, %dot_general3A {dimension_numbers = #tpu.dot_dimension_numbers<[1], [0], [0], [1], [0, 0, 1, 1], [], []>, transpose_lhs_hint = false} : vector<3136x16xf32>, vector<16x64xf32>, vector<3136x64xf32> -> vector<3136x64xf32>
    %swap3A = arith.constant 0 : index
    %swap3A_31 = arith.constant 0 : index
    %swap3A_32 = vector.load %arg4[%swap3A, %swap3A_31] : memref<3136x64xf32, #tpu.memory_space<vmem>>, vector<3136x64xf32>
    tpu.vector_store %arg4[%swap3A, %swap3A_31], %dot_general3A_30 {strides = array<i32>} : memref<3136x64xf32, #tpu.memory_space<vmem>>, vector<3136x64xf32>,
    return
  }
  func.func @transform_0(%arg0: i32) -> (i32, i32, i32) {
    %c0_i32 = arith.constant 0 : i32
    %c0_i32_0 = arith.constant 0 : i32
    %c0_i32_1 = arith.constant 0 : i32
    return %c0_i32, %arg0, %c0_i32_0 : i32, i32, i32
  }
  func.func @transform_1(%arg0: i32) -> (i32, i32, i32) {
    %c0_i32 = arith.constant 0 : i32
    %c0_i32_0 = arith.constant 0 : i32
    %c0_i32_1 = arith.constant 0 : i32
    return %c0_i32, %arg0, %c0_i32_0 : i32, i32, i32
  }
  func.func @transform_2(%arg0: i32) -> (i32, i32) {
    %c0_i32 = arith.constant 0 : i32
    %c0_i32_0 = arith.constant 0 : i32
    %c0_i32_1 = arith.constant 0 : i32
    return %c0_i32, %c0_i32_0 : i32, i32
  }
  func.func @transform_3(%arg0: i32) -> (i32, i32) {
    %c0_i32 = arith.constant 0 : i32
    %c0_i32_0 = arith.constant 0 : i32
    return %arg0, %c0_i32 : i32, i32
  }
}

module attributes {stable_mosaic.version = 14 : i64} {
  func.func @_final_body(%arg0: i32, %arg1: memref<2x2000x16xf32, #tpu.memory_space<vmem>>, %arg2: memref<2x2000x1xf32, #tpu.memory_space<vmem>>, %arg3: memref<2000x7xf32, #tpu.memory_space<vmem>>) attributes {dimension_semantics = [#tpu.dimension_semantics<arbitrary>], iteration_bounds = array<i64: 25>, scalar_prefetch = 0 : i64, scratch_operands = 0 : i64, tpu.core_type = #tpu.core_type<tc>, window_params = [{transform_indices = @transform_0, window_bounds = array<i64: 2, 2000, 16>}, {transform_indices = @transform_1, window_bounds = array<i64: 2, 2000, 1>}, {transform_indices = @transform_2, window_bounds = array<i64: 2000, 7>}]} {
    %get3A = arith.constant 0 : index
    %get3A_0 = arith.constant 0 : index
    %get3A_1 = arith.constant 0 : index
    %get3A_2 = vector.load %arg1[%get3A, %get3A_0, %get3A_1] : memref<2x2000x16xf32, #tpu.memory_space<vmem>>, vector<1x2000x16xf32>
    %get3A_3 = vector.shape_cast %get3A_2 : vector<1x2000x16xf32> to vector<2000x16xf32>
    %get3A_4 = arith.constant 1 : index
    %get3A_5 = arith.constant 0 : index
    %get3A_6 = arith.constant 0 : index
    %get3A_7 = vector.load %arg1[%get3A_4, %get3A_5, %get3A_6] : memref<2x2000x16xf32, #tpu.memory_space<vmem>>, vector<1x2000x16xf32>
    %get3A_8 = vector.shape_cast %get3A_7 : vector<1x2000x16xf32> to vector<2000x16xf32>
    %add3A = arith.addf %get3A_3, %get3A_8 : vector<2000x16xf32>
    %get3A_9 = arith.constant 0 : index
    %get3A_10 = arith.constant 0 : index
    %get3A_11 = arith.constant 0 : index
    %get3A_12 = vector.load %arg2[%get3A_9, %get3A_10, %get3A_11] : memref<2x2000x1xf32, #tpu.memory_space<vmem>>, vector<1x2000x1xf32>
    %get3A_13 = vector.shape_cast %get3A_12 : vector<1x2000x1xf32> to vector<2000x1xf32>
    %get3A_14 = arith.constant 1 : index
    %get3A_15 = arith.constant 0 : index
    %get3A_16 = arith.constant 0 : index
    %get3A_17 = vector.load %arg2[%get3A_14, %get3A_15, %get3A_16] : memref<2x2000x1xf32, #tpu.memory_space<vmem>>, vector<1x2000x1xf32>
    %get3A_18 = vector.shape_cast %get3A_17 : vector<1x2000x1xf32> to vector<2000x1xf32>
    %add3A_19 = arith.addf %get3A_13, %get3A_18 : vector<2000x1xf32>
    %max3A = arith.constant 1.000000e+00 : f32
    %max3A_20 = vector.broadcast %max3A : f32 to vector<2000x1xf32>
    %max3A_21 = arith.maximumf %add3A_19, %max3A_20 : vector<2000x1xf32>
    %slice3A = vector.extract_strided_slice %add3A {offsets = [0, 0], sizes = [2000, 7], strides = [1, 1]} : vector<2000x16xf32> to vector<2000x7xf32>
    %div3A = vector.broadcast %max3A_21 : vector<2000x1xf32> to vector<2000x7xf32>
    %div3A_22 = arith.divf %slice3A, %div3A : vector<2000x7xf32>
    %reduce_max3A = arith.constant dense<0xFF800000> : vector<2000xf32>
    %reduce_max3A_23 = vector.multi_reduction <maximumf>, %div3A_22, %reduce_max3A [1] : vector<2000x7xf32> to vector<2000xf32>
    %broadcast_in_dim3A = vector.shape_cast %reduce_max3A_23 : vector<2000xf32> to vector<2000x1xf32>
    %sub3A = vector.broadcast %broadcast_in_dim3A : vector<2000x1xf32> to vector<2000x7xf32>
    %sub3A_24 = arith.subf %div3A_22, %sub3A : vector<2000x7xf32>
    %exp3A = math.exp %sub3A_24 : vector<2000x7xf32>
    %reduce_sum3A = arith.constant dense<0.000000e+00> : vector<2000xf32>
    %reduce_sum3A_25 = vector.multi_reduction <add>, %exp3A, %reduce_sum3A [1] : vector<2000x7xf32> to vector<2000xf32>
    %broadcast_in_dim3A_26 = vector.shape_cast %reduce_sum3A_25 : vector<2000xf32> to vector<2000x1xf32>
    %log3A = math.log %broadcast_in_dim3A_26 : vector<2000x1xf32>
    %sub3A_27 = vector.broadcast %log3A : vector<2000x1xf32> to vector<2000x7xf32>
    %sub3A_28 = arith.subf %sub3A_24, %sub3A_27 : vector<2000x7xf32>
    %swap3A = arith.constant 0 : index
    %swap3A_29 = arith.constant 0 : index
    %swap3A_30 = vector.load %arg3[%swap3A, %swap3A_29] : memref<2000x7xf32, #tpu.memory_space<vmem>>, vector<2000x7xf32>
    tpu.vector_store %arg3[%swap3A, %swap3A_29], %sub3A_28 {strides = array<i32>} : memref<2000x7xf32, #tpu.memory_space<vmem>>, vector<2000x7xf32>,
    return
  }
  func.func @transform_0(%arg0: i32) -> (i32, i32, i32) {
    %c0_i32 = arith.constant 0 : i32
    %c0_i32_0 = arith.constant 0 : i32
    %c0_i32_1 = arith.constant 0 : i32
    return %c0_i32, %arg0, %c0_i32_0 : i32, i32, i32
  }
  func.func @transform_1(%arg0: i32) -> (i32, i32, i32) {
    %c0_i32 = arith.constant 0 : i32
    %c0_i32_0 = arith.constant 0 : i32
    %c0_i32_1 = arith.constant 0 : i32
    return %c0_i32, %arg0, %c0_i32_0 : i32, i32, i32
  }
  func.func @transform_2(%arg0: i32) -> (i32, i32) {
    %c0_i32 = arith.constant 0 : i32
    %c0_i32_0 = arith.constant 0 : i32
    return %arg0, %c0_i32 : i32, i32
  }
}

</mosaic_0001>

<sc_bundles>
// kernel: kernel.11.cloned.1.call-start
scs
__scs_entry_jumppad:
0x0: {  	(pc) =	sbr.rel $0x88, $3  }
0x1: {  	(tag) =	ssettag $0x0;
	lr =	simm.s32 $0x1  }
0x2: {  	[smem:$0x3F9C] =	sst lr;
	_ =	strace $0xD0000000  }
0x3: {  	_ = 	snop  }
0x4: {  	_ = 	snop  }
0x5: {  	_ = 	snop  }
0x6: {  	_ = 	snop  }
0x7: {  	_ = 	snop  }
__scs_overlays_trampoline_lowered:
0x8: {  	[smem:$0x3FAB] =	sst s0  }
0x9: {  	[smem:$0x3FAC] =	sst s1  }
0xa: {  	[smem:$0x3FAD] =	sst s2  }
0xb: {  	[smem:$0x3FAE] =	sst s3  }
0xc: {  	[smem:$0x3FAF] =	sst s4  }
0xd: {  	[smem:$0x3FB0] =	sst s5  }
0xe: {  	[smem:$0x3FB1] =	sst s6  }
0xf: {  	[smem:$0x3FB2] =	sst s7  }
0x10: {  	[smem:$0x3FB3] =	sst s8  }
0x11: {  	[smem:$0x3FB4] =	sst s9;
	s0 =	simm.s32 @!p0 $0x0  }
0x12: {  	s1 =	sld [smem:$0x3F9A];
	s0 =	simm.s32 @p0 $0x1  }
0x13: {  	[smem:$0x3FB5] =	sst s0;
	s0 =	simm.s32 @!p1 $0x0  }
0x14: {  	s2 =	sld [smem:$0x3F99];
	s0 =	simm.s32 @p1 $0x1  }
0x15: {  	[smem:$0x3FB6] =	sst s0;
	s0 =	simm.s32 @!p2 $0x0  }
0x16: {  	s3 =	sld [smem:$0x3FDB];
	s0 =	simm.s32 @p2 $0x1  }
0x17: {  	s4 =	simm.s32 $0x1BF5;
	[smem:$0x3FB8] =	sst s0  }
0x18: {  	s0 =	sld [smem:$0x3F9B];
	_ =	swait.ge [sflag:s4], $0x0  }
0x19: {  	s7 =	sld [smem:$0x3F9C]  }
0x1a: {  	s8 =	sadd.s32 $0xFFFFE003, lr  }
0x1b: {  	s9 =	sadd.s32 $0xFFFFFEF7, lr;
	s5 =	simm.s32 $0xFFFFFFFF;
	p2 =	slt.u32 s8, $0xFFFFF086  }
0x1c: {  	p1 =	slt.u32 s9, $0xF7A;
	s5 =	simm.s32 @!p2 $0x0  }
0x1d: {  	s5 =	simm.s32 @p1 $0x1;
	p0 =	seq.s32 s7, s2  }
0x1e: {  	s7 =	smul.u32 @!p0 $0xF7A, s2;
	p2 =	seq.s32 @!p0 s5, $0x0  }
0x1f: {  	s9 =	smul.u32 $0xF7A, s1;
	s8 =	simm.s32 @!p0 $0x1BF5;
	p2 =	por !p2, p0  }
0x20: {  	[sflag:s8] =	ssyncset.s32 @!p0 $0xFFFFF086;
	s6 =	sadd.s32 @!p0 s3, s7;
	s7 =	simm.s32 @!p0 $0x108  }
0x21: {  	s3 =	sadd.s32 s3, s9;
	s6 =	sadd.s32 @!p0 $0x88, s6;
	s7 =	simm.s32 @p2 $0x1082  }
0x22: {  	[simem:s7], [sflag:s8] =	dma.local @!p0 [hbm:s6], $0xF7A  }
0x23: {  	s9 =	sor.u32 $0xD0000000, s2;
	s6 =	simm.s32 $0x108;
	_ =	swait.ge @!p0 [sflag:s8], $0x0  }
0x24: {  	s3 =	sadd.s32 $0x88, s3;
	s6 =	simm.s32 @!p1 $0x1082;
	[sflag:s4] =	ssyncset.s32 $0xFFFFF086  }
0x25: {  	[simem:s6], [sflag:s4] =	dma.local [hbm:s3], $0xF7A  }
0x26: {  	[smem:$0x3F9C] =	sst s1;
	(tag) =	ssettag s2;
	_ =	strace s9  }
0x27: {  	s1 =	sld [smem:$0x3FAC]  }
0x28: {  	s2 =	sld [smem:$0x3FAD]  }
0x29: {  	s4 =	sld [smem:$0x3FAF]  }
0x2a: {  	p0 =	seq.s32 s5, $0x0;
	s5 =	sld [smem:$0x3FB0]  }
0x2b: {  	s6 =	sld [smem:$0x3FB1]  }
0x2c: {  	s7 =	sld [smem:$0x3FB2]  }
0x2d: {  	s3 =	simm.s32 $0x108;
	s8 =	sld [smem:$0x3FB3]  }
0x2e: {  	s3 =	simm.s32 @!p0 $0x1082;
	s9 =	sld [smem:$0x3FB4]  }
0x2f: {  	lr =	sadd.s32 s0, s3;
	s0 =	sld [smem:$0x3FAB]  }
0x30: {  	s3 =	sld [smem:$0x3FAE]  }
0x31: {  	[smem:$0x3FB7] =	sst s10  }
0x32: {  	s10 =	sld [smem:$0x3FB5];
	_ =	sdelay $0x3  }
0x33: {  	p0 =	seq.s32 s10, $0x1;
	s10 =	sld [smem:$0x3FB7];
	_ =	sdelay $0x3  }
0x34: {  	[smem:$0x3FB7] =	sst s10  }
0x35: {  	s10 =	sld [smem:$0x3FB6];
	_ =	sdelay $0x3  }
0x36: {  	p1 =	seq.s32 s10, $0x1;
	s10 =	sld [smem:$0x3FB7];
	_ =	sdelay $0x3  }
0x37: {  	[smem:$0x3FB7] =	sst s10  }
0x38: {  	s10 =	sld [smem:$0x3FB8]  }
0x39: {  	_ = 	snop;
	(pc) =	sbr.ind lr, $3  }
0x3a: {  	_ = 	snop  }
0x3b: {  	_ = 	snop  }
0x3c: {  	p2 =	seq.s32 s10, $0x1;
	s10 =	sld [smem:$0x3FB7]  }
0x3d: {  	_ =	shalt  }
0x3e: {  	_ =	shalt  }
0x3f: {  	_ =	shalt  }
0x40: {  	_ =	shalt  }
0x41: {  	_ =	shalt  }
0x42: {  	_ =	shalt  }
0x43: {  	_ =	shalt  }
0x44: {  	_ =	shalt  }
0x45: {  	_ =	shalt  }
0x46: {  	_ =	shalt  }
0x47: {  	_ =	shalt  }
0x48: {  	_ =	shalt  }
0x49: {  	_ =	shalt  }
0x4a: {  	_ =	shalt  }
0x4b: {  	_ =	shalt  }
0x4c: {  	_ =	shalt  }
0x4d: {  	_ =	shalt  }
0x4e: {  	_ =	shalt  }
0x4f: {  	_ =	shalt  }
0x50: {  	_ =	shalt  }
0x51: {  	_ =	shalt  }
0x52: {  	_ =	shalt  }
0x53: {  	_ =	shalt  }
0x54: {  	_ =	shalt  }
0x55: {  	_ =	shalt  }
0x56: {  	_ =	shalt  }
0x57: {  	_ =	shalt  }
0x58: {  	_ =	shalt  }
0x59: {  	_ =	shalt  }
0x5a: {  	_ =	shalt  }
0x5b: {  	_ =	shalt  }
0x5c: {  	_ =	shalt  }
0x5d: {  	_ =	shalt  }
0x5e: {  	_ =	shalt  }
0x5f: {  	_ =	shalt  }
0x60: {  	_ =	shalt  }
0x61: {  	_ =	shalt  }
0x62: {  	_ =	shalt  }
0x63: {  	_ =	shalt  }
0x64: {  	_ =	shalt  }
0x65: {  	_ =	shalt  }
0x66: {  	_ =	shalt  }
0x67: {  	_ =	shalt  }
0x68: {  	_ =	shalt  }
0x69: {  	_ =	shalt  }
0x6a: {  	_ =	shalt  }
0x6b: {  	_ =	shalt  }
0x6c: {  	_ =	shalt  }
0x6d: {  	_ =	shalt  }
0x6e: {  	_ =	shalt  }
0x6f: {  	_ =	shalt  }
0x70: {  	_ =	shalt  }
0x71: {  	_ =	shalt  }
0x72: {  	_ =	shalt  }
0x73: {  	_ =	shalt  }
0x74: {  	_ =	shalt  }
0x75: {  	_ =	shalt  }
0x76: {  	_ =	shalt  }
0x77: {  	_ =	shalt  }
0x78: {  	_ =	shalt  }
0x79: {  	_ =	shalt  }
0x7a: {  	_ =	shalt  }
0x7b: {  	_ =	shalt  }
0x7c: {  	_ =	shalt  }
0x7d: {  	_ =	shalt  }
0x7e: {  	_ =	shalt  }
0x7f: {  	_ =	shalt  }
0x80: {  	_ =	shalt  }
0x81: {  	_ =	shalt  }
0x82: {  	_ =	shalt  }
0x83: {  	_ =	shalt  }
0x84: {  	_ =	shalt  }
0x85: {  	_ =	shalt  }
0x86: {  	_ =	shalt  }
0x87: {  	_ =	shalt  }
.Lfunc_end0:
.L_simem_size_0:
called_computation.1_lowered:
.L_overlay_start_0:
0x88: {  	s2 =	sld [smem:$0x3FD9]  }
0x89: {  	s3 =	sld [smem:$0x3FFE];
	_ =	sdelay $0x1  }
0x8a: {  	s1 =	srdreg.scid  }
0x8b: {  	s0 =	sand.u32 $0x1, s1  }
0x8c: {  	s16 =	sshll.u32 s0, $0xA;
	s2 =	sadd.s32 s3, s2  }
0x8d: {  	s2 =	sadd.s32 s2, s16  }
0x8e: {  	[smem:$0x3FC3] =	sst s2  }
0x8f: {  	_ = 	snop  }
0x90: {  	(tm) =	ssettm $0x1  }
0x91: {  	s17 =	sld [smem:$0x3FFB];
	_ =	sdelay $0x3  }
0x92: {  	_ =	strace s17  }
0x93: {  	s2 =	sld [smem:$0x3FFC];
	_ =	sdelay $0x3  }
0x94: {  	_ =	strace s2  }
0x95: {  	s2 =	sld [smem:$0x3FFD];
	_ =	sdelay $0x3  }
0x96: {  	_ =	strace s2  }
0x97: {  	_ =	strace $0x8FFFFFFF  }
0x98: {  	s18 =	sld [smem:$0x3FDB];
	_ =	sdelay $0x1  }
0x99: {  	s19 =	simm.s32 $_scs_section_size  }
0x9a: {  	s4 =	simm.s32 $_size__tile_overlayer_lowered;
	s5 =	simm.s32 $_tile_overlayer_lowered  }
0x9b: {  	s22 =	simm.s32 $0x1BFF;
	s21 =	sshll.u32 s5, $0x1;
	s2 =	sadd.s32 s19, s18  }
0x9c: {  	s6 =	simm.s32 $0x0;
	s20 =	sshll.u32 s4, $0x1;
	s4 =	sadd.s32 s21, s2  }
0x9d: {  	[timem:s6], [sflag:s22] =	dma.local [hbm:s4], s20  }
0x9e: {  	_ =	swait.ge [sflag:s22], s20  }
0x9f: {  	s3 =	ssub.s32 $0x0, s20;
	[sflag:s22] =	ssyncset.done $0x0  }
0xa0: {  	[sflag:s22] =	ssyncadd.s32 s3;
	_ =	sdelay $0x1  }
0xa1: {  	s23 =	simm.s32 $0x1B8B  }
0xa2: {  	_ =	swait.ge [sflag:s23], $0x1  }
0xa3: {  	[sflag:s23] =	ssyncset.done $0x0  }
0xa4: {  	s25 =	simm.s32 $0x1B8E;
	s24 =	sld [smem:$0x3FFE];
	[sflag:s23] =	ssyncadd.s32 $0xFFFFFFFF  }
0xa5: {  	s26 =	simm.s32 $execute0_lowered;
	[smem:$0x3FD2] =	sst s25  }
0xa6: {  	s4 =	sshll.u32 s26, $0x1;
	_ =	strace $0x80000049;
	[dreg:$0x1] =	wrdreg $0xFFFFFFFF  }
0xa7: {  	s28 =	simm.s32 $_size_execute0_lowered;
	s2 =	sadd.s32 s2, s4;
	[dreg:$0x0] =	wrdreg $0x0  }
0xa8: {  	s4 =	sshll.u32 s28, $0x1;
	[dreg:$0x2] =	wrdreg s2  }
0xa9: {  	[dreg:$0x3] =	wrdreg s4  }
0xaa: {  	[dreg:$0x4] =	wrdreg $0xC0  }
0xab: {  	_ =	task [dreg:s6], $0x5FFFF  }
0xac: {  	[dreg:$0x1] =	wrdreg $0xFFFFFFFF  }
0xad: {  	[dreg:$0x0] =	wrdreg $0x60  }
0xae: {  	[dreg:$0x2] =	wrdreg s24  }
0xaf: {  	[dreg:$0x3] =	wrdreg $0x0  }
0xb0: {  	[dreg:$0x4] =	wrdreg $0x9  }
0xb1: {  	_ =	task.clear_ibuf [dreg:s6], $0x5FFFF;
	_ =	strace $0x90000049  }
0xb2: {  	s29 =	simm.s32 $0x9;
	_ =	strace $0x8000004B  }
0xb3: {  	_ =	swait.ge [sflag:s29], $0x1  }
0xb4: {  	[sflag:s29] =	ssyncadd.s32 $0xFFFFFFFF  }
0xb5: {  	_ =	strace $0x9000004B  }
0xb6: {  	_ =	sfence  }
0xb7: {  	s30 =	sld [smem:$0x0];
	_ =	sdelay $0x2  }
0xb8: {  	s31 =	sshll.u32 s1, $0xD;
	s1 =	sshrl.u32 s1, $0x2  }
0xb9: {  	s3 =	sand.u32 $0x4000, s31;
	s1 =	sadd.s32 s1, s30  }
0xba: {  	s0 =	sor.u32 s3, s0;
	s1 =	sshll.u32 s1, $0x11  }
0xbb: {  	s0 =	sor.u32 s1, s0  }
0xbc: {  	s0 =	sadd.s32 $0x8F2B, s0  }
0xbd: {  	[sflag:s0] =	ssyncadd.remote.s32 $0x1  }
0xbe: {  	_ =	sfence.sel $0xFFFF  }
0xbf: {  	[dreg:$0x0] =	wrdreg $0xFFFFFFFF;
	(pc) =	sbr.abs _section_cstart, $3  }
0xc0: {  	[dreg:$0x1] =	wrdreg $0xFFFFFFFF  }
0xc1: {  	_ =	task.clear_ibuf [dreg:s6], $0x2FFFF;
	_ =	strace $0x9FFFFFFF  }
0xc2: {  	(tm) =	ssettm $0x7FFFFFFF  }
0xc3: {  	_ =	shalt  }
tec
execute0_lowered:
.L_overlay_start_1:
0x0: {  	(tag) =	ssettag $0x1  }
0x1: {  	s0 =	rddreg [dreg:$0x0]  }
0x2: {  	s1 =	rddreg [dreg:$0x1];
	s2 =	simm.s32 $0x0  }
0x3: {  	s3 =	srdreg.scid;
	s12 =	stileid.u32;
	s28 =	simm.s32 $0x10600  }
0x4: {  	s29 =	simm.s32 $0xC480;
	s30 =	simm.s32 $0x12600;
	s31 =	simm.s32 $0x1  }
0x5: {  	[smem:$0x7FF] =	sst s2;
	s4 =	sadd.s32 $0x204000, s0;
	s5 =	sadd.s32 $0x1800, s0  }
0x6: {  	s3 =	sand.u32 $0x1, s3;
	s6 =	sadd.s32 $0x32800, s0;
	s9 =	smul.u32 $0x31000, s12  }
0x7: {  	s7 =	sadd.s32 $0x652800, s0;
	s0 =	sadd.s32 $0x4B000, s0;
	s11 =	sshll.u32 s12, $0x1  }
0x8: {  	s12 =	smul.u32 $0xC400, s12;
	_ =	strace $0x8000004A;
	s8 =	ssub.s32 $0x2, s3  }
0x9: {  	s11 =	sor.u32 s3, s11;
	s3 =	smul.u32 $0xC4000, s3;
	s9 =	sshrl.u32 s9, $0x2  }
0xa: {  	s10 =	sshrl.u32 s8, $0x1;
	s24 =	sadd.s32 $0x6200, s12;
	s9 =	sadd.s32 s9, s1  }
0xb: {  	s16 =	smul.u32 $0x6200, s11;
	s10 =	ssub.s32 s8, s10;
	s13 =	sadd.s32 $0x1880, s9  }
0xc: {  	s8 =	sadd.s32 s12, s1;
	s19 =	sadd.s32 $0x3100, s9;
	[dreg:$0x3] =	wrdreg s13  }
0xd: {  	s25 =	sadd.s32 s12, s3;
	s20 =	sadd.s32 $0x4980, s9;
	[dreg:$0x4] =	wrdreg s19  }
0xe: {  	s3 =	sadd.s32 s3, s24;
	s21 =	sadd.s32 $0x6200, s9;
	[dreg:$0x5] =	wrdreg s20  }
0xf: {  	s26 =	sadd.s32 s24, s1;
	s22 =	sadd.s32 $0x7A80, s9;
	[dreg:$0x6] =	wrdreg s21  }
0x10: {  	s24 =	simm.s32 $0xC600;
	s23 =	sadd.s32 $0x9300, s9;
	[dreg:$0x7] =	wrdreg s22  }
0x11: {  	s9 =	sadd.s32 $0xAB80, s9;
	s3 =	sshrl.u32 s3, $0x3;
	[dreg:$0x8] =	wrdreg s23  }
0x12: {  	[dreg:$0x9] =	wrdreg s9;
	s9 =	sshrl.u32 s25, $0x3;
	s18 =	sadd.s32 s0, s3  }
0x13: {  	s19 =	smax.u32 s10, $0x1;
	s20 =	simm.s32 $0x15600;
	s21 =	simm.s32 $0x2  }
0x14: {  	s22 =	simm.s32 $0xC400;
	s23 =	simm.s32 $0xC500;
	s25 =	sshrl.u32 s26, $0x3  }
0x15: {  	s26 =	simm.s32 $0x80;
	s3 =	simm.s32 $0xC580;
	s9 =	sadd.s32 s0, s9  }
0x16: {  	v0 =	vimm.f32 $0.0e+00;
	s0 =	simm.s32 $0x14600;
	[dreg:$0xa] =	wrdreg s9;
	s9 =	simm.s32 $0x14E00  }
.LBB2_1:
0x17: {  	s10 =	simm.s32 $0x40;
	s11 =	simm.s32 $0x0  }
.LBB2_2:
0x18: {  	p0 =	sne.s32 s10, $0x61C0;
	[tilespmem:s11+$0x15600] =	vst v0;
	s11 =	smov.u32 s10;
	s10 =	sadd.s32 $0x40, s10  }
.Ltmp0:
0x19: {  	(pc) =	sbr.rel @p0 .LBB2_2-.Ltmp0, $2  }
0x1a: {  	_ =	sdelay $0x2  }
0x1b: {  	s11 =	sshra.s32 s11, $0x2  }
0x1c: {  	[tilespmem:s11+$0x15600] =	vst v0  }
0x1d: {  	[spmem:s8] =	stream.linear.scatter [tilespmem:s20], [sflag:$0x2], $0x1880, $0x38;
	[tilespmem:$0x16E80] =	vst v63  }
0x1e: {  	_ =	swait.ge [sflag:s21], $0x1880  }
0x1f: {  	[sflag:s21] =	ssyncset.done $0x0  }
0x20: {  	s10 =	rddreg [dreg:$0x3];
	[sflag:s21] =	ssyncadd.s32 $0xFFFFE780  }
0x21: {  	[spmem:s10] =	stream.linear.scatter [tilespmem:s20], [sflag:$0x2], $0x1880, $0x38;
	[tilespmem:$0x16E80] =	vst v63  }
0x22: {  	_ =	swait.ge [sflag:s21], $0x1880  }
0x23: {  	[sflag:s21] =	ssyncset.done $0x0  }
0x24: {  	s11 =	rddreg [dreg:$0x4];
	[sflag:s21] =	ssyncadd.s32 $0xFFFFE780  }
0x25: {  	[spmem:s11] =	stream.linear.scatter [tilespmem:s20], [sflag:$0x2], $0x1880, $0x38;
	[tilespmem:$0x16E80] =	vst v63  }
0x26: {  	_ =	swait.ge [sflag:s21], $0x1880  }
0x27: {  	[sflag:s21] =	ssyncset.done $0x0  }
0x28: {  	s12 =	rddreg [dreg:$0x5];
	[sflag:s21] =	ssyncadd.s32 $0xFFFFE780  }
0x29: {  	[spmem:s12] =	stream.linear.scatter [tilespmem:s20], [sflag:$0x2], $0x1880, $0x38;
	[tilespmem:$0x16E80] =	vst v63  }
0x2a: {  	_ =	swait.ge [sflag:s21], $0x1880  }
0x2b: {  	[sflag:s21] =	ssyncset.done $0x0  }
0x2c: {  	s13 =	rddreg [dreg:$0x6];
	[sflag:s21] =	ssyncadd.s32 $0xFFFFE780  }
0x2d: {  	[spmem:s13] =	stream.linear.scatter [tilespmem:s20], [sflag:$0x2], $0x1880, $0x38;
	[tilespmem:$0x16E80] =	vst v63  }
0x2e: {  	_ =	swait.ge [sflag:s21], $0x1880  }
0x2f: {  	[sflag:s21] =	ssyncset.done $0x0  }
0x30: {  	s14 =	rddreg [dreg:$0x7];
	[sflag:s21] =	ssyncadd.s32 $0xFFFFE780  }
0x31: {  	[spmem:s14] =	stream.linear.scatter [tilespmem:s20], [sflag:$0x2], $0x1880, $0x38;
	[tilespmem:$0x16E80] =	vst v63  }
0x32: {  	_ =	swait.ge [sflag:s21], $0x1880  }
0x33: {  	[sflag:s21] =	ssyncset.done $0x0  }
0x34: {  	s15 =	rddreg [dreg:$0x8];
	[sflag:s21] =	ssyncadd.s32 $0xFFFFE780  }
0x35: {  	[spmem:s15] =	stream.linear.scatter [tilespmem:s20], [sflag:$0x2], $0x1880, $0x38;
	[tilespmem:$0x16E80] =	vst v63  }
0x36: {  	_ =	swait.ge [sflag:s21], $0x1880  }
0x37: {  	[sflag:s21] =	ssyncset.done $0x0  }
0x38: {  	s17 =	rddreg [dreg:$0x9];
	[sflag:s21] =	ssyncadd.s32 $0xFFFFE780  }
0x39: {  	[spmem:s17] =	stream.linear.scatter [tilespmem:s20], [sflag:$0x2], $0x1880, $0x38;
	[tilespmem:$0x16E80] =	vst v63  }
0x3a: {  	_ =	swait.ge [sflag:s21], $0x1880  }
0x3b: {  	[sflag:s21] =	ssyncset.done $0x0  }
0x3c: {  	[sflag:s21] =	ssyncadd.s32 $0xFFFFE780  }
0x3d: {  	s10 =	simm.s32 $0x0;
	s11 =	simm.s32 $0x0;
	[bflag:$0x0] =	sbarrier.arrive $0xFFFF  }
.LBB2_4:
0x3e: {  	s12 =	sshll.u32 s11, $0x8  }
0x3f: {  	s12 =	sadd.s32 s16, s12  }
0x40: {  	s13 =	sshrl.u32 s12, $0x3  }
0x41: {  	s14 =	sadd.s32 s5, s13  }
0x42: {  	[tilespmem:s22], [sflag:$0x2] =	stream.linear.gather [hbm4b:s14+s10], $0x100, $0x38;
	[tilespmem:$0x16E80] =	vst v63  }
0x43: {  	_ =	swait.ge [sflag:s21], $0x100  }
0x44: {  	[sflag:s21] =	ssyncset.done $0x0  }
0x45: {  	s13 =	sadd.s32 s6, s13;
	[sflag:s21] =	ssyncadd.s32 $0xFFFFFF00  }
0x46: {  	[tilespmem:s23], [sflag:$0x2] =	stream.linear.gather [hbm4b:s13+s10], $0x100, $0x38;
	[tilespmem:$0x16E80] =	vst v63  }
0x47: {  	_ =	swait.ge [sflag:s21], $0x100  }
0x48: {  	s12 =	sshll.u32 s12, $0x3;
	[sflag:s21] =	ssyncset.done $0x0  }
0x49: {  	s12 =	sadd.s32 s7, s12;
	[sflag:s21] =	ssyncadd.s32 $0xFFFFFF00  }
0x4a: {  	[tilespmem:s24], [sflag:$0x2] =	stream.linear.gather [hbm4b:s12+s10], $0x4000, $0x38;
	[tilespmem:$0x16E80] =	vst v63  }
0x4b: {  	_ =	swait.ge [sflag:s21], $0x4000  }
0x4c: {  	[sflag:s21] =	ssyncset.done $0x0  }
0x4d: {  	[sflag:s21] =	ssyncadd.s32 $0xFFFFC000  }
0x4e: {  	[tilespmem:s28], [sflag:$0x1] =	stream.indirect.gather [hbm4b:s4+s26], $0x40, s22, s26, $0xb8;
	[tilespmem:$0x16E80] =	vst v63  }
0x4f: {  	_ = 	snop  }
0x50: {  	[tilespmem:s30], [sflag:$0x1] =	stream.indirect.gather [hbm4b:s4+s26], $0x40, s29, s26, $0xb8;
	[tilespmem:$0x16E80] =	vst v63  }
0x51: {  	_ =	swait.ge [sflag:s31], $0x2000  }
0x52: {  	[sflag:s31] =	ssyncset.done $0x0  }
0x53: {  	[sflag:s31] =	ssyncadd.s32 $0xFFFFE000  }
0x54: {  	_ =	swait.ge [sflag:s31], $0x2000  }
0x55: {  	[sflag:s31] =	ssyncset.done $0x0  }
0x56: {  	s12 =	simm.s32 $0x0;
	[sflag:s31] =	ssyncadd.s32 $0xFFFFE000  }
0x57: {  	v1 =	vld [tilespmem:s12+$0xC630]  }
0x58: {  	v2 =	vld [tilespmem:s12+$0xC610]  }
0x59: {  	v3 =	vld [tilespmem:s12+$0xC620]  }
0x5a: {  	v4 =	vld [tilespmem:s12+$0x10610]  }
0x5b: {  	v5 =	vld [tilespmem:s12+$0x10600]  }
0x5c: {  	v6 =	vld [tilespmem:s12+$0x10630]  }
0x5d: {  	v7 =	vld [tilespmem:s12+$0x10620]  }
0x5e: {  	v8 =	vld [tilespmem:s12+$0xC600];
	_ =	sdelay $0x3  }
0x5f: {  	v2 =	vmul.f32 v2, v4;
	v1 =	vmul.f32 v1, v6  }
0x60: {  	v3 =	vmul.f32 v3, v7;
	v40 =	vmul.f32 v8, v5;
	_ =	sdelay $0x1  }
0x61: {  	v2 =	vadd.f32 v2, v40;
	v1 =	vadd.f32 v1, v3;
	_ =	sdelay $0x1  }
0x62: {  	v1 =	vadd.f32 v1, v2  }
0x63: {  	s13 =	simm.s32 $0x14640  }
0x64: {  	[tilespmem:s13+$0xFFFFFFC0] =	vst v1  }
0x65: {  	v1 =	vld [tilespmem:s12+$0xC670]  }
0x66: {  	v2 =	vld [tilespmem:s12+$0x10670]  }
0x67: {  	v3 =	vld [tilespmem:s12+$0xC650]  }
0x68: {  	v41 =	vld [tilespmem:s12+$0xC640]  }
0x69: {  	v42 =	vld [tilespmem:s12+$0x10660]  }
0x6a: {  	v43 =	vld [tilespmem:s12+$0xC660]  }
0x6b: {  	v44 =	vld [tilespmem:s12+$0x10650]  }
0x6c: {  	v45 =	vld [tilespmem:s12+$0x10640];
	_ =	sdelay $0x3  }
0x6d: {  	v1 =	vmul.f32 v1, v2;
	v2 =	vmul.f32 v43, v42  }
0x6e: {  	v3 =	vmul.f32 v3, v44;
	v4 =	vmul.f32 v41, v45;
	_ =	sdelay $0x1  }
0x6f: {  	v1 =	vadd.f32 v1, v2;
	v2 =	vadd.f32 v3, v4;
	_ =	sdelay $0x1  }
0x70: {  	v1 =	vadd.f32 v1, v2;
	_ =	sdelay $0x1  }
0x71: {  	[tilespmem:s13+$0xFFFFFFD0] =	vst v1  }
0x72: {  	v1 =	vld [tilespmem:s12+$0xC680]  }
0x73: {  	v2 =	vld [tilespmem:s12+$0xC6B0]  }
0x74: {  	v3 =	vld [tilespmem:s12+$0x10690]  }
0x75: {  	v46 =	vld [tilespmem:s12+$0x106B0]  }
0x76: {  	v47 =	vld [tilespmem:s12+$0xC6A0]  }
0x77: {  	v48 =	vld [tilespmem:s12+$0xC690]  }
0x78: {  	v49 =	vld [tilespmem:s12+$0x106A0]  }
0x79: {  	v50 =	vld [tilespmem:s12+$0x10680];
	_ =	sdelay $0x3  }
0x7a: {  	v2 =	vmul.f32 v2, v46;
	v3 =	vmul.f32 v48, v3  }
0x7b: {  	v51 =	vmul.f32 v47, v49;
	v1 =	vmul.f32 v1, v50;
	_ =	sdelay $0x1  }
0x7c: {  	v2 =	vadd.f32 v2, v51;
	v1 =	vadd.f32 v3, v1;
	_ =	sdelay $0x1  }
0x7d: {  	v1 =	vadd.f32 v2, v1;
	_ =	sdelay $0x1  }
0x7e: {  	[tilespmem:s13+$0xFFFFFFE0] =	vst v1  }
0x7f: {  	v1 =	vld [tilespmem:s12+$0xC6C0]  }
0x80: {  	v2 =	vld [tilespmem:s12+$0xC6F0]  }
0x81: {  	v3 =	vld [tilespmem:s12+$0xC6D0]  }
0x82: {  	v52 =	vld [tilespmem:s12+$0x106D0]  }
0x83: {  	v53 =	vld [tilespmem:s12+$0x106F0]  }
0x84: {  	v54 =	vld [tilespmem:s12+$0xC6E0]  }
0x85: {  	v55 =	vld [tilespmem:s12+$0x106E0]  }
0x86: {  	v56 =	vld [tilespmem:s12+$0x106C0];
	_ =	sdelay $0x3  }
0x87: {  	v3 =	vmul.f32 v3, v52;
	v2 =	vmul.f32 v2, v53  }
0x88: {  	v57 =	vmul.f32 v54, v55;
	v1 =	vmul.f32 v1, v56;
	_ =	sdelay $0x1  }
0x89: {  	v2 =	vadd.f32 v2, v57;
	v1 =	vadd.f32 v3, v1;
	_ =	sdelay $0x1  }
0x8a: {  	v1 =	vadd.f32 v2, v1;
	_ =	sdelay $0x1  }
0x8b: {  	[tilespmem:s13+$0xFFFFFFF0] =	vst v1  }
0x8c: {  	v1 =	vld [tilespmem:s12+$0xC700]  }
0x8d: {  	v2 =	vld [tilespmem:s12+$0xC730]  }
0x8e: {  	v3 =	vld [tilespmem:s12+$0x10730]  }
0x8f: {  	v58 =	vld [tilespmem:s12+$0xC710]  }
0x90: {  	v59 =	vld [tilespmem:s12+$0xC720]  }
0x91: {  	v60 =	vld [tilespmem:s12+$0x10710]  }
0x92: {  	v61 =	vld [tilespmem:s12+$0x10700]  }
0x93: {  	v62 =	vld [tilespmem:s12+$0x10720];
	_ =	sdelay $0x3  }
0x94: {  	v2 =	vmul.f32 v2, v3;
	v3 =	vmul.f32 v58, v60  }
0x95: {  	v1 =	vmul.f32 v1, v61;
	v63 =	vmul.f32 v59, v62;
	_ =	sdelay $0x1  }
0x96: {  	v1 =	vadd.f32 v3, v1;
	v2 =	vadd.f32 v2, v63;
	_ =	sdelay $0x1  }
0x97: {  	v1 =	vadd.f32 v2, v1;
	_ =	sdelay $0x1  }
0x98: {  	s15 =	simm.s32 $0x800;
	s14 =	simm.s32 $0x14640;
	[tilespmem:s13+$0x0] =	vst v1  }
.LBB2_5:
0x99: {  	p0 =	sne.s32 s15, $0xF800  }
0x9a: {  	s13 =	sadd.s32 $0x80, s13;
	s17 =	smov.u32 s15;
	s15 =	sadd.s32 $0x800, s15  }
0x9b: {  	_ =	sdelay $0x1  }
0x9c: {  	v1 =	vld [tilespmem:s12+$0xC770]  }
0x9d: {  	v2 =	vld [tilespmem:s12+$0x10770]  }
0x9e: {  	v3 =	vld [tilespmem:s12+$0xC760]  }
0x9f: {  	v4 =	vld [tilespmem:s12+$0x10760]  }
0xa0: {  	v5 =	vld [tilespmem:s12+$0xC750]  }
0xa1: {  	v6 =	vld [tilespmem:s12+$0x10750]  }
0xa2: {  	v7 =	vld [tilespmem:s12+$0xC740]  }
0xa3: {  	v8 =	vld [tilespmem:s12+$0x10740]  }
0xa4: {  	v3 =	vmul.f32 v3, v4;
	_ =	sdelay $0x2  }
0xa5: {  	v1 =	vmul.f32 v1, v2  }
0xa6: {  	v4 =	vmul.f32 v5, v6;
	v2 =	vmul.f32 v7, v8;
	_ =	sdelay $0x1  }
0xa7: {  	v1 =	vadd.f32 v1, v3;
	v2 =	vadd.f32 v4, v2;
	_ =	sdelay $0x1  }
0xa8: {  	v1 =	vadd.f32 v1, v2;
	_ =	sdelay $0x1  }
0xa9: {  	[tilespmem:s14+$0x10] =	vst v1  }
0xaa: {  	v1 =	vld [tilespmem:s12+$0xC7B0]  }
0xab: {  	v2 =	vld [tilespmem:s12+$0xC790]  }
0xac: {  	v3 =	vld [tilespmem:s12+$0xC7A0]  }
0xad: {  	v4 =	vld [tilespmem:s12+$0x10790]  }
0xae: {  	v5 =	vld [tilespmem:s12+$0x10780]  }
0xaf: {  	v6 =	vld [tilespmem:s12+$0x107B0]  }
0xb0: {  	v7 =	vld [tilespmem:s12+$0x107A0]  }
0xb1: {  	v8 =	vld [tilespmem:s12+$0xC780];
	_ =	sdelay $0x2  }
0xb2: {  	v2 =	vmul.f32 v2, v4;
	v1 =	vmul.f32 v1, v6  }
0xb3: {  	v3 =	vmul.f32 v3, v7  }
0xb4: {  	v4 =	vmul.f32 v8, v5;
	_ =	sdelay $0x1  }
0xb5: {  	v1 =	vadd.f32 v1, v3;
	v2 =	vadd.f32 v2, v4;
	_ =	sdelay $0x1  }
0xb6: {  	v1 =	vadd.f32 v1, v2;
	_ =	sdelay $0x1  }
0xb7: {  	[tilespmem:s14+$0x20] =	vst v1  }
0xb8: {  	v1 =	vld [tilespmem:s12+$0x107C0]  }
0xb9: {  	v2 =	vld [tilespmem:s12+$0xC7F0]  }
0xba: {  	v3 =	vld [tilespmem:s12+$0xC7E0]  }
0xbb: {  	v4 =	vld [tilespmem:s12+$0x107F0]  }
0xbc: {  	v5 =	vld [tilespmem:s12+$0xC7C0]  }
0xbd: {  	v6 =	vld [tilespmem:s12+$0xC7D0]  }
0xbe: {  	v7 =	vld [tilespmem:s12+$0x107D0]  }
0xbf: {  	v8 =	vld [tilespmem:s12+$0x107E0];
	_ =	sdelay $0x1  }
0xc0: {  	v1 =	vmul.f32 v5, v1  }
0xc1: {  	v2 =	vmul.f32 v2, v4  }
0xc2: {  	v4 =	vmul.f32 v6, v7  }
0xc3: {  	v3 =	vmul.f32 v3, v8  }
0xc4: {  	v1 =	vadd.f32 v4, v1  }
0xc5: {  	v2 =	vadd.f32 v2, v3;
	_ =	sdelay $0x1  }
0xc6: {  	v1 =	vadd.f32 v2, v1;
	_ =	sdelay $0x1  }
0xc7: {  	s12 =	sshra.s32 s17, $0x2;
	[tilespmem:s14+$0x30] =	vst v1;
	s14 =	smov.u32 s13  }
0xc8: {  	v1 =	vld [tilespmem:s12+$0xC630]  }
0xc9: {  	v2 =	vld [tilespmem:s12+$0xC610]  }
0xca: {  	v3 =	vld [tilespmem:s12+$0xC620]  }
0xcb: {  	v4 =	vld [tilespmem:s12+$0x10610]  }
0xcc: {  	v5 =	vld [tilespmem:s12+$0x10600]  }
0xcd: {  	v6 =	vld [tilespmem:s12+$0x10630]  }
0xce: {  	v7 =	vld [tilespmem:s12+$0x10620]  }
0xcf: {  	v8 =	vld [tilespmem:s12+$0xC600];
	_ =	sdelay $0x2  }
0xd0: {  	v2 =	vmul.f32 v2, v4;
	v1 =	vmul.f32 v1, v6  }
0xd1: {  	v3 =	vmul.f32 v3, v7  }
0xd2: {  	v4 =	vmul.f32 v8, v5;
	_ =	sdelay $0x1  }
0xd3: {  	v1 =	vadd.f32 v1, v3;
	v2 =	vadd.f32 v2, v4;
	_ =	sdelay $0x1  }
0xd4: {  	v1 =	vadd.f32 v1, v2;
	_ =	sdelay $0x1  }
0xd5: {  	[tilespmem:s13+$0xFFFFFFC0] =	vst v1  }
0xd6: {  	v1 =	vld [tilespmem:s12+$0xC670]  }
0xd7: {  	v2 =	vld [tilespmem:s12+$0x10670]  }
0xd8: {  	v3 =	vld [tilespmem:s12+$0xC650]  }
0xd9: {  	v4 =	vld [tilespmem:s12+$0xC640]  }
0xda: {  	v5 =	vld [tilespmem:s12+$0x10660]  }
0xdb: {  	v6 =	vld [tilespmem:s12+$0xC660]  }
0xdc: {  	v7 =	vld [tilespmem:s12+$0x10650];
	v1 =	vmul.f32 v1, v2  }
0xdd: {  	v2 =	vld [tilespmem:s12+$0x10640];
	_ =	sdelay $0x2  }
0xde: {  	v5 =	vmul.f32 v6, v5  }
0xdf: {  	v3 =	vmul.f32 v3, v7  }
0xe0: {  	v2 =	vmul.f32 v4, v2;
	v1 =	vadd.f32 v1, v5;
	_ =	sdelay $0x1  }
0xe1: {  	v2 =	vadd.f32 v3, v2;
	_ =	sdelay $0x1  }
0xe2: {  	v1 =	vadd.f32 v1, v2;
	_ =	sdelay $0x1  }
0xe3: {  	[tilespmem:s13+$0xFFFFFFD0] =	vst v1  }
0xe4: {  	v1 =	vld [tilespmem:s12+$0xC680]  }
0xe5: {  	v2 =	vld [tilespmem:s12+$0xC6B0]  }
0xe6: {  	v3 =	vld [tilespmem:s12+$0x10690]  }
0xe7: {  	v4 =	vld [tilespmem:s12+$0x106B0]  }
0xe8: {  	v5 =	vld [tilespmem:s12+$0xC6A0]  }
0xe9: {  	v6 =	vld [tilespmem:s12+$0xC690]  }
0xea: {  	v7 =	vld [tilespmem:s12+$0x106A0]  }
0xeb: {  	v8 =	vld [tilespmem:s12+$0x10680]  }
0xec: {  	v2 =	vmul.f32 v2, v4;
	_ =	sdelay $0x1  }
0xed: {  	v3 =	vmul.f32 v6, v3  }
0xee: {  	v4 =	vmul.f32 v5, v7  }
0xef: {  	v1 =	vmul.f32 v1, v8  }
0xf0: {  	v2 =	vadd.f32 v2, v4  }
0xf1: {  	v1 =	vadd.f32 v3, v1;
	_ =	sdelay $0x1  }
0xf2: {  	v1 =	vadd.f32 v2, v1;
	_ =	sdelay $0x1  }
0xf3: {  	[tilespmem:s13+$0xFFFFFFE0] =	vst v1  }
0xf4: {  	v1 =	vld [tilespmem:s12+$0xC6C0]  }
0xf5: {  	v2 =	vld [tilespmem:s12+$0xC6F0]  }
0xf6: {  	v3 =	vld [tilespmem:s12+$0xC6D0]  }
0xf7: {  	v4 =	vld [tilespmem:s12+$0x106D0]  }
0xf8: {  	v5 =	vld [tilespmem:s12+$0x106F0]  }
0xf9: {  	v6 =	vld [tilespmem:s12+$0xC6E0]  }
0xfa: {  	v7 =	vld [tilespmem:s12+$0x106E0]  }
0xfb: {  	v8 =	vld [tilespmem:s12+$0x106C0]  }
0xfc: {  	v3 =	vmul.f32 v3, v4  }
0xfd: {  	v2 =	vmul.f32 v2, v5;
	_ =	sdelay $0x1  }
0xfe: {  	v4 =	vmul.f32 v6, v7  }
0xff: {  	v1 =	vmul.f32 v1, v8  }
0x100: {  	v2 =	vadd.f32 v2, v4  }
0x101: {  	v1 =	vadd.f32 v3, v1;
	_ =	sdelay $0x1  }
0x102: {  	v1 =	vadd.f32 v2, v1;
	_ =	sdelay $0x1  }
0x103: {  	[tilespmem:s13+$0xFFFFFFF0] =	vst v1  }
0x104: {  	v1 =	vld [tilespmem:s12+$0xC700]  }
0x105: {  	v2 =	vld [tilespmem:s12+$0xC730]  }
0x106: {  	v3 =	vld [tilespmem:s12+$0x10730]  }
0x107: {  	v4 =	vld [tilespmem:s12+$0xC710]  }
0x108: {  	v5 =	vld [tilespmem:s12+$0xC720]  }
0x109: {  	v6 =	vld [tilespmem:s12+$0x10710]  }
0x10a: {  	v7 =	vld [tilespmem:s12+$0x10700]  }
0x10b: {  	v8 =	vld [tilespmem:s12+$0x10720];
	v2 =	vmul.f32 v2, v3;
	_ =	sdelay $0x2  }
0x10c: {  	v3 =	vmul.f32 v4, v6  }
0x10d: {  	v1 =	vmul.f32 v1, v7  }
0x10e: {  	v4 =	vmul.f32 v5, v8;
	_ =	sdelay $0x1  }
.Ltmp1:
0x10f: {  	v1 =	vadd.f32 v3, v1;
	v2 =	vadd.f32 v2, v4;
	(pc) =	sbr.rel @p0 .LBB2_5-.Ltmp1, $3  }
0x110: {  	_ = 	snop  }
0x111: {  	v1 =	vadd.f32 v2, v1;
	_ =	sdelay $0x1  }
0x112: {  	[tilespmem:s13+$0x0] =	vst v1  }
0x113: {  	v1 =	vld [tilespmem:s12+$0xC770]  }
0x114: {  	v2 =	vld [tilespmem:s12+$0x10770]  }
0x115: {  	v3 =	vld [tilespmem:s12+$0xC760]  }
0x116: {  	v4 =	vld [tilespmem:s12+$0x10760]  }
0x117: {  	v5 =	vld [tilespmem:s12+$0xC750]  }
0x118: {  	v6 =	vld [tilespmem:s12+$0x10750]  }
0x119: {  	v7 =	vld [tilespmem:s12+$0xC740]  }
0x11a: {  	v8 =	vld [tilespmem:s12+$0x10740];
	_ =	sdelay $0x3  }
0x11b: {  	v3 =	vmul.f32 v3, v4;
	v1 =	vmul.f32 v1, v2  }
0x11c: {  	v2 =	vmul.f32 v7, v8;
	v51 =	vmul.f32 v5, v6;
	_ =	sdelay $0x1  }
0x11d: {  	v2 =	vadd.f32 v51, v2;
	v1 =	vadd.f32 v1, v3;
	_ =	sdelay $0x1  }
0x11e: {  	v1 =	vadd.f32 v1, v2;
	_ =	sdelay $0x1  }
0x11f: {  	[tilespmem:s14+$0x10] =	vst v1  }
0x120: {  	v1 =	vld [tilespmem:s12+$0xC7B0]  }
0x121: {  	v2 =	vld [tilespmem:s12+$0xC790]  }
0x122: {  	v3 =	vld [tilespmem:s12+$0xC7A0]  }
0x123: {  	v52 =	vld [tilespmem:s12+$0x10790]  }
0x124: {  	v53 =	vld [tilespmem:s12+$0x10780]  }
0x125: {  	v54 =	vld [tilespmem:s12+$0x107B0]  }
0x126: {  	v55 =	vld [tilespmem:s12+$0x107A0]  }
0x127: {  	v56 =	vld [tilespmem:s12+$0xC780];
	_ =	sdelay $0x3  }
0x128: {  	v2 =	vmul.f32 v2, v52;
	v1 =	vmul.f32 v1, v54  }
0x129: {  	v3 =	vmul.f32 v3, v55;
	v57 =	vmul.f32 v56, v53;
	_ =	sdelay $0x1  }
0x12a: {  	v2 =	vadd.f32 v2, v57;
	v1 =	vadd.f32 v1, v3;
	_ =	sdelay $0x1  }
0x12b: {  	v1 =	vadd.f32 v1, v2;
	_ =	sdelay $0x1  }
0x12c: {  	[tilespmem:s14+$0x20] =	vst v1  }
0x12d: {  	v1 =	vld [tilespmem:s12+$0x107C0]  }
0x12e: {  	v2 =	vld [tilespmem:s12+$0xC7F0]  }
0x12f: {  	v3 =	vld [tilespmem:s12+$0xC7E0]  }
0x130: {  	v58 =	vld [tilespmem:s12+$0x107F0]  }
0x131: {  	v59 =	vld [tilespmem:s12+$0xC7C0]  }
0x132: {  	v60 =	vld [tilespmem:s12+$0xC7D0]  }
0x133: {  	v61 =	vld [tilespmem:s12+$0x107D0]  }
0x134: {  	v62 =	vld [tilespmem:s12+$0x107E0];
	_ =	sdelay $0x3  }
0x135: {  	v1 =	vmul.f32 v59, v1;
	v2 =	vmul.f32 v2, v58  }
0x136: {  	v63 =	vmul.f32 v60, v61;
	v3 =	vmul.f32 v3, v62;
	_ =	sdelay $0x1  }
0x137: {  	v1 =	vadd.f32 v63, v1;
	v2 =	vadd.f32 v2, v3;
	_ =	sdelay $0x1  }
0x138: {  	v1 =	vadd.f32 v2, v1;
	_ =	sdelay $0x1  }
0x139: {  	[tilespmem:s14+$0x30] =	vst v1  }
0x13a: {  	[spmem:s1] =	stream.indirect.scatter.add.f32 [tilespmem:s0], [sflag:$0x2], $0x10, s23, s26, $0xb8;
	[tilespmem:$0x16E80] =	vst v63  }
0x13b: {  	s11 =	sadd.s32 $0x1, s11;
	_ =	swait.ge [sflag:s21], $0x800  }
0x13c: {  	p0 =	sne.s32 s11, $0x62;
	[sflag:s21] =	ssyncset.done $0x0  }
.Ltmp2:
0x13d: {  	[sflag:s21] =	ssyncadd.s32 $0xFFFFF800;
	(pc) =	sbr.rel @p0 .LBB2_4-.Ltmp2, $4  }
0x13e: {  	[spmem:s1] =	stream.indirect.scatter.add.f32 [tilespmem:s9], [sflag:$0x2], $0x10, s3, s26, $0xb8;
	[tilespmem:$0x16E80] =	vst v63  }
0x13f: {  	_ =	swait.ge [sflag:s21], $0x800  }
0x140: {  	[sflag:s21] =	ssyncset.done $0x0  }
0x141: {  	[sflag:s21] =	ssyncadd.s32 $0xFFFFF800  }
0x142: {  	s10 =	stileid.u32  }
0x143: {  	[bflag:$0x0] =	sbarrier.arrive $0xFFFF;
	s10 =	sshll.u32 s10, $0x6  }
0x144: {  	s11 =	sshrl.u32 s8, $0x3;
	s12 =	rddreg [dreg:$0xa];
	s10 =	sor.u32 $0x1C02, s10  }
0x145: {  	[hbm:s12], [sflag:s10] =	dma.local [spmem:s11], $0xC40  }
0x146: {  	s2 =	sadd.s32 $0x1, s2;
	_ =	swait.ge [sflag:s21], $0xC40  }
0x147: {  	p0 =	sne.s32 s2, s19;
	[sflag:s21] =	ssyncset.done $0x0  }
.Ltmp3:
0x148: {  	[sflag:s21] =	ssyncadd.s32 $0xFFFFF3C0;
	(pc) =	sbr.rel @p0 .LBB2_1-.Ltmp3, $4  }
0x149: {  	[hbm:s18], [sflag:s10] =	dma.local [spmem:s25], $0xC40  }
0x14a: {  	_ =	swait.ge [sflag:s21], $0xC40  }
0x14b: {  	[sflag:s21] =	ssyncset.done $0x0  }
0x14c: {  	[sflag:s21] =	ssyncadd.s32 $0xFFFFF3C0  }
0x14d: {  	_ =	sfence.sel $0x180000  }
0x14e: {  	[bflag:$0x0] =	sbarrier.arrive $0xFFFF  }
0x14f: {  	_ =	strace $0x9000004A  }
0x150: {  	s0 =	stileid.u32;
	[bflag:$0x2] =	sbarrier.arrive $0xFFFF  }
0x151: {  	p0 =	sne.s32 s0, $0x0;
	s0 =	rddreg [dreg:$0x2]  }
0x152: {  	s0 =	sadd.s32 @!p0 $0x100000, s0  }
0x153: {  	[sflag:s0] =	ssyncadd.tile.s32 @!p0 $0x1;
	_ =	shalt  }
.Lfunc_end2:
_tile_overlayer_lowered:
.L_overlay_start_2:
0x154: {  	(tag) =	ssettag $0x2  }
0x155: {  	s0 =	rddreg [dreg:$0x0];
	s2 =	stileid.u32  }
0x156: {  	s1 =	rddreg [dreg:$0x1];
	p0 =	sne.s32 s2, $0x0  }
0x157: {  	s3 =	rddreg [dreg:$0x2];
	[bflag:$0x3] =	sbarrier.arrive $0xFFFF;
	s2 =	simm.s32 @!p0 $0x1C02  }
0x158: {  	[timem:s3], [sflag:s2] =	dma.local @!p0 [hbm:s0], s1  }
0x159: {  	s0 =	simm.s32 @!p0 $0x2  }
0x15a: {  	_ =	swait.ge @!p0 [sflag:s0], s1  }
0x15b: {  	s1 =	ssub.s32 @!p0 $0x0, s1;
	[sflag:s0] =	ssyncset.done @!p0 $0x0  }
0x15c: {  	[sflag:s0] =	ssyncadd.s32 @!p0 s1  }
0x15d: {  	[bflag:$0x3] =	sbarrier.arrive $0xFFFF  }
0x15e: {  	_ =	shalt  }

// kernel: kernel.8.cloned.1.call-start
scs
__scs_entry_jumppad:
0x0: {  	(pc) =	sbr.rel $0x88, $3  }
0x1: {  	(tag) =	ssettag $0x0;
	lr =	simm.s32 $0x1  }
0x2: {  	[smem:$0x3F9C] =	sst lr;
	_ =	strace $0xD0000000  }
0x3: {  	_ = 	snop  }
0x4: {  	_ = 	snop  }
0x5: {  	_ = 	snop  }
0x6: {  	_ = 	snop  }
0x7: {  	_ = 	snop  }
__scs_overlays_trampoline_lowered:
0x8: {  	[smem:$0x3FAB] =	sst s0  }
0x9: {  	[smem:$0x3FAC] =	sst s1  }
0xa: {  	[smem:$0x3FAD] =	sst s2  }
0xb: {  	[smem:$0x3FAE] =	sst s3  }
0xc: {  	[smem:$0x3FAF] =	sst s4  }
0xd: {  	[smem:$0x3FB0] =	sst s5  }
0xe: {  	[smem:$0x3FB1] =	sst s6  }
0xf: {  	[smem:$0x3FB2] =	sst s7  }
0x10: {  	[smem:$0x3FB3] =	sst s8  }
0x11: {  	[smem:$0x3FB4] =	sst s9;
	s0 =	simm.s32 @!p0 $0x0  }
0x12: {  	s1 =	sld [smem:$0x3F9A];
	s0 =	simm.s32 @p0 $0x1  }
0x13: {  	[smem:$0x3FB5] =	sst s0;
	s0 =	simm.s32 @!p1 $0x0  }
0x14: {  	s2 =	sld [smem:$0x3F99];
	s0 =	simm.s32 @p1 $0x1  }
0x15: {  	[smem:$0x3FB6] =	sst s0;
	s0 =	simm.s32 @!p2 $0x0  }
0x16: {  	s3 =	sld [smem:$0x3FDB];
	s0 =	simm.s32 @p2 $0x1  }
0x17: {  	s4 =	simm.s32 $0x1BF5;
	[smem:$0x3FB8] =	sst s0  }
0x18: {  	s0 =	sld [smem:$0x3F9B];
	_ =	swait.ge [sflag:s4], $0x0  }
0x19: {  	s7 =	sld [smem:$0x3F9C]  }
0x1a: {  	s8 =	sadd.s32 $0xFFFFE003, lr  }
0x1b: {  	s9 =	sadd.s32 $0xFFFFFEF7, lr;
	s5 =	simm.s32 $0xFFFFFFFF;
	p2 =	slt.u32 s8, $0xFFFFF086  }
0x1c: {  	p1 =	slt.u32 s9, $0xF7A;
	s5 =	simm.s32 @!p2 $0x0  }
0x1d: {  	s5 =	simm.s32 @p1 $0x1;
	p0 =	seq.s32 s7, s2  }
0x1e: {  	s7 =	smul.u32 @!p0 $0xF7A, s2;
	p2 =	seq.s32 @!p0 s5, $0x0  }
0x1f: {  	s9 =	smul.u32 $0xF7A, s1;
	s8 =	simm.s32 @!p0 $0x1BF5;
	p2 =	por !p2, p0  }
0x20: {  	[sflag:s8] =	ssyncset.s32 @!p0 $0xFFFFF086;
	s6 =	sadd.s32 @!p0 s3, s7;
	s7 =	simm.s32 @!p0 $0x108  }
0x21: {  	s3 =	sadd.s32 s3, s9;
	s6 =	sadd.s32 @!p0 $0x88, s6;
	s7 =	simm.s32 @p2 $0x1082  }
0x22: {  	[simem:s7], [sflag:s8] =	dma.local @!p0 [hbm:s6], $0xF7A  }
0x23: {  	s9 =	sor.u32 $0xD0000000, s2;
	s6 =	simm.s32 $0x108;
	_ =	swait.ge @!p0 [sflag:s8], $0x0  }
0x24: {  	s3 =	sadd.s32 $0x88, s3;
	s6 =	simm.s32 @!p1 $0x1082;
	[sflag:s4] =	ssyncset.s32 $0xFFFFF086  }
0x25: {  	[simem:s6], [sflag:s4] =	dma.local [hbm:s3], $0xF7A  }
0x26: {  	[smem:$0x3F9C] =	sst s1;
	(tag) =	ssettag s2;
	_ =	strace s9  }
0x27: {  	s1 =	sld [smem:$0x3FAC]  }
0x28: {  	s2 =	sld [smem:$0x3FAD]  }
0x29: {  	s4 =	sld [smem:$0x3FAF]  }
0x2a: {  	p0 =	seq.s32 s5, $0x0;
	s5 =	sld [smem:$0x3FB0]  }
0x2b: {  	s6 =	sld [smem:$0x3FB1]  }
0x2c: {  	s7 =	sld [smem:$0x3FB2]  }
0x2d: {  	s3 =	simm.s32 $0x108;
	s8 =	sld [smem:$0x3FB3]  }
0x2e: {  	s3 =	simm.s32 @!p0 $0x1082;
	s9 =	sld [smem:$0x3FB4]  }
0x2f: {  	lr =	sadd.s32 s0, s3;
	s0 =	sld [smem:$0x3FAB]  }
0x30: {  	s3 =	sld [smem:$0x3FAE]  }
0x31: {  	[smem:$0x3FB7] =	sst s10  }
0x32: {  	s10 =	sld [smem:$0x3FB5];
	_ =	sdelay $0x3  }
0x33: {  	p0 =	seq.s32 s10, $0x1;
	s10 =	sld [smem:$0x3FB7];
	_ =	sdelay $0x3  }
0x34: {  	[smem:$0x3FB7] =	sst s10  }
0x35: {  	s10 =	sld [smem:$0x3FB6];
	_ =	sdelay $0x3  }
0x36: {  	p1 =	seq.s32 s10, $0x1;
	s10 =	sld [smem:$0x3FB7];
	_ =	sdelay $0x3  }
0x37: {  	[smem:$0x3FB7] =	sst s10  }
0x38: {  	s10 =	sld [smem:$0x3FB8]  }
0x39: {  	_ = 	snop;
	(pc) =	sbr.ind lr, $3  }
0x3a: {  	_ = 	snop  }
0x3b: {  	_ = 	snop  }
0x3c: {  	p2 =	seq.s32 s10, $0x1;
	s10 =	sld [smem:$0x3FB7]  }
0x3d: {  	_ =	shalt  }
0x3e: {  	_ =	shalt  }
0x3f: {  	_ =	shalt  }
0x40: {  	_ =	shalt  }
0x41: {  	_ =	shalt  }
0x42: {  	_ =	shalt  }
0x43: {  	_ =	shalt  }
0x44: {  	_ =	shalt  }
0x45: {  	_ =	shalt  }
0x46: {  	_ =	shalt  }
0x47: {  	_ =	shalt  }
0x48: {  	_ =	shalt  }
0x49: {  	_ =	shalt  }
0x4a: {  	_ =	shalt  }
0x4b: {  	_ =	shalt  }
0x4c: {  	_ =	shalt  }
0x4d: {  	_ =	shalt  }
0x4e: {  	_ =	shalt  }
0x4f: {  	_ =	shalt  }
0x50: {  	_ =	shalt  }
0x51: {  	_ =	shalt  }
0x52: {  	_ =	shalt  }
0x53: {  	_ =	shalt  }
0x54: {  	_ =	shalt  }
0x55: {  	_ =	shalt  }
0x56: {  	_ =	shalt  }
0x57: {  	_ =	shalt  }
0x58: {  	_ =	shalt  }
0x59: {  	_ =	shalt  }
0x5a: {  	_ =	shalt  }
0x5b: {  	_ =	shalt  }
0x5c: {  	_ =	shalt  }
0x5d: {  	_ =	shalt  }
0x5e: {  	_ =	shalt  }
0x5f: {  	_ =	shalt  }
0x60: {  	_ =	shalt  }
0x61: {  	_ =	shalt  }
0x62: {  	_ =	shalt  }
0x63: {  	_ =	shalt  }
0x64: {  	_ =	shalt  }
0x65: {  	_ =	shalt  }
0x66: {  	_ =	shalt  }
0x67: {  	_ =	shalt  }
0x68: {  	_ =	shalt  }
0x69: {  	_ =	shalt  }
0x6a: {  	_ =	shalt  }
0x6b: {  	_ =	shalt  }
0x6c: {  	_ =	shalt  }
0x6d: {  	_ =	shalt  }
0x6e: {  	_ =	shalt  }
0x6f: {  	_ =	shalt  }
0x70: {  	_ =	shalt  }
0x71: {  	_ =	shalt  }
0x72: {  	_ =	shalt  }
0x73: {  	_ =	shalt  }
0x74: {  	_ =	shalt  }
0x75: {  	_ =	shalt  }
0x76: {  	_ =	shalt  }
0x77: {  	_ =	shalt  }
0x78: {  	_ =	shalt  }
0x79: {  	_ =	shalt  }
0x7a: {  	_ =	shalt  }
0x7b: {  	_ =	shalt  }
0x7c: {  	_ =	shalt  }
0x7d: {  	_ =	shalt  }
0x7e: {  	_ =	shalt  }
0x7f: {  	_ =	shalt  }
0x80: {  	_ =	shalt  }
0x81: {  	_ =	shalt  }
0x82: {  	_ =	shalt  }
0x83: {  	_ =	shalt  }
0x84: {  	_ =	shalt  }
0x85: {  	_ =	shalt  }
0x86: {  	_ =	shalt  }
0x87: {  	_ =	shalt  }
.Lfunc_end0:
.L_simem_size_0:
called_computation_lowered:
.L_overlay_start_0:
0x88: {  	s2 =	sld [smem:$0x3FD9]  }
0x89: {  	s3 =	sld [smem:$0x3FFE];
	_ =	sdelay $0x1  }
0x8a: {  	s1 =	srdreg.scid  }
0x8b: {  	s0 =	sand.u32 $0x1, s1  }
0x8c: {  	s17 =	sshll.u32 s0, $0xA;
	s2 =	sadd.s32 s3, s2  }
0x8d: {  	s2 =	sadd.s32 s2, s17  }
0x8e: {  	[smem:$0x3FC3] =	sst s2  }
0x8f: {  	_ = 	snop  }
0x90: {  	s2 =	sld [smem:$0x3FD0];
	(tm) =	ssettm $0x1  }
0x91: {  	s18 =	sld [smem:$0x3FFB];
	_ =	sdelay $0x3  }
0x92: {  	_ =	strace s18  }
0x93: {  	s3 =	sld [smem:$0x3FFC];
	_ =	sdelay $0x3  }
0x94: {  	_ =	strace s3  }
0x95: {  	s3 =	sld [smem:$0x3FFD];
	_ =	sdelay $0x3  }
0x96: {  	_ =	strace s3  }
0x97: {  	_ =	strace $0x8FFFFFFF  }
0x98: {  	s19 =	sld [smem:$0x3FDB];
	_ =	sdelay $0x1  }
0x99: {  	s4 =	simm.s32 $_scs_section_size  }
0x9a: {  	s5 =	simm.s32 $_size__tile_overlayer_lowered;
	s6 =	simm.s32 $_tile_overlayer_lowered  }
0x9b: {  	s22 =	simm.s32 $0x1BFF;
	s21 =	sshll.u32 s6, $0x1;
	s3 =	sadd.s32 s4, s19  }
0x9c: {  	s7 =	simm.s32 $0x0;
	s20 =	sshll.u32 s5, $0x1;
	s5 =	sadd.s32 s21, s3  }
0x9d: {  	[timem:s7], [sflag:s22] =	dma.local [hbm:s5], s20  }
0x9e: {  	_ =	swait.ge [sflag:s22], s20  }
0x9f: {  	s4 =	ssub.s32 $0x0, s20;
	[sflag:s22] =	ssyncset.done $0x0  }
0xa0: {  	[sflag:s22] =	ssyncadd.s32 s4;
	_ =	sdelay $0x1  }
0xa1: {  	s23 =	simm.s32 $0x1B8B  }
0xa2: {  	_ =	swait.ge [sflag:s23], $0x1  }
0xa3: {  	[sflag:s23] =	ssyncset.done $0x0  }
0xa4: {  	s25 =	simm.s32 $0x1B8E;
	s24 =	sld [smem:$0x3FFE];
	[sflag:s23] =	ssyncadd.s32 $0xFFFFFFFF  }
0xa5: {  	s26 =	simm.s32 $execute0_lowered;
	[smem:$0x3FD2] =	sst s25  }
0xa6: {  	s5 =	sshll.u32 s26, $0x1;
	_ =	strace $0x80000046;
	[dreg:$0x1] =	wrdreg $0xFFFFFFFF  }
0xa7: {  	s28 =	simm.s32 $_size_execute0_lowered;
	s3 =	sadd.s32 s3, s5;
	[dreg:$0x0] =	wrdreg $0x0  }
0xa8: {  	s5 =	sshll.u32 s28, $0x1;
	[dreg:$0x2] =	wrdreg s3  }
0xa9: {  	[dreg:$0x3] =	wrdreg s5  }
0xaa: {  	[dreg:$0x4] =	wrdreg $0xC0  }
0xab: {  	_ =	task [dreg:s7], $0x5FFFF  }
0xac: {  	[dreg:$0x1] =	wrdreg $0xFFFFFFFF  }
0xad: {  	[dreg:$0x0] =	wrdreg $0x60  }
0xae: {  	[dreg:$0x2] =	wrdreg s24  }
0xaf: {  	[dreg:$0x3] =	wrdreg s2  }
0xb0: {  	[dreg:$0x4] =	wrdreg $0x0  }
0xb1: {  	[dreg:$0x5] =	wrdreg $0x16E800  }
0xb2: {  	[dreg:$0x6] =	wrdreg $0x9  }
0xb3: {  	_ =	task.clear_ibuf [dreg:s7], $0x7FFFF;
	_ =	strace $0x90000046  }
0xb4: {  	s29 =	simm.s32 $0x9;
	_ =	strace $0x80000048  }
0xb5: {  	_ =	swait.ge [sflag:s29], $0x1  }
0xb6: {  	[sflag:s29] =	ssyncadd.s32 $0xFFFFFFFF  }
0xb7: {  	_ =	strace $0x90000048  }
0xb8: {  	_ =	sfence  }
0xb9: {  	s30 =	sld [smem:$0x0];
	_ =	sdelay $0x2  }
0xba: {  	s31 =	sshll.u32 s1, $0xD;
	s1 =	sshrl.u32 s1, $0x2  }
0xbb: {  	s3 =	sand.u32 $0x4000, s31;
	s1 =	sadd.s32 s1, s30  }
0xbc: {  	s0 =	sor.u32 s3, s0;
	s1 =	sshll.u32 s1, $0x11  }
0xbd: {  	s0 =	sor.u32 s1, s0  }
0xbe: {  	s0 =	sadd.s32 $0x8F2B, s0  }
0xbf: {  	[sflag:s0] =	ssyncadd.remote.s32 $0x1  }
0xc0: {  	_ =	sfence.sel $0xFFFF  }
0xc1: {  	[dreg:$0x0] =	wrdreg $0xFFFFFFFF;
	(pc) =	sbr.abs _section_cstart, $3  }
0xc2: {  	[dreg:$0x1] =	wrdreg $0xFFFFFFFF  }
0xc3: {  	_ =	task.clear_ibuf [dreg:s7], $0x2FFFF;
	_ =	strace $0x9FFFFFFF  }
0xc4: {  	(tm) =	ssettm $0x7FFFFFFF  }
0xc5: {  	_ =	shalt  }
tec
execute0_lowered:
.L_overlay_start_1:
0x0: {  	(tag) =	ssettag $0x1  }
0x1: {  	s0 =	rddreg [dreg:$0x0]  }
0x2: {  	s5 =	rddreg [dreg:$0x1]  }
0x3: {  	s1 =	rddreg [dreg:$0x2]  }
0x4: {  	s2 =	rddreg [dreg:$0x3]  }
0x5: {  	s3 =	simm.s32 $0x0;
	s9 =	srdreg.scid;
	s14 =	stileid.u32  }
0x6: {  	[smem:$0x7FF] =	sst s3;
	s4 =	sadd.s32 $0xF5E00, s0;
	s6 =	sadd.s32 $0x1800, s0  }
0x7: {  	s7 =	sadd.s32 $0x32800, s0;
	s8 =	sadd.s32 $0x652800, s0;
	s9 =	sand.u32 $0x1, s9  }
0x8: {  	s0 =	sadd.s32 $0x4B000, s0;
	s11 =	smul.u32 $0xC40, s14;
	s13 =	sshll.u32 s14, $0x1  }
0x9: {  	s14 =	smul.u32 $0xC400, s14;
	_ =	strace $0x80000047;
	s10 =	ssub.s32 $0x2, s9  }
0xa: {  	s17 =	smul.u32 $0xC4000, s9;
	s12 =	sshrl.u32 s10, $0x1;
	s26 =	sadd.s32 $0x188, s11  }
0xb: {  	s21 =	sadd.s32 s14, s1;
	s16 =	sadd.s32 $0x310, s11;
	s22 =	sadd.s32 $0x498, s11  }
0xc: {  	s29 =	sadd.s32 s11, s2;
	s10 =	ssub.s32 s10, s12;
	s12 =	sor.u32 s9, s13  }
0xd: {  	s15 =	sshll.u32 s26, $0x4;
	s31 =	sshll.u32 s16, $0x4;
	s13 =	sadd.s32 s26, s2  }
0xe: {  	s18 =	sadd.s32 s16, s2;
	s14 =	sadd.s32 s14, s17;
	[dreg:$0x12] =	wrdreg s29  }
0xf: {  	s9 =	smul.u32 $0xC400, s9;
	s26 =	sshll.u32 s22, $0x4;
	[dreg:$0x6] =	wrdreg s13  }
0x10: {  	s15 =	sadd.s32 s15, s1;
	s13 =	sadd.s32 $0x620, s11;
	[dreg:$0x8] =	wrdreg s18  }
0x11: {  	s14 =	sshrl.u32 s14, $0x3;
	s16 =	sadd.s32 s26, s1;
	s30 =	smul.u32 $0x6200, s12  }
0x12: {  	s12 =	simm.s32 $0xC500;
	[dreg:$0x5] =	wrdreg s15;
	s15 =	sadd.s32 s31, s1  }
0x13: {  	s19 =	sshll.u32 s13, $0x4;
	s14 =	sadd.s32 s0, s14;
	s24 =	sadd.s32 s11, s9  }
0x14: {  	s25 =	sadd.s32 s9, s13;
	[dreg:$0xd] =	wrdreg s16;
	s28 =	sadd.s32 s13, s2  }
0x15: {  	s13 =	simm.s32 $0xC600;
	s16 =	simm.s32 $0xC480;
	[dreg:$0x7] =	wrdreg s15  }
0x16: {  	s20 =	sadd.s32 s17, s19;
	[dreg:$0x9] =	wrdreg s14;
	s31 =	sshrl.u32 s24, $0x3  }
0x17: {  	s17 =	sadd.s32 s22, s2;
	s26 =	sadd.s32 s19, s1;
	s19 =	sadd.s32 $0x930, s11  }
0x18: {  	s15 =	simm.s32 $0x10600;
	[dreg:$0x10] =	wrdreg s28;
	s23 =	sshrl.u32 s20, $0x3  }
0x19: {  	s14 =	sadd.s32 s5, s31;
	[dreg:$0xe] =	wrdreg s17;
	s20 =	sadd.s32 $0xAB8, s11  }
0x1a: {  	s22 =	sshll.u32 s19, $0x4;
	s31 =	smax.u32 s10, $0x1;
	s10 =	simm.s32 $0x17B40  }
0x1b: {  	s17 =	simm.s32 $0x12600;
	[dreg:$0xf] =	wrdreg s26;
	s0 =	sadd.s32 s0, s23  }
0x1c: {  	[dreg:$0xb] =	wrdreg s14;
	s14 =	sadd.s32 $0x7A8, s11;
	s11 =	sshll.u32 s20, $0x4  }
0x1d: {  	s23 =	sadd.s32 s19, s2;
	[dreg:$0x18] =	wrdreg s31;
	s19 =	simm.s32 $0x14600  }
0x1e: {  	[dreg:$0xa] =	wrdreg s0;
	s0 =	sshrl.u32 s25, $0x3;
	s18 =	sshll.u32 s14, $0x4  }
0x1f: {  	[dreg:$0x15] =	wrdreg s23;
	s24 =	sadd.s32 s11, s1;
	s25 =	sadd.s32 s20, s2  }
0x20: {  	s11 =	simm.s32 $0xC400;
	s0 =	sadd.s32 s5, s0;
	[dreg:$0x16] =	wrdreg s24  }
0x21: {  	s5 =	sadd.s32 s18, s1;
	[dreg:$0x17] =	wrdreg s25;
	s18 =	simm.s32 $0x1  }
0x22: {  	s24 =	simm.s32 $0xC580;
	s25 =	simm.s32 $0x14E00;
	[dreg:$0xc] =	wrdreg s0  }
0x23: {  	[dreg:$0x11] =	wrdreg s5;
	s0 =	sadd.s32 s14, s2;
	s5 =	simm.s32 $0x2  }
0x24: {  	s14 =	simm.s32 $0x80;
	[dreg:$0x13] =	wrdreg s0;
	s0 =	sadd.s32 s22, s1  }
0x25: {  	v0 =	vimm.f32 $0.0e+00;
	v1 =	vimm.f32 $1.000000000e+00;
	s22 =	simm.s32 $0x17AC0;
	[dreg:$0x14] =	wrdreg s0;
	s0 =	simm.s32 $0x15600  }
.LBB2_1:
0x26: {  	s9 =	simm.s32 $0x40;
	s20 =	simm.s32 $0x0  }
.LBB2_2:
0x27: {  	p0 =	sne.s32 s9, $0x61C0;
	[tilespmem:s20+$0x15600] =	vst v0;
	s20 =	smov.u32 s9;
	s9 =	sadd.s32 $0x40, s9  }
.Ltmp0:
0x28: {  	(pc) =	sbr.rel @p0 .LBB2_2-.Ltmp0, $2  }
0x29: {  	_ =	sdelay $0x2  }
0x2a: {  	s20 =	sshra.s32 s20, $0x2  }
0x2b: {  	[tilespmem:s20+$0x15600] =	vst v0  }
0x2c: {  	[tilespmem:$0x17B40] =	vst v0  }
0x2d: {  	[tilespmem:$0x17B50] =	vst v0  }
0x2e: {  	[tilespmem:$0x17B60] =	vst v0  }
0x2f: {  	[tilespmem:$0x17B70] =	vst v0  }
0x30: {  	[tilespmem:$0x17B80] =	vst v0  }
0x31: {  	[tilespmem:$0x17B90] =	vst v0  }
0x32: {  	[tilespmem:$0x17BA0] =	vst v0  }
0x33: {  	[tilespmem:$0x17BB0] =	vst v0  }
0x34: {  	[tilespmem:$0x17BC0] =	vst v0  }
0x35: {  	[tilespmem:$0x17BD0] =	vst v0  }
0x36: {  	[tilespmem:$0x17BE0] =	vst v0  }
0x37: {  	[tilespmem:$0x17BF0] =	vst v0  }
0x38: {  	[tilespmem:$0x17C00] =	vst v0  }
0x39: {  	[tilespmem:$0x17C10] =	vst v0  }
0x3a: {  	[tilespmem:$0x17C20] =	vst v0  }
0x3b: {  	[tilespmem:$0x17C30] =	vst v0  }
0x3c: {  	[tilespmem:$0x17C40] =	vst v0  }
0x3d: {  	[tilespmem:$0x17C50] =	vst v0  }
0x3e: {  	[tilespmem:$0x17C60] =	vst v0  }
0x3f: {  	[tilespmem:$0x17C70] =	vst v0  }
0x40: {  	[tilespmem:$0x17C80] =	vst v0  }
0x41: {  	[tilespmem:$0x17C90] =	vst v0  }
0x42: {  	[tilespmem:$0x17CA0] =	vst v0  }
0x43: {  	[tilespmem:$0x17CB0] =	vst v0  }
0x44: {  	[tilespmem:$0x17AC0] =	vst v1  }
0x45: {  	[tilespmem:$0x17AD0] =	vst v1  }
0x46: {  	[tilespmem:$0x17AE0] =	vst v1  }
0x47: {  	[tilespmem:$0x17AF0] =	vst v1  }
0x48: {  	[tilespmem:$0x17B00] =	vst v1  }
0x49: {  	[tilespmem:$0x17B10] =	vst v1  }
0x4a: {  	[tilespmem:$0x17B20] =	vst v1  }
0x4b: {  	[tilespmem:$0x17B30] =	vst v1  }
0x4c: {  	[tilespmem:$0x17CB8] =	vst v0  }
0x4d: {  	[spmem:s21] =	stream.linear.scatter [tilespmem:s0], [sflag:$0x2], $0x1880, $0x38;
	[tilespmem:$0x17CC8] =	vst v63  }
0x4e: {  	_ =	swait.ge [sflag:s5], $0x1880  }
0x4f: {  	[sflag:s5] =	ssyncset.done $0x0  }
0x50: {  	[sflag:s5] =	ssyncadd.s32 $0xFFFFE780  }
0x51: {  	[spmem:s29] =	stream.linear.scatter [tilespmem:s10], [sflag:$0x2], $0x188, $0x38;
	[tilespmem:$0x17CC8] =	vst v63  }
0x52: {  	_ =	swait.ge [sflag:s5], $0x188  }
0x53: {  	[sflag:s5] =	ssyncset.done $0x0  }
0x54: {  	s9 =	rddreg [dreg:$0x5];
	[sflag:s5] =	ssyncadd.s32 $0xFFFFFE78  }
0x55: {  	[spmem:s9] =	stream.linear.scatter [tilespmem:s0], [sflag:$0x2], $0x1880, $0x38;
	[tilespmem:$0x17CC8] =	vst v63  }
0x56: {  	_ =	swait.ge [sflag:s5], $0x1880  }
0x57: {  	[sflag:s5] =	ssyncset.done $0x0  }
0x58: {  	s29 =	rddreg [dreg:$0x6];
	[sflag:s5] =	ssyncadd.s32 $0xFFFFE780  }
0x59: {  	[spmem:s29] =	stream.linear.scatter [tilespmem:s10], [sflag:$0x2], $0x188, $0x38;
	[tilespmem:$0x17CC8] =	vst v63  }
0x5a: {  	_ =	swait.ge [sflag:s5], $0x188  }
0x5b: {  	[sflag:s5] =	ssyncset.done $0x0  }
0x5c: {  	s31 =	rddreg [dreg:$0x7];
	[sflag:s5] =	ssyncadd.s32 $0xFFFFFE78  }
0x5d: {  	[spmem:s31] =	stream.linear.scatter [tilespmem:s0], [sflag:$0x2], $0x1880, $0x38;
	[tilespmem:$0x17CC8] =	vst v63  }
0x5e: {  	_ =	swait.ge [sflag:s5], $0x1880  }
0x5f: {  	[sflag:s5] =	ssyncset.done $0x0  }
0x60: {  	s20 =	rddreg [dreg:$0x8];
	[sflag:s5] =	ssyncadd.s32 $0xFFFFE780  }
0x61: {  	[spmem:s20] =	stream.linear.scatter [tilespmem:s10], [sflag:$0x2], $0x188, $0x38;
	[tilespmem:$0x17CC8] =	vst v63  }
0x62: {  	_ =	swait.ge [sflag:s5], $0x188  }
0x63: {  	[sflag:s5] =	ssyncset.done $0x0  }
0x64: {  	s23 =	smov.u32 s21;
	s21 =	rddreg [dreg:$0xd];
	[sflag:s5] =	ssyncadd.s32 $0xFFFFFE78  }
0x65: {  	[spmem:s21] =	stream.linear.scatter [tilespmem:s0], [sflag:$0x2], $0x1880, $0x38;
	[tilespmem:$0x17CC8] =	vst v63  }
0x66: {  	_ =	swait.ge [sflag:s5], $0x1880  }
0x67: {  	[sflag:s5] =	ssyncset.done $0x0  }
0x68: {  	s29 =	rddreg [dreg:$0xe];
	[sflag:s5] =	ssyncadd.s32 $0xFFFFE780  }
0x69: {  	[spmem:s29] =	stream.linear.scatter [tilespmem:s10], [sflag:$0x2], $0x188, $0x38;
	[tilespmem:$0x17CC8] =	vst v63  }
0x6a: {  	_ =	swait.ge [sflag:s5], $0x188  }
0x6b: {  	[sflag:s5] =	ssyncset.done $0x0  }
0x6c: {  	[sflag:s5] =	ssyncadd.s32 $0xFFFFFE78  }
0x6d: {  	[spmem:s26] =	stream.linear.scatter [tilespmem:s0], [sflag:$0x2], $0x1880, $0x38;
	[tilespmem:$0x17CC8] =	vst v63  }
0x6e: {  	_ =	swait.ge [sflag:s5], $0x1880  }
0x6f: {  	[sflag:s5] =	ssyncset.done $0x0  }
0x70: {  	[sflag:s5] =	ssyncadd.s32 $0xFFFFE780  }
0x71: {  	[spmem:s28] =	stream.linear.scatter [tilespmem:s10], [sflag:$0x2], $0x188, $0x38;
	[tilespmem:$0x17CC8] =	vst v63  }
0x72: {  	_ =	swait.ge [sflag:s5], $0x188  }
0x73: {  	[sflag:s5] =	ssyncset.done $0x0  }
0x74: {  	s31 =	rddreg [dreg:$0x11];
	[sflag:s5] =	ssyncadd.s32 $0xFFFFFE78  }
0x75: {  	[spmem:s31] =	stream.linear.scatter [tilespmem:s0], [sflag:$0x2], $0x1880, $0x38;
	[tilespmem:$0x17CC8] =	vst v63  }
0x76: {  	_ =	swait.ge [sflag:s5], $0x1880  }
0x77: {  	[sflag:s5] =	ssyncset.done $0x0  }
0x78: {  	s20 =	rddreg [dreg:$0x13];
	[sflag:s5] =	ssyncadd.s32 $0xFFFFE780  }
0x79: {  	[spmem:s20] =	stream.linear.scatter [tilespmem:s10], [sflag:$0x2], $0x188, $0x38;
	[tilespmem:$0x17CC8] =	vst v63  }
0x7a: {  	_ =	swait.ge [sflag:s5], $0x188  }
0x7b: {  	[sflag:s5] =	ssyncset.done $0x0  }
0x7c: {  	s21 =	rddreg [dreg:$0x14];
	[sflag:s5] =	ssyncadd.s32 $0xFFFFFE78  }
0x7d: {  	[spmem:s21] =	stream.linear.scatter [tilespmem:s0], [sflag:$0x2], $0x1880, $0x38;
	[tilespmem:$0x17CC8] =	vst v63  }
0x7e: {  	_ =	swait.ge [sflag:s5], $0x1880  }
0x7f: {  	[sflag:s5] =	ssyncset.done $0x0  }
0x80: {  	s26 =	rddreg [dreg:$0x15];
	[sflag:s5] =	ssyncadd.s32 $0xFFFFE780  }
0x81: {  	[spmem:s26] =	stream.linear.scatter [tilespmem:s10], [sflag:$0x2], $0x188, $0x38;
	[tilespmem:$0x17CC8] =	vst v63  }
0x82: {  	_ =	swait.ge [sflag:s5], $0x188  }
0x83: {  	[sflag:s5] =	ssyncset.done $0x0  }
0x84: {  	s29 =	rddreg [dreg:$0x16];
	[sflag:s5] =	ssyncadd.s32 $0xFFFFFE78  }
0x85: {  	[spmem:s29] =	stream.linear.scatter [tilespmem:s0], [sflag:$0x2], $0x1880, $0x38;
	[tilespmem:$0x17CC8] =	vst v63  }
0x86: {  	_ =	swait.ge [sflag:s5], $0x1880  }
0x87: {  	[sflag:s5] =	ssyncset.done $0x0  }
0x88: {  	s31 =	rddreg [dreg:$0x17];
	[sflag:s5] =	ssyncadd.s32 $0xFFFFE780  }
0x89: {  	[spmem:s31] =	stream.linear.scatter [tilespmem:s10], [sflag:$0x2], $0x188, $0x38;
	[tilespmem:$0x17CC8] =	vst v63  }
0x8a: {  	_ =	swait.ge [sflag:s5], $0x188  }
0x8b: {  	[sflag:s5] =	ssyncset.done $0x0  }
0x8c: {  	[sflag:s5] =	ssyncadd.s32 $0xFFFFFE78  }
0x8d: {  	s28 =	simm.s32 $0x0;
	s26 =	simm.s32 $0x0;
	[bflag:$0x0] =	sbarrier.arrive $0xFFFF  }
.LBB2_4:
0x8e: {  	s9 =	sshll.u32 s28, $0x8  }
0x8f: {  	s9 =	sadd.s32 s30, s9  }
0x90: {  	s20 =	sshrl.u32 s9, $0x3  }
0x91: {  	s21 =	sadd.s32 s6, s20  }
0x92: {  	[tilespmem:s11], [sflag:$0x2] =	stream.linear.gather [hbm4b:s21+s26], $0x100, $0x38;
	[tilespmem:$0x17CC8] =	vst v63  }
0x93: {  	_ =	swait.ge [sflag:s5], $0x100  }
0x94: {  	[sflag:s5] =	ssyncset.done $0x0  }
0x95: {  	s20 =	sadd.s32 s7, s20;
	[sflag:s5] =	ssyncadd.s32 $0xFFFFFF00  }
0x96: {  	[tilespmem:s12], [sflag:$0x2] =	stream.linear.gather [hbm4b:s20+s26], $0x100, $0x38;
	[tilespmem:$0x17CC8] =	vst v63  }
0x97: {  	_ =	swait.ge [sflag:s5], $0x100  }
0x98: {  	s9 =	sshll.u32 s9, $0x3;
	[sflag:s5] =	ssyncset.done $0x0  }
0x99: {  	s9 =	sadd.s32 s8, s9;
	[sflag:s5] =	ssyncadd.s32 $0xFFFFFF00  }
0x9a: {  	[tilespmem:s13], [sflag:$0x2] =	stream.linear.gather [hbm4b:s9+s26], $0x4000, $0x38;
	[tilespmem:$0x17CC8] =	vst v63  }
0x9b: {  	_ =	swait.ge [sflag:s5], $0x4000  }
0x9c: {  	[sflag:s5] =	ssyncset.done $0x0  }
0x9d: {  	[sflag:s5] =	ssyncadd.s32 $0xFFFFC000  }
0x9e: {  	[tilespmem:s15], [sflag:$0x1] =	stream.indirect.gather [hbm4b:s4+s14], $0x40, s11, s14, $0xb8;
	[tilespmem:$0x17CC8] =	vst v63  }
0x9f: {  	_ = 	snop  }
0xa0: {  	[tilespmem:s17], [sflag:$0x1] =	stream.indirect.gather [hbm4b:s4+s14], $0x40, s16, s14, $0xb8;
	[tilespmem:$0x17CC8] =	vst v63  }
0xa1: {  	_ =	swait.ge [sflag:s18], $0x2000  }
0xa2: {  	[sflag:s18] =	ssyncset.done $0x0  }
0xa3: {  	[sflag:s18] =	ssyncadd.s32 $0xFFFFE000  }
0xa4: {  	_ =	swait.ge [sflag:s18], $0x2000  }
0xa5: {  	[sflag:s18] =	ssyncset.done $0x0  }
0xa6: {  	s29 =	simm.s32 $0x0;
	[sflag:s18] =	ssyncadd.s32 $0xFFFFE000  }
0xa7: {  	v2 =	vld [tilespmem:s29+$0xC630]  }
0xa8: {  	v3 =	vld [tilespmem:s29+$0xC610]  }
0xa9: {  	v4 =	vld [tilespmem:s29+$0xC620]  }
0xaa: {  	v5 =	vld [tilespmem:s29+$0x10610]  }
0xab: {  	v6 =	vld [tilespmem:s29+$0x10600]  }
0xac: {  	v7 =	vld [tilespmem:s29+$0x10630]  }
0xad: {  	v8 =	vld [tilespmem:s29+$0x10620]  }
0xae: {  	v9 =	vld [tilespmem:s29+$0xC600];
	_ =	sdelay $0x3  }
0xaf: {  	v3 =	vmul.f32 v3, v5;
	v2 =	vmul.f32 v2, v7  }
0xb0: {  	v4 =	vmul.f32 v4, v8;
	v35 =	vmul.f32 v9, v6;
	_ =	sdelay $0x1  }
0xb1: {  	v3 =	vadd.f32 v3, v35;
	v2 =	vadd.f32 v2, v4;
	_ =	sdelay $0x1  }
0xb2: {  	v2 =	vadd.f32 v2, v3  }
0xb3: {  	s31 =	simm.s32 $0x14640  }
0xb4: {  	[tilespmem:s31+$0xFFFFFFC0] =	vst v2  }
0xb5: {  	v2 =	vld [tilespmem:s29+$0xC670]  }
0xb6: {  	v3 =	vld [tilespmem:s29+$0x10670]  }
0xb7: {  	v36 =	vld [tilespmem:s29+$0xC650]  }
0xb8: {  	v37 =	vld [tilespmem:s29+$0xC640]  }
0xb9: {  	v38 =	vld [tilespmem:s29+$0x10660]  }
0xba: {  	v39 =	vld [tilespmem:s29+$0xC660]  }
0xbb: {  	v40 =	vld [tilespmem:s29+$0x10650]  }
0xbc: {  	v41 =	vld [tilespmem:s29+$0x10640];
	_ =	sdelay $0x3  }
0xbd: {  	v2 =	vmul.f32 v2, v3;
	v3 =	vmul.f32 v39, v38  }
0xbe: {  	v4 =	vmul.f32 v36, v40;
	v5 =	vmul.f32 v37, v41;
	_ =	sdelay $0x1  }
0xbf: {  	v2 =	vadd.f32 v2, v3;
	v3 =	vadd.f32 v4, v5;
	_ =	sdelay $0x1  }
0xc0: {  	v2 =	vadd.f32 v2, v3;
	_ =	sdelay $0x1  }
0xc1: {  	[tilespmem:s31+$0xFFFFFFD0] =	vst v2  }
0xc2: {  	v2 =	vld [tilespmem:s29+$0xC680]  }
0xc3: {  	v3 =	vld [tilespmem:s29+$0xC6B0]  }
0xc4: {  	v42 =	vld [tilespmem:s29+$0x10690]  }
0xc5: {  	v43 =	vld [tilespmem:s29+$0x106B0]  }
0xc6: {  	v44 =	vld [tilespmem:s29+$0xC6A0]  }
0xc7: {  	v45 =	vld [tilespmem:s29+$0xC690]  }
0xc8: {  	v46 =	vld [tilespmem:s29+$0x106A0]  }
0xc9: {  	v47 =	vld [tilespmem:s29+$0x10680];
	_ =	sdelay $0x3  }
0xca: {  	v3 =	vmul.f32 v3, v43;
	v4 =	vmul.f32 v45, v42  }
0xcb: {  	v48 =	vmul.f32 v44, v46;
	v2 =	vmul.f32 v2, v47;
	_ =	sdelay $0x1  }
0xcc: {  	v3 =	vadd.f32 v3, v48;
	v2 =	vadd.f32 v4, v2;
	_ =	sdelay $0x1  }
0xcd: {  	v2 =	vadd.f32 v3, v2;
	_ =	sdelay $0x1  }
0xce: {  	[tilespmem:s31+$0xFFFFFFE0] =	vst v2  }
0xcf: {  	v2 =	vld [tilespmem:s29+$0xC6C0]  }
0xd0: {  	v3 =	vld [tilespmem:s29+$0xC6F0]  }
0xd1: {  	v49 =	vld [tilespmem:s29+$0xC6D0]  }
0xd2: {  	v50 =	vld [tilespmem:s29+$0x106D0]  }
0xd3: {  	v51 =	vld [tilespmem:s29+$0x106F0]  }
0xd4: {  	v52 =	vld [tilespmem:s29+$0xC6E0]  }
0xd5: {  	v53 =	vld [tilespmem:s29+$0x106E0]  }
0xd6: {  	v54 =	vld [tilespmem:s29+$0x106C0];
	_ =	sdelay $0x3  }
0xd7: {  	v4 =	vmul.f32 v49, v50;
	v3 =	vmul.f32 v3, v51  }
0xd8: {  	v55 =	vmul.f32 v52, v53;
	v2 =	vmul.f32 v2, v54;
	_ =	sdelay $0x1  }
0xd9: {  	v3 =	vadd.f32 v3, v55;
	v2 =	vadd.f32 v4, v2;
	_ =	sdelay $0x1  }
0xda: {  	v2 =	vadd.f32 v3, v2;
	_ =	sdelay $0x1  }
0xdb: {  	[tilespmem:s31+$0xFFFFFFF0] =	vst v2  }
0xdc: {  	v2 =	vld [tilespmem:s29+$0xC700]  }
0xdd: {  	v3 =	vld [tilespmem:s29+$0xC730]  }
0xde: {  	v56 =	vld [tilespmem:s29+$0x10730]  }
0xdf: {  	v57 =	vld [tilespmem:s29+$0xC710]  }
0xe0: {  	v58 =	vld [tilespmem:s29+$0xC720]  }
0xe1: {  	v59 =	vld [tilespmem:s29+$0x10710]  }
0xe2: {  	v60 =	vld [tilespmem:s29+$0x10700]  }
0xe3: {  	v61 =	vld [tilespmem:s29+$0x10720];
	_ =	sdelay $0x3  }
0xe4: {  	v3 =	vmul.f32 v3, v56;
	v62 =	vmul.f32 v57, v59  }
0xe5: {  	v2 =	vmul.f32 v2, v60;
	v63 =	vmul.f32 v58, v61;
	_ =	sdelay $0x1  }
0xe6: {  	v2 =	vadd.f32 v62, v2;
	v3 =	vadd.f32 v3, v63;
	_ =	sdelay $0x1  }
0xe7: {  	v2 =	vadd.f32 v3, v2;
	_ =	sdelay $0x1  }
0xe8: {  	s20 =	simm.s32 $0x800;
	s9 =	simm.s32 $0x14640;
	[tilespmem:s31+$0x0] =	vst v2  }
.LBB2_5:
0xe9: {  	p0 =	sne.s32 s20, $0xF800  }
0xea: {  	s31 =	sadd.s32 $0x80, s31;
	s21 =	smov.u32 s20;
	s20 =	sadd.s32 $0x800, s20  }
0xeb: {  	_ =	sdelay $0x1  }
0xec: {  	v2 =	vld [tilespmem:s29+$0xC770]  }
0xed: {  	v3 =	vld [tilespmem:s29+$0x10770]  }
0xee: {  	v4 =	vld [tilespmem:s29+$0xC760]  }
0xef: {  	v5 =	vld [tilespmem:s29+$0x10760]  }
0xf0: {  	v6 =	vld [tilespmem:s29+$0xC750]  }
0xf1: {  	v7 =	vld [tilespmem:s29+$0x10750]  }
0xf2: {  	v8 =	vld [tilespmem:s29+$0xC740]  }
0xf3: {  	v9 =	vld [tilespmem:s29+$0x10740]  }
0xf4: {  	v4 =	vmul.f32 v4, v5;
	_ =	sdelay $0x2  }
0xf5: {  	v2 =	vmul.f32 v2, v3  }
0xf6: {  	v5 =	vmul.f32 v6, v7;
	v3 =	vmul.f32 v8, v9;
	_ =	sdelay $0x1  }
0xf7: {  	v2 =	vadd.f32 v2, v4;
	v3 =	vadd.f32 v5, v3;
	_ =	sdelay $0x1  }
0xf8: {  	v2 =	vadd.f32 v2, v3;
	_ =	sdelay $0x1  }
0xf9: {  	[tilespmem:s9+$0x10] =	vst v2  }
0xfa: {  	v2 =	vld [tilespmem:s29+$0xC7B0]  }
0xfb: {  	v3 =	vld [tilespmem:s29+$0xC790]  }
0xfc: {  	v4 =	vld [tilespmem:s29+$0xC7A0]  }
0xfd: {  	v5 =	vld [tilespmem:s29+$0x10790]  }
0xfe: {  	v6 =	vld [tilespmem:s29+$0x10780]  }
0xff: {  	v7 =	vld [tilespmem:s29+$0x107B0]  }
0x100: {  	v8 =	vld [tilespmem:s29+$0x107A0]  }
0x101: {  	v9 =	vld [tilespmem:s29+$0xC780];
	_ =	sdelay $0x2  }
0x102: {  	v3 =	vmul.f32 v3, v5;
	v2 =	vmul.f32 v2, v7  }
0x103: {  	v4 =	vmul.f32 v4, v8  }
0x104: {  	v5 =	vmul.f32 v9, v6;
	_ =	sdelay $0x1  }
0x105: {  	v2 =	vadd.f32 v2, v4;
	v3 =	vadd.f32 v3, v5;
	_ =	sdelay $0x1  }
0x106: {  	v2 =	vadd.f32 v2, v3;
	_ =	sdelay $0x1  }
0x107: {  	[tilespmem:s9+$0x20] =	vst v2  }
0x108: {  	v2 =	vld [tilespmem:s29+$0x107C0]  }
0x109: {  	v3 =	vld [tilespmem:s29+$0xC7F0]  }
0x10a: {  	v4 =	vld [tilespmem:s29+$0xC7E0]  }
0x10b: {  	v5 =	vld [tilespmem:s29+$0x107F0]  }
0x10c: {  	v6 =	vld [tilespmem:s29+$0xC7C0]  }
0x10d: {  	v7 =	vld [tilespmem:s29+$0xC7D0]  }
0x10e: {  	v8 =	vld [tilespmem:s29+$0x107D0]  }
0x10f: {  	v9 =	vld [tilespmem:s29+$0x107E0];
	_ =	sdelay $0x1  }
0x110: {  	v2 =	vmul.f32 v6, v2  }
0x111: {  	v3 =	vmul.f32 v3, v5  }
0x112: {  	v5 =	vmul.f32 v7, v8  }
0x113: {  	v4 =	vmul.f32 v4, v9  }
0x114: {  	v2 =	vadd.f32 v5, v2  }
0x115: {  	v3 =	vadd.f32 v3, v4;
	_ =	sdelay $0x1  }
0x116: {  	v2 =	vadd.f32 v3, v2;
	_ =	sdelay $0x1  }
0x117: {  	s29 =	sshra.s32 s21, $0x2;
	[tilespmem:s9+$0x30] =	vst v2;
	s9 =	smov.u32 s31  }
0x118: {  	v2 =	vld [tilespmem:s29+$0xC630]  }
0x119: {  	v3 =	vld [tilespmem:s29+$0xC610]  }
0x11a: {  	v4 =	vld [tilespmem:s29+$0xC620]  }
0x11b: {  	v5 =	vld [tilespmem:s29+$0x10610]  }
0x11c: {  	v6 =	vld [tilespmem:s29+$0x10600]  }
0x11d: {  	v7 =	vld [tilespmem:s29+$0x10630]  }
0x11e: {  	v8 =	vld [tilespmem:s29+$0x10620]  }
0x11f: {  	v9 =	vld [tilespmem:s29+$0xC600];
	_ =	sdelay $0x2  }
0x120: {  	v3 =	vmul.f32 v3, v5;
	v2 =	vmul.f32 v2, v7  }
0x121: {  	v4 =	vmul.f32 v4, v8  }
0x122: {  	v5 =	vmul.f32 v9, v6;
	_ =	sdelay $0x1  }
0x123: {  	v2 =	vadd.f32 v2, v4;
	v3 =	vadd.f32 v3, v5;
	_ =	sdelay $0x1  }
0x124: {  	v2 =	vadd.f32 v2, v3;
	_ =	sdelay $0x1  }
0x125: {  	[tilespmem:s31+$0xFFFFFFC0] =	vst v2  }
0x126: {  	v2 =	vld [tilespmem:s29+$0xC670]  }
0x127: {  	v3 =	vld [tilespmem:s29+$0x10670]  }
0x128: {  	v4 =	vld [tilespmem:s29+$0xC650]  }
0x129: {  	v5 =	vld [tilespmem:s29+$0xC640]  }
0x12a: {  	v6 =	vld [tilespmem:s29+$0x10660]  }
0x12b: {  	v7 =	vld [tilespmem:s29+$0xC660]  }
0x12c: {  	v8 =	vld [tilespmem:s29+$0x10650];
	v2 =	vmul.f32 v2, v3  }
0x12d: {  	v3 =	vld [tilespmem:s29+$0x10640];
	_ =	sdelay $0x2  }
0x12e: {  	v6 =	vmul.f32 v7, v6  }
0x12f: {  	v4 =	vmul.f32 v4, v8  }
0x130: {  	v3 =	vmul.f32 v5, v3;
	v2 =	vadd.f32 v2, v6;
	_ =	sdelay $0x1  }
0x131: {  	v3 =	vadd.f32 v4, v3;
	_ =	sdelay $0x1  }
0x132: {  	v2 =	vadd.f32 v2, v3;
	_ =	sdelay $0x1  }
0x133: {  	[tilespmem:s31+$0xFFFFFFD0] =	vst v2  }
0x134: {  	v2 =	vld [tilespmem:s29+$0xC680]  }
0x135: {  	v3 =	vld [tilespmem:s29+$0xC6B0]  }
0x136: {  	v4 =	vld [tilespmem:s29+$0x10690]  }
0x137: {  	v5 =	vld [tilespmem:s29+$0x106B0]  }
0x138: {  	v6 =	vld [tilespmem:s29+$0xC6A0]  }
0x139: {  	v7 =	vld [tilespmem:s29+$0xC690]  }
0x13a: {  	v8 =	vld [tilespmem:s29+$0x106A0]  }
0x13b: {  	v9 =	vld [tilespmem:s29+$0x10680]  }
0x13c: {  	v3 =	vmul.f32 v3, v5;
	_ =	sdelay $0x1  }
0x13d: {  	v4 =	vmul.f32 v7, v4  }
0x13e: {  	v5 =	vmul.f32 v6, v8  }
0x13f: {  	v2 =	vmul.f32 v2, v9  }
0x140: {  	v3 =	vadd.f32 v3, v5  }
0x141: {  	v2 =	vadd.f32 v4, v2;
	_ =	sdelay $0x1  }
0x142: {  	v2 =	vadd.f32 v3, v2;
	_ =	sdelay $0x1  }
0x143: {  	[tilespmem:s31+$0xFFFFFFE0] =	vst v2  }
0x144: {  	v2 =	vld [tilespmem:s29+$0xC6C0]  }
0x145: {  	v3 =	vld [tilespmem:s29+$0xC6F0]  }
0x146: {  	v4 =	vld [tilespmem:s29+$0xC6D0]  }
0x147: {  	v5 =	vld [tilespmem:s29+$0x106D0]  }
0x148: {  	v6 =	vld [tilespmem:s29+$0x106F0]  }
0x149: {  	v7 =	vld [tilespmem:s29+$0xC6E0]  }
0x14a: {  	v8 =	vld [tilespmem:s29+$0x106E0]  }
0x14b: {  	v9 =	vld [tilespmem:s29+$0x106C0]  }
0x14c: {  	v4 =	vmul.f32 v4, v5  }
0x14d: {  	v3 =	vmul.f32 v3, v6;
	_ =	sdelay $0x1  }
0x14e: {  	v5 =	vmul.f32 v7, v8  }
0x14f: {  	v2 =	vmul.f32 v2, v9  }
0x150: {  	v3 =	vadd.f32 v3, v5  }
0x151: {  	v2 =	vadd.f32 v4, v2;
	_ =	sdelay $0x1  }
0x152: {  	v2 =	vadd.f32 v3, v2;
	_ =	sdelay $0x1  }
0x153: {  	[tilespmem:s31+$0xFFFFFFF0] =	vst v2  }
0x154: {  	v2 =	vld [tilespmem:s29+$0xC700]  }
0x155: {  	v3 =	vld [tilespmem:s29+$0xC730]  }
0x156: {  	v4 =	vld [tilespmem:s29+$0x10730]  }
0x157: {  	v5 =	vld [tilespmem:s29+$0xC710]  }
0x158: {  	v6 =	vld [tilespmem:s29+$0xC720]  }
0x159: {  	v7 =	vld [tilespmem:s29+$0x10710]  }
0x15a: {  	v8 =	vld [tilespmem:s29+$0x10700]  }
0x15b: {  	v9 =	vld [tilespmem:s29+$0x10720];
	v3 =	vmul.f32 v3, v4;
	_ =	sdelay $0x2  }
0x15c: {  	v4 =	vmul.f32 v5, v7  }
0x15d: {  	v2 =	vmul.f32 v2, v8  }
0x15e: {  	v5 =	vmul.f32 v6, v9;
	_ =	sdelay $0x1  }
.Ltmp1:
0x15f: {  	v2 =	vadd.f32 v4, v2;
	v3 =	vadd.f32 v3, v5;
	(pc) =	sbr.rel @p0 .LBB2_5-.Ltmp1, $3  }
0x160: {  	_ = 	snop  }
0x161: {  	v2 =	vadd.f32 v3, v2;
	_ =	sdelay $0x1  }
0x162: {  	[tilespmem:s31+$0x0] =	vst v2  }
0x163: {  	v2 =	vld [tilespmem:s29+$0xC770]  }
0x164: {  	v3 =	vld [tilespmem:s29+$0x10770]  }
0x165: {  	v4 =	vld [tilespmem:s29+$0xC760]  }
0x166: {  	v5 =	vld [tilespmem:s29+$0x10760]  }
0x167: {  	v6 =	vld [tilespmem:s29+$0xC750]  }
0x168: {  	v7 =	vld [tilespmem:s29+$0x10750]  }
0x169: {  	v8 =	vld [tilespmem:s29+$0xC740]  }
0x16a: {  	v9 =	vld [tilespmem:s29+$0x10740];
	_ =	sdelay $0x3  }
0x16b: {  	v4 =	vmul.f32 v4, v5;
	v2 =	vmul.f32 v2, v3  }
0x16c: {  	v3 =	vmul.f32 v8, v9;
	v49 =	vmul.f32 v6, v7;
	_ =	sdelay $0x1  }
0x16d: {  	v3 =	vadd.f32 v49, v3;
	v2 =	vadd.f32 v2, v4;
	_ =	sdelay $0x1  }
0x16e: {  	v2 =	vadd.f32 v2, v3;
	_ =	sdelay $0x1  }
0x16f: {  	[tilespmem:s9+$0x10] =	vst v2  }
0x170: {  	v2 =	vld [tilespmem:s29+$0xC7B0]  }
0x171: {  	v3 =	vld [tilespmem:s29+$0xC790]  }
0x172: {  	v50 =	vld [tilespmem:s29+$0xC7A0]  }
0x173: {  	v51 =	vld [tilespmem:s29+$0x10790]  }
0x174: {  	v52 =	vld [tilespmem:s29+$0x10780]  }
0x175: {  	v53 =	vld [tilespmem:s29+$0x107B0]  }
0x176: {  	v54 =	vld [tilespmem:s29+$0x107A0]  }
0x177: {  	v55 =	vld [tilespmem:s29+$0xC780];
	_ =	sdelay $0x3  }
0x178: {  	v3 =	vmul.f32 v3, v51;
	v2 =	vmul.f32 v2, v53  }
0x179: {  	v4 =	vmul.f32 v50, v54;
	v56 =	vmul.f32 v55, v52;
	_ =	sdelay $0x1  }
0x17a: {  	v3 =	vadd.f32 v3, v56;
	v2 =	vadd.f32 v2, v4;
	_ =	sdelay $0x1  }
0x17b: {  	v2 =	vadd.f32 v2, v3;
	_ =	sdelay $0x1  }
0x17c: {  	[tilespmem:s9+$0x20] =	vst v2  }
0x17d: {  	v2 =	vld [tilespmem:s29+$0x107C0]  }
0x17e: {  	v3 =	vld [tilespmem:s29+$0xC7F0]  }
0x17f: {  	v57 =	vld [tilespmem:s29+$0xC7E0]  }
0x180: {  	v58 =	vld [tilespmem:s29+$0x107F0]  }
0x181: {  	v59 =	vld [tilespmem:s29+$0xC7C0]  }
0x182: {  	v60 =	vld [tilespmem:s29+$0xC7D0]  }
0x183: {  	v61 =	vld [tilespmem:s29+$0x107D0]  }
0x184: {  	v62 =	vld [tilespmem:s29+$0x107E0];
	_ =	sdelay $0x3  }
0x185: {  	v2 =	vmul.f32 v59, v2;
	v3 =	vmul.f32 v3, v58  }
0x186: {  	v63 =	vmul.f32 v60, v61;
	v4 =	vmul.f32 v57, v62;
	_ =	sdelay $0x1  }
0x187: {  	v2 =	vadd.f32 v63, v2;
	v3 =	vadd.f32 v3, v4;
	_ =	sdelay $0x1  }
0x188: {  	v2 =	vadd.f32 v3, v2;
	_ =	sdelay $0x1  }
0x189: {  	[tilespmem:s9+$0x30] =	vst v2  }
0x18a: {  	[spmem:s1] =	stream.indirect.scatter.add.f32 [tilespmem:s19], [sflag:$0x2], $0x10, s12, s14, $0xb8;
	[tilespmem:$0x17CC8] =	vst v63  }
0x18b: {  	_ =	swait.ge [sflag:s5], $0x800  }
0x18c: {  	[sflag:s5] =	ssyncset.done $0x0  }
0x18d: {  	[sflag:s5] =	ssyncadd.s32 $0xFFFFF800  }
0x18e: {  	[spmem:s2] =	stream.indirect.scatter.add.f32 [tilespmem:s22], [sflag:$0x2], $0x1, s12, s14, $0xb8;
	[tilespmem:$0x17CC8] =	vst v63  }
0x18f: {  	_ =	swait.ge [sflag:s5], $0x80  }
0x190: {  	[sflag:s5] =	ssyncset.done $0x0  }
0x191: {  	[sflag:s5] =	ssyncadd.s32 $0xFFFFFF80  }
0x192: {  	[spmem:s1] =	stream.indirect.scatter.add.f32 [tilespmem:s25], [sflag:$0x2], $0x10, s24, s14, $0xb8;
	[tilespmem:$0x17CC8] =	vst v63  }
0x193: {  	s28 =	sadd.s32 $0x1, s28;
	_ =	swait.ge [sflag:s5], $0x800  }
0x194: {  	p0 =	sne.s32 s28, $0x62;
	[sflag:s5] =	ssyncset.done $0x0  }
.Ltmp2:
0x195: {  	[sflag:s5] =	ssyncadd.s32 $0xFFFFF800;
	(pc) =	sbr.rel @p0 .LBB2_4-.Ltmp2, $4  }
0x196: {  	[spmem:s2] =	stream.indirect.scatter.add.f32 [tilespmem:s22], [sflag:$0x2], $0x1, s24, s14, $0xb8;
	[tilespmem:$0x17CC8] =	vst v63  }
0x197: {  	_ =	swait.ge [sflag:s5], $0x80  }
0x198: {  	[sflag:s5] =	ssyncset.done $0x0  }
0x199: {  	[sflag:s5] =	ssyncadd.s32 $0xFFFFFF80  }
0x19a: {  	s9 =	stileid.u32  }
0x19b: {  	[bflag:$0x0] =	sbarrier.arrive $0xFFFF;
	s9 =	sshll.u32 s9, $0x6  }
0x19c: {  	s20 =	sshrl.u32 s23, $0x3;
	s31 =	rddreg [dreg:$0x9];
	s9 =	sor.u32 $0x1C02, s9  }
0x19d: {  	[hbm:s31], [sflag:s9] =	dma.local [spmem:s20], $0xC40  }
0x19e: {  	_ =	swait.ge [sflag:s5], $0xC40  }
0x19f: {  	[sflag:s5] =	ssyncset.done $0x0;
	s29 =	rddreg [dreg:$0x12]  }
0x1a0: {  	s31 =	rddreg [dreg:$0xb];
	[sflag:s5] =	ssyncadd.s32 $0xFFFFF3C0;
	s26 =	sshrl.u32 s29, $0x3  }
0x1a1: {  	[hbm:s31], [sflag:s9] =	dma.local [spmem:s26], $0xC4  }
0x1a2: {  	_ =	swait.ge [sflag:s5], $0xC4  }
0x1a3: {  	s21 =	smov.u32 s23;
	[sflag:s5] =	ssyncset.done $0x0;
	s26 =	rddreg [dreg:$0xf]  }
0x1a4: {  	s31 =	rddreg [dreg:$0xa];
	[sflag:s5] =	ssyncadd.s32 $0xFFFFFF3C;
	s23 =	sshrl.u32 s26, $0x3  }
0x1a5: {  	[hbm:s31], [sflag:s9] =	dma.local [spmem:s23], $0xC40  }
0x1a6: {  	_ =	swait.ge [sflag:s5], $0xC40  }
0x1a7: {  	[sflag:s5] =	ssyncset.done $0x0;
	s28 =	rddreg [dreg:$0x10]  }
0x1a8: {  	s31 =	rddreg [dreg:$0xc];
	[sflag:s5] =	ssyncadd.s32 $0xFFFFF3C0;
	s23 =	sshrl.u32 s28, $0x3  }
0x1a9: {  	[hbm:s31], [sflag:s9] =	dma.local [spmem:s23], $0xC4  }
0x1aa: {  	_ =	swait.ge [sflag:s5], $0xC4  }
0x1ab: {  	s3 =	sadd.s32 $0x1, s3;
	s31 =	rddreg [dreg:$0x18]  }
0x1ac: {  	p0 =	sne.s32 s3, s31  }
.Ltmp3:
0x1ad: {  	_ = 	snop;
	(pc) =	sbr.rel @p0 .LBB2_1-.Ltmp3, $3  }
0x1ae: {  	_ =	sdelay $0x1  }
0x1af: {  	[sflag:s5] =	ssyncset.done $0x0  }
0x1b0: {  	[sflag:s5] =	ssyncadd.s32 $0xFFFFFF3C  }
0x1b1: {  	_ =	sfence.sel $0x180000  }
0x1b2: {  	[bflag:$0x0] =	sbarrier.arrive $0xFFFF  }
0x1b3: {  	_ =	strace $0x90000047  }
0x1b4: {  	s0 =	stileid.u32;
	[bflag:$0x2] =	sbarrier.arrive $0xFFFF  }
0x1b5: {  	p0 =	sne.s32 s0, $0x0;
	s0 =	rddreg [dreg:$0x4]  }
0x1b6: {  	s0 =	sadd.s32 @!p0 $0x100000, s0  }
0x1b7: {  	[sflag:s0] =	ssyncadd.tile.s32 @!p0 $0x1;
	_ =	shalt  }
.Lfunc_end2:
_tile_overlayer_lowered:
.L_overlay_start_2:
0x1b8: {  	(tag) =	ssettag $0x2  }
0x1b9: {  	s0 =	rddreg [dreg:$0x0];
	s2 =	stileid.u32  }
0x1ba: {  	s1 =	rddreg [dreg:$0x1];
	p0 =	sne.s32 s2, $0x0  }
0x1bb: {  	s3 =	rddreg [dreg:$0x2];
	[bflag:$0x3] =	sbarrier.arrive $0xFFFF;
	s2 =	simm.s32 @!p0 $0x1C02  }
0x1bc: {  	[timem:s3], [sflag:s2] =	dma.local @!p0 [hbm:s0], s1  }
0x1bd: {  	s0 =	simm.s32 @!p0 $0x2  }
0x1be: {  	_ =	swait.ge @!p0 [sflag:s0], s1  }
0x1bf: {  	s1 =	ssub.s32 @!p0 $0x0, s1;
	[sflag:s0] =	ssyncset.done @!p0 $0x0  }
0x1c0: {  	[sflag:s0] =	ssyncadd.s32 @!p0 s1  }
0x1c1: {  	[bflag:$0x3] =	sbarrier.arrive $0xFFFF  }
0x1c2: {  	_ =	shalt  }

</sc_bundles>
